<compile_context>
chip_gen: v7x
topology: tpu7x:2x2x1
jax: 0.10.2.dev20260603
libtpu: 0.0.44.dev20260713+nightly
codegen_flags: <defaults>
</compile_context>

<pallas_src>
import functools

import jax
import jax.numpy as jnp
from jax import lax
from jax.experimental import pallas as pl
from jax.experimental.pallas import tpu as pltpu
from jax.experimental.pallas import tpu_sc as plsc

N = 10000
E = 320000
D_IN = 128
D_HID = 128
D_OUT = 64

NC = 2
NS = 16
CH = 128
CPT = 160
EP = NS * CPT * CH
SPLIT = 6000
NACC = 6144
TRASH = 6100
STRIPE = NACC // NS
RB = 400
SB = SPLIT // RB


def _sc_mesh():
    return plsc.VectorSubcoreMesh(
        core_axis_name="c", subcore_axis_name="s", num_cores=NC, num_subcores=NS
    )


def _zero_acc(acc, zeros, zb, s):
    pltpu.sync_copy(zeros, zb)
    for k in range(NACC // NS // 128):
        pltpu.sync_copy(zb, acc.at[pl.ds((s * (NACC // NS // 128) + k) * 128, 128)])


def _copy_out(acc, out, c, s):
    pltpu.sync_copy(
        acc.at[pl.ds(s * STRIPE, STRIPE)], out.at[c].at[pl.ds(s * STRIPE, STRIPE)]
    )


def _remap_dst(didx, c, s):
    base = c * SPLIT
    trash = (SPLIT - c * 1700) + s
    lim = (SPLIT + c * (NACC - SPLIT)).astype(jnp.uint32)

    @pl.loop(0, CPT)
    def _(g):
        for k in range(CH // 16):
            t = didx[g, pl.ds(k * 16, 16)] - base
            keep = t.astype(jnp.uint32) < lim
            didx[g, pl.ds(k * 16, 16)] = jnp.where(keep, t, trash)


def _split_map(i):
    return jnp.where(i < SB, 0, 1), jnp.where(i < SB, i, i - SB)


@functools.lru_cache(maxsize=None)
def _make_deg_kernel():
    @functools.partial(
        pl.kernel,
        out_type=jax.ShapeDtypeStruct((NC, NACC, 16), jnp.float32),
        mesh=_sc_mesh(),
        scratch_types=[
            pltpu.VMEM((CPT, CH), jnp.int32),
            pltpu.VMEM((CH, 16), jnp.float32),
            pltpu.VMEM((128, 16), jnp.float32),
            pltpu.VMEM_SHARED((NACC, 16), jnp.float32),
            pltpu.SemaphoreType.DMA,
            pltpu.SemaphoreType.DMA,
            pltpu.SemaphoreType.DMA,
            pltpu.SemaphoreType.DMA,
        ],
    )
    def deg_kernel(dst3, ones, zeros, out, didx, ones_v, zb, acc, s0, s1, s2, s3):
        c = lax.axis_index("c")
        s = lax.axis_index("s")
        pltpu.sync_copy(dst3.at[s], didx)
        _remap_dst(didx, c, s)
        pltpu.sync_copy(ones, ones_v)
        _zero_acc(acc, zeros, zb, s)
        plsc.subcore_barrier()

        sems = (s0, s1, s2, s3)
        for j in range(4):
            pltpu.async_copy(ones_v, acc.at[didx.at[j]], sems[j], add=True)

        @pl.loop(4, CPT, step=4)
        def _(g):
            for j in range(4):
                pltpu.make_async_copy(ones_v, acc.at[didx.at[g - 4 + j]], sems[j]).wait()
                pltpu.async_copy(ones_v, acc.at[didx.at[g + j]], sems[j], add=True)

        for j in range(4):
            pltpu.make_async_copy(ones_v, acc.at[didx.at[CPT - 4 + j]], sems[j]).wait()

        plsc.subcore_barrier()
        _copy_out(acc, out, c, s)

    return deg_kernel


@functools.lru_cache(maxsize=None)
def _make_agg_kernel():
    W = 128

    @functools.partial(
        pl.kernel,
        out_type=jax.ShapeDtypeStruct((NC, NACC, W), jnp.float32),
        mesh=_sc_mesh(),
        scratch_types=[
            pltpu.VMEM((CPT, CH), jnp.int32),
            pltpu.VMEM((CPT, CH), jnp.int32),
            pltpu.VMEM((2, CH, W), jnp.float32),
            pltpu.VMEM_SHARED((NACC, W), jnp.float32),
            pltpu.SemaphoreType.DMA,
            pltpu.SemaphoreType.DMA,
        ],
    )
    def agg_kernel(table, src3, dst3, out, sidx, didx, rows, acc, sem0, sem1):
        c = lax.axis_index("c")
        s = lax.axis_index("s")
        pltpu.sync_copy(src3.at[s], sidx)
        pltpu.sync_copy(dst3.at[s], didx)
        _remap_dst(didx, c, s)

        @pl.loop(0, CH)
        def _(r):
            for k in range(W // 16):
                rows[0, r, pl.ds(k * 16, 16)] = jnp.zeros((16,), jnp.float32)

        for k in range(NACC // NS // 128):
            pltpu.sync_copy(
                rows.at[0], acc.at[pl.ds((s * (NACC // NS // 128) + k) * 128, 128)]
            )
        plsc.subcore_barrier()

        sems = (sem0, sem1)
        for b in range(2):
            pltpu.async_copy(table.at[sidx.at[b]], rows.at[b], sems[b])

        @pl.loop(0, CPT - 2, step=2)
        def _(g):
            for b in range(2):
                ch = g + b
                pltpu.make_async_copy(
                    table.at[sidx.at[ch]], rows.at[b], sems[b]
                ).wait()
                pltpu.sync_copy(rows.at[b], acc.at[didx.at[ch]], add=True)
                pltpu.async_copy(table.at[sidx.at[ch + 2]], rows.at[b], sems[b])

        for b in range(2):
            ch = CPT - 2 + b
            pltpu.make_async_copy(table.at[sidx.at[ch]], rows.at[b], sems[b]).wait()
            pltpu.sync_copy(rows.at[b], acc.at[didx.at[ch]], add=True)

        plsc.subcore_barrier()
        _copy_out(acc, out, c, s)

    return agg_kernel


def _norm_from_deg(dblk):
    return lax.rsqrt(jnp.maximum(dblk[0, :, 0:1], 1.0))


def _dense1_body(x_ref, w_ref, d_ref, out_ref):
    norm = _norm_from_deg(d_ref[...])
    out_ref[...] = (
        jnp.dot(x_ref[...], w_ref[...], preferred_element_type=jnp.float32) * norm
    )


def _dense2_body(a_ref, d_ref, b1_ref, w_ref, out_ref):
    norm = _norm_from_deg(d_ref[...])
    h1 = jax.nn.relu(a_ref[0] * norm + b1_ref[...])
    h2 = jnp.dot(h1, w_ref[...], preferred_element_type=jnp.float32) * norm
    out_ref[:, 0:64] = h2
    out_ref[:, 64:128] = jnp.zeros_like(h2)


def _dense3_body(a_ref, d_ref, b2_ref, out_ref):
    norm = _norm_from_deg(d_ref[...])
    out_ref[...] = jax.nn.relu(a_ref[0, :, 0:64] * norm + b2_ref[...])


def _dense1(x, w1, deg):
    return pl.pallas_call(
        _dense1_body,
        grid=(N // RB,),
        in_specs=[
            pl.BlockSpec((RB, D_IN), lambda i: (i, 0)),
            pl.BlockSpec((D_IN, D_HID), lambda i: (0, 0)),
            pl.BlockSpec((1, RB, 16), lambda i: (*_split_map(i), 0)),
        ],
        out_specs=pl.BlockSpec((RB, D_HID), lambda i: (i, 0)),
        out_shape=jax.ShapeDtypeStruct((N, D_HID), jnp.float32),
    )(x, w1, deg)


def _dense2(agg1, deg, b1, w2):
    return pl.pallas_call(
        _dense2_body,
        grid=(N // RB,),
        in_specs=[
            pl.BlockSpec((1, RB, 128), lambda i: (*_split_map(i), 0)),
            pl.BlockSpec((1, RB, 16), lambda i: (*_split_map(i), 0)),
            pl.BlockSpec((1, D_HID), lambda i: (0, 0)),
            pl.BlockSpec((D_HID, D_OUT), lambda i: (0, 0)),
        ],
        out_specs=pl.BlockSpec((RB, 128), lambda i: (i, 0)),
        out_shape=jax.ShapeDtypeStruct((N, 128), jnp.float32),
    )(agg1, deg, b1, w2)


def _dense3(agg2, deg, b2):
    return pl.pallas_call(
        _dense3_body,
        grid=(N // RB,),
        in_specs=[
            pl.BlockSpec((1, RB, 128), lambda i: (*_split_map(i), 0)),
            pl.BlockSpec((1, RB, 16), lambda i: (*_split_map(i), 0)),
            pl.BlockSpec((1, D_OUT), lambda i: (0, 0)),
        ],
        out_specs=pl.BlockSpec((RB, D_OUT), lambda i: (0, 0)),
        out_shape=jax.ShapeDtypeStruct((N, D_OUT), jnp.float32),
    )(agg2, deg, b2)


def kernel(features, edge_index, W1, b1, W2, b2):
    src = edge_index[0]
    dst = edge_index[1]
    pad = EP - E
    srcp = jnp.concatenate([src, jnp.zeros((pad,), jnp.int32)])
    dstp = jnp.concatenate([dst, jnp.full((pad,), N, jnp.int32)])
    src3 = srcp.reshape(NS, CPT, CH)
    dst3 = dstp.reshape(NS, CPT, CH)
    ones16 = jnp.ones((CH, 16), jnp.float32)
    z16 = jnp.zeros((128, 16), jnp.float32)

    deg = _make_deg_kernel()(dst3, ones16, z16)
    hs1 = _dense1(features, W1, deg)
    agg1 = _make_agg_kernel()(hs1, src3, dst3)
    hs2 = _dense2(agg1, deg, b1.reshape(1, D_HID), W2)
    agg2 = _make_agg_kernel()(hs2, src3, dst3)
    return _dense3(agg2, deg, b2.reshape(1, D_OUT))

# --- scband reference (transcript-rebuilt; emitter-appended) ---
"""Pipeline reference for scband-gcn-26079041421463 (READ-ONLY COPY).

The authoritative reference and input builder live on the scoring server;
editing this copy changes nothing except your own understanding.
"""

import jax, jax.numpy as jnp
import numpy as np

N = 10000
E = 320000
D_IN = 128
D_HID = 128
D_OUT = 64


def setup_inputs(seed: int = 0) -> dict:
    key = jax.random.key(seed)
    k1, k2, k3, k4, k5, k6 = jax.random.split(key, 6)
    features = jax.random.normal(k1, (N, D_IN), dtype=jnp.float32)
    edge_index = jax.random.randint(k2, (2, E), 0, N, dtype=jnp.int32)
    W1 = jax.random.normal(k3, (D_IN, D_HID), dtype=jnp.float32) * (1.0 / np.sqrt(D_IN))
    b1 = jnp.zeros((D_HID,), dtype=jnp.float32)
    W2 = jax.random.normal(k4, (D_HID, D_OUT), dtype=jnp.float32) * (1.0 / np.sqrt(D_HID))
    b2 = jnp.zeros((D_OUT,), dtype=jnp.float32)
    return {"features": features, "edge_index": edge_index, "W1": W1, "b1": b1, "W2": W2, "b2": b2}


def _gcn_layer(h, src, dst, norm, W, b):
    # GCNLayer: linear transform, symmetric-normalized sum aggregation, bias, ReLU
    h = h @ W
    h = h * norm  # D^{-1/2} on source side
    m = jnp.take(h, src, axis=0)  # gather messages along edges
    agg = jax.ops.segment_sum(m, dst, num_segments=N)  # scatter-add to dst nodes
    out = agg * norm + b  # D^{-1/2} on dst side + bias
    return jax.nn.relu(out)


def reference(features, edge_index, W1, b1, W2, b2):
    src = edge_index[0]
    dst = edge_index[1]
    deg = jax.ops.segment_sum(jnp.ones((E,), dtype=jnp.float32), dst, num_segments=N)
    norm = (1.0 / jnp.sqrt(jnp.clip(deg, 1.0)))[:, None]
    h = _gcn_layer(features, src, dst, norm, W1, b1)
    h = _gcn_layer(h, src, dst, norm, W2, b2)
    return h

if __name__ == "__main__":
    import jax
    _d = setup_inputs()
    print(jax.jit(kernel)(*tuple(_d.values())))

</pallas_src>

<mosaic_0001>
#map = affine_map<(d0, d1) -> (0, 0, 0)>
#map1 = affine_map<(d0, d1) -> (0, 0)>
module attributes {stable_mosaic.version = 14 : i64} {
  func.func @deg_kernel(%arg0: i32, %arg1: i32, %arg2: memref<16x160x128xi32, #tpu.memory_space<hbm>>, %arg3: memref<128x16xf32, #tpu.memory_space<hbm>>, %arg4: memref<128x16xf32, #tpu.memory_space<hbm>>, %arg5: memref<2x6144x16xf32, #tpu.memory_space<hbm>>, %arg6: memref<160x128xi32, #tpu.memory_space<vmem>>, %arg7: memref<128x16xf32, #tpu.memory_space<vmem>>, %arg8: memref<128x16xf32, #tpu.memory_space<vmem>>, %arg9: memref<6144x16xf32, #tpu.memory_space<vmem_shared>>, %arg10: memref<!tpu.dma_semaphore, #tpu.memory_space<semaphore_mem>>, %arg11: memref<!tpu.dma_semaphore, #tpu.memory_space<semaphore_mem>>, %arg12: memref<!tpu.dma_semaphore, #tpu.memory_space<semaphore_mem>>, %arg13: memref<!tpu.dma_semaphore, #tpu.memory_space<semaphore_mem>>) attributes {dimension_semantics = [#tpu.dimension_semantics<core_parallel>, #tpu.dimension_semantics<subcore_parallel>], iteration_bounds = array<i64: 2, 16>, scalar_prefetch = 0 : i64, scratch_operands = 8 : i64, tpu.core_type = #tpu.core_type<sc_vector_subcore>, window_params = [{transform_indices = #map}, {transform_indices = #map1}, {transform_indices = #map1}, {transform_indices = #map}]} {
    "tpu.region"() ({
      %run_scoped3A = tpu.sem_alloc : memref<!tpu.dma_semaphore, #tpu.memory_space<semaphore_mem>>
      %dma_start3A_94 = arith.constant 0 : i32
      %dma_start3A_95 = arith.constant 0 : i32
      %dma_start3A_96 = tpu.memref_slice %arg2[%arg1, %dma_start3A_94, %dma_start3A_95] : memref<16x160x128xi32, #tpu.memory_space<hbm>> -> memref<1x160x128xi32, #tpu.memory_space<hbm>>
      %dma_start3A_97 = tpu.memref_squeeze %dma_start3A_96 : memref<1x160x128xi32, #tpu.memory_space<hbm>> -> memref<160x128xi32, #tpu.memory_space<hbm>>
      %dma_start3A_98 = arith.constant 0 : i32
      %dma_start3A_99 = arith.constant 0 : i32
      %dma_start3A_100 = tpu.memref_slice %arg2[%arg1, %dma_start3A_98, %dma_start3A_99] : memref<16x160x128xi32, #tpu.memory_space<hbm>> -> memref<1x160x128xi32, #tpu.memory_space<hbm>>
      %dma_start3A_101 = tpu.memref_squeeze %dma_start3A_100 : memref<1x160x128xi32, #tpu.memory_space<hbm>> -> memref<160x128xi32, #tpu.memory_space<hbm>>
      tpu.enqueue_dma source(%dma_start3A_101 : memref<160x128xi32, #tpu.memory_space<hbm>>) target(%arg6 : memref<160x128xi32, #tpu.memory_space<vmem>>) target_semaphore(%run_scoped3A : memref<!tpu.dma_semaphore, #tpu.memory_space<semaphore_mem>>)
      %dma_wait3A_102 = arith.constant 0 : i32
      %dma_wait3A_103 = arith.constant 0 : i32
      %dma_wait3A_104 = tpu.memref_slice %arg2[%arg1, %dma_wait3A_102, %dma_wait3A_103] : memref<16x160x128xi32, #tpu.memory_space<hbm>> -> memref<1x160x128xi32, #tpu.memory_space<hbm>>
      %dma_wait3A_105 = tpu.memref_squeeze %dma_wait3A_104 : memref<1x160x128xi32, #tpu.memory_space<hbm>> -> memref<160x128xi32, #tpu.memory_space<hbm>>
      %dma_wait3A_106 = arith.constant 0 : i32
      %dma_wait3A_107 = arith.constant 0 : i32
      %dma_wait3A_108 = tpu.memref_slice %arg2[%arg1, %dma_wait3A_106, %dma_wait3A_107] : memref<16x160x128xi32, #tpu.memory_space<hbm>> -> memref<1x160x128xi32, #tpu.memory_space<hbm>>
      %dma_wait3A_109 = tpu.memref_squeeze %dma_wait3A_108 : memref<1x160x128xi32, #tpu.memory_space<hbm>> -> memref<160x128xi32, #tpu.memory_space<hbm>>
      tpu.wait_dma2 semaphore(%run_scoped3A : memref<!tpu.dma_semaphore, #tpu.memory_space<semaphore_mem>>) src(%dma_wait3A_109 : memref<160x128xi32, #tpu.memory_space<hbm>>) dst(%arg6 : memref<160x128xi32, #tpu.memory_space<vmem>>)
      tpu.yield
    }) : () -> ()
    %mul3A = arith.constant 6000 : i32
    %mul3A_0 = arith.muli %arg0, %mul3A : i32
    %mul3A_1 = arith.constant 1700 : i32
    %mul3A_2 = arith.muli %arg0, %mul3A_1 : i32
    %sub3A = arith.constant 6000 : i32
    %sub3A_3 = arith.subi %sub3A, %mul3A_2 : i32
    %add3A = arith.addi %sub3A_3, %arg1 : i32
    %mul3A_4 = arith.constant 144 : i32
    %mul3A_5 = arith.muli %arg0, %mul3A_4 : i32
    %add3A_6 = arith.constant 6000 : i32
    %add3A_7 = arith.addi %add3A_6, %mul3A_5 : i32
    %scan3A = arith.constant 0 : i32
    %scan3A_8 = arith.constant 160 : i32
    %scan3A_9 = arith.addi %scan3A, %scan3A_8 : i32
    %scan3A_10 = arith.constant 1 : i32
    scf.for %scan3A_94 = %scan3A to %scan3A_9 step %scan3A_10  : i32 {
      %mul3A_95 = arith.constant 1 : i32
      %mul3A_96 = arith.muli %scan3A_94, %mul3A_95 : i32
      %add3A_97 = arith.constant 0 : i32
      %add3A_98 = arith.addi %add3A_97, %mul3A_96 : i32
      %get3A = arith.index_cast %add3A_98 : i32 to index
      %get3A_99 = arith.constant 0 : index
      %get3A_100 = tpu.vector_load %arg6[%get3A, %get3A_99] {strides = array<i32>} : memref<160x128xi32, #tpu.memory_space<vmem>>, vector<1x16xi32>,
      %get3A_101 = vector.shape_cast %get3A_100 : vector<1x16xi32> to vector<16xi32>
      %sub3A_102 = vector.broadcast %mul3A_0 : i32 to vector<16xi32>
      %sub3A_103 = arith.subi %get3A_101, %sub3A_102 : vector<16xi32>
      %lt3A = vector.broadcast %add3A_7 : i32 to vector<16xi32>
      %lt3A_104 = arith.cmpi ult, %sub3A_103, %lt3A : vector<16xi32>
      %broadcast_in_dim3A = vector.broadcast %add3A : i32 to vector<16xi32>
      %select_n3A = arith.select %lt3A_104, %sub3A_103, %broadcast_in_dim3A : vector<16xi1>, vector<16xi32>
      %swap3A = arith.index_cast %add3A_98 : i32 to index
      %swap3A_105 = arith.constant 0 : index
      %swap3A_106 = tpu.vector_load %arg6[%swap3A, %swap3A_105] {strides = array<i32>} : memref<160x128xi32, #tpu.memory_space<vmem>>, vector<1x16xi32>,
      %swap3A_107 = vector.shape_cast %swap3A_106 : vector<1x16xi32> to vector<16xi32>
      %swap3A_108 = vector.shape_cast %select_n3A : vector<16xi32> to vector<1x16xi32>
      tpu.vector_store %arg6[%swap3A, %swap3A_105], %swap3A_108 {strides = array<i32>} : memref<160x128xi32, #tpu.memory_space<vmem>>, vector<1x16xi32>,
      %get3A_109 = arith.index_cast %add3A_98 : i32 to index
      %get3A_110 = arith.constant 16 : index
      %get3A_111 = tpu.vector_load %arg6[%get3A_109, %get3A_110] {strides = array<i32>} : memref<160x128xi32, #tpu.memory_space<vmem>>, vector<1x16xi32>,
      %get3A_112 = vector.shape_cast %get3A_111 : vector<1x16xi32> to vector<16xi32>
      %sub3A_113 = vector.broadcast %mul3A_0 : i32 to vector<16xi32>
      %sub3A_114 = arith.subi %get3A_112, %sub3A_113 : vector<16xi32>
      %lt3A_115 = vector.broadcast %add3A_7 : i32 to vector<16xi32>
      %lt3A_116 = arith.cmpi ult, %sub3A_114, %lt3A_115 : vector<16xi32>
      %broadcast_in_dim3A_117 = vector.broadcast %add3A : i32 to vector<16xi32>
      %select_n3A_118 = arith.select %lt3A_116, %sub3A_114, %broadcast_in_dim3A_117 : vector<16xi1>, vector<16xi32>
      %swap3A_119 = arith.index_cast %add3A_98 : i32 to index
      %swap3A_120 = arith.constant 16 : index
      %swap3A_121 = tpu.vector_load %arg6[%swap3A_119, %swap3A_120] {strides = array<i32>} : memref<160x128xi32, #tpu.memory_space<vmem>>, vector<1x16xi32>,
      %swap3A_122 = vector.shape_cast %swap3A_121 : vector<1x16xi32> to vector<16xi32>
      %swap3A_123 = vector.shape_cast %select_n3A_118 : vector<16xi32> to vector<1x16xi32>
      tpu.vector_store %arg6[%swap3A_119, %swap3A_120], %swap3A_123 {strides = array<i32>} : memref<160x128xi32, #tpu.memory_space<vmem>>, vector<1x16xi32>,
      %get3A_124 = arith.index_cast %add3A_98 : i32 to index
      %get3A_125 = arith.constant 32 : index
      %get3A_126 = tpu.vector_load %arg6[%get3A_124, %get3A_125] {strides = array<i32>} : memref<160x128xi32, #tpu.memory_space<vmem>>, vector<1x16xi32>,
      %get3A_127 = vector.shape_cast %get3A_126 : vector<1x16xi32> to vector<16xi32>
      %sub3A_128 = vector.broadcast %mul3A_0 : i32 to vector<16xi32>
      %sub3A_129 = arith.subi %get3A_127, %sub3A_128 : vector<16xi32>
      %lt3A_130 = vector.broadcast %add3A_7 : i32 to vector<16xi32>
      %lt3A_131 = arith.cmpi ult, %sub3A_129, %lt3A_130 : vector<16xi32>
      %broadcast_in_dim3A_132 = vector.broadcast %add3A : i32 to vector<16xi32>
      %select_n3A_133 = arith.select %lt3A_131, %sub3A_129, %broadcast_in_dim3A_132 : vector<16xi1>, vector<16xi32>
      %swap3A_134 = arith.index_cast %add3A_98 : i32 to index
      %swap3A_135 = arith.constant 32 : index
      %swap3A_136 = tpu.vector_load %arg6[%swap3A_134, %swap3A_135] {strides = array<i32>} : memref<160x128xi32, #tpu.memory_space<vmem>>, vector<1x16xi32>,
      %swap3A_137 = vector.shape_cast %swap3A_136 : vector<1x16xi32> to vector<16xi32>
      %swap3A_138 = vector.shape_cast %select_n3A_133 : vector<16xi32> to vector<1x16xi32>
      tpu.vector_store %arg6[%swap3A_134, %swap3A_135], %swap3A_138 {strides = array<i32>} : memref<160x128xi32, #tpu.memory_space<vmem>>, vector<1x16xi32>,
      %get3A_139 = arith.index_cast %add3A_98 : i32 to index
      %get3A_140 = arith.constant 48 : index
      %get3A_141 = tpu.vector_load %arg6[%get3A_139, %get3A_140] {strides = array<i32>} : memref<160x128xi32, #tpu.memory_space<vmem>>, vector<1x16xi32>,
      %get3A_142 = vector.shape_cast %get3A_141 : vector<1x16xi32> to vector<16xi32>
      %sub3A_143 = vector.broadcast %mul3A_0 : i32 to vector<16xi32>
      %sub3A_144 = arith.subi %get3A_142, %sub3A_143 : vector<16xi32>
      %lt3A_145 = vector.broadcast %add3A_7 : i32 to vector<16xi32>
      %lt3A_146 = arith.cmpi ult, %sub3A_144, %lt3A_145 : vector<16xi32>
      %broadcast_in_dim3A_147 = vector.broadcast %add3A : i32 to vector<16xi32>
      %select_n3A_148 = arith.select %lt3A_146, %sub3A_144, %broadcast_in_dim3A_147 : vector<16xi1>, vector<16xi32>
      %swap3A_149 = arith.index_cast %add3A_98 : i32 to index
      %swap3A_150 = arith.constant 48 : index
      %swap3A_151 = tpu.vector_load %arg6[%swap3A_149, %swap3A_150] {strides = array<i32>} : memref<160x128xi32, #tpu.memory_space<vmem>>, vector<1x16xi32>,
      %swap3A_152 = vector.shape_cast %swap3A_151 : vector<1x16xi32> to vector<16xi32>
      %swap3A_153 = vector.shape_cast %select_n3A_148 : vector<16xi32> to vector<1x16xi32>
      tpu.vector_store %arg6[%swap3A_149, %swap3A_150], %swap3A_153 {strides = array<i32>} : memref<160x128xi32, #tpu.memory_space<vmem>>, vector<1x16xi32>,
      %get3A_154 = arith.index_cast %add3A_98 : i32 to index
      %get3A_155 = arith.constant 64 : index
      %get3A_156 = tpu.vector_load %arg6[%get3A_154, %get3A_155] {strides = array<i32>} : memref<160x128xi32, #tpu.memory_space<vmem>>, vector<1x16xi32>,
      %get3A_157 = vector.shape_cast %get3A_156 : vector<1x16xi32> to vector<16xi32>
      %sub3A_158 = vector.broadcast %mul3A_0 : i32 to vector<16xi32>
      %sub3A_159 = arith.subi %get3A_157, %sub3A_158 : vector<16xi32>
      %lt3A_160 = vector.broadcast %add3A_7 : i32 to vector<16xi32>
      %lt3A_161 = arith.cmpi ult, %sub3A_159, %lt3A_160 : vector<16xi32>
      %broadcast_in_dim3A_162 = vector.broadcast %add3A : i32 to vector<16xi32>
      %select_n3A_163 = arith.select %lt3A_161, %sub3A_159, %broadcast_in_dim3A_162 : vector<16xi1>, vector<16xi32>
      %swap3A_164 = arith.index_cast %add3A_98 : i32 to index
      %swap3A_165 = arith.constant 64 : index
      %swap3A_166 = tpu.vector_load %arg6[%swap3A_164, %swap3A_165] {strides = array<i32>} : memref<160x128xi32, #tpu.memory_space<vmem>>, vector<1x16xi32>,
      %swap3A_167 = vector.shape_cast %swap3A_166 : vector<1x16xi32> to vector<16xi32>
      %swap3A_168 = vector.shape_cast %select_n3A_163 : vector<16xi32> to vector<1x16xi32>
      tpu.vector_store %arg6[%swap3A_164, %swap3A_165], %swap3A_168 {strides = array<i32>} : memref<160x128xi32, #tpu.memory_space<vmem>>, vector<1x16xi32>,
      %get3A_169 = arith.index_cast %add3A_98 : i32 to index
      %get3A_170 = arith.constant 80 : index
      %get3A_171 = tpu.vector_load %arg6[%get3A_169, %get3A_170] {strides = array<i32>} : memref<160x128xi32, #tpu.memory_space<vmem>>, vector<1x16xi32>,
      %get3A_172 = vector.shape_cast %get3A_171 : vector<1x16xi32> to vector<16xi32>
      %sub3A_173 = vector.broadcast %mul3A_0 : i32 to vector<16xi32>
      %sub3A_174 = arith.subi %get3A_172, %sub3A_173 : vector<16xi32>
      %lt3A_175 = vector.broadcast %add3A_7 : i32 to vector<16xi32>
      %lt3A_176 = arith.cmpi ult, %sub3A_174, %lt3A_175 : vector<16xi32>
      %broadcast_in_dim3A_177 = vector.broadcast %add3A : i32 to vector<16xi32>
      %select_n3A_178 = arith.select %lt3A_176, %sub3A_174, %broadcast_in_dim3A_177 : vector<16xi1>, vector<16xi32>
      %swap3A_179 = arith.index_cast %add3A_98 : i32 to index
      %swap3A_180 = arith.constant 80 : index
      %swap3A_181 = tpu.vector_load %arg6[%swap3A_179, %swap3A_180] {strides = array<i32>} : memref<160x128xi32, #tpu.memory_space<vmem>>, vector<1x16xi32>,
      %swap3A_182 = vector.shape_cast %swap3A_181 : vector<1x16xi32> to vector<16xi32>
      %swap3A_183 = vector.shape_cast %select_n3A_178 : vector<16xi32> to vector<1x16xi32>
      tpu.vector_store %arg6[%swap3A_179, %swap3A_180], %swap3A_183 {strides = array<i32>} : memref<160x128xi32, #tpu.memory_space<vmem>>, vector<1x16xi32>,
      %get3A_184 = arith.index_cast %add3A_98 : i32 to index
      %get3A_185 = arith.constant 96 : index
      %get3A_186 = tpu.vector_load %arg6[%get3A_184, %get3A_185] {strides = array<i32>} : memref<160x128xi32, #tpu.memory_space<vmem>>, vector<1x16xi32>,
      %get3A_187 = vector.shape_cast %get3A_186 : vector<1x16xi32> to vector<16xi32>
      %sub3A_188 = vector.broadcast %mul3A_0 : i32 to vector<16xi32>
      %sub3A_189 = arith.subi %get3A_187, %sub3A_188 : vector<16xi32>
      %lt3A_190 = vector.broadcast %add3A_7 : i32 to vector<16xi32>
      %lt3A_191 = arith.cmpi ult, %sub3A_189, %lt3A_190 : vector<16xi32>
      %broadcast_in_dim3A_192 = vector.broadcast %add3A : i32 to vector<16xi32>
      %select_n3A_193 = arith.select %lt3A_191, %sub3A_189, %broadcast_in_dim3A_192 : vector<16xi1>, vector<16xi32>
      %swap3A_194 = arith.index_cast %add3A_98 : i32 to index
      %swap3A_195 = arith.constant 96 : index
      %swap3A_196 = tpu.vector_load %arg6[%swap3A_194, %swap3A_195] {strides = array<i32>} : memref<160x128xi32, #tpu.memory_space<vmem>>, vector<1x16xi32>,
      %swap3A_197 = vector.shape_cast %swap3A_196 : vector<1x16xi32> to vector<16xi32>
      %swap3A_198 = vector.shape_cast %select_n3A_193 : vector<16xi32> to vector<1x16xi32>
      tpu.vector_store %arg6[%swap3A_194, %swap3A_195], %swap3A_198 {strides = array<i32>} : memref<160x128xi32, #tpu.memory_space<vmem>>, vector<1x16xi32>,
      %get3A_199 = arith.index_cast %add3A_98 : i32 to index
      %get3A_200 = arith.constant 112 : index
      %get3A_201 = tpu.vector_load %arg6[%get3A_199, %get3A_200] {strides = array<i32>} : memref<160x128xi32, #tpu.memory_space<vmem>>, vector<1x16xi32>,
      %get3A_202 = vector.shape_cast %get3A_201 : vector<1x16xi32> to vector<16xi32>
      %sub3A_203 = vector.broadcast %mul3A_0 : i32 to vector<16xi32>
      %sub3A_204 = arith.subi %get3A_202, %sub3A_203 : vector<16xi32>
      %lt3A_205 = vector.broadcast %add3A_7 : i32 to vector<16xi32>
      %lt3A_206 = arith.cmpi ult, %sub3A_204, %lt3A_205 : vector<16xi32>
      %broadcast_in_dim3A_207 = vector.broadcast %add3A : i32 to vector<16xi32>
      %select_n3A_208 = arith.select %lt3A_206, %sub3A_204, %broadcast_in_dim3A_207 : vector<16xi1>, vector<16xi32>
      %swap3A_209 = arith.index_cast %add3A_98 : i32 to index
      %swap3A_210 = arith.constant 112 : index
      %swap3A_211 = tpu.vector_load %arg6[%swap3A_209, %swap3A_210] {strides = array<i32>} : memref<160x128xi32, #tpu.memory_space<vmem>>, vector<1x16xi32>,
      %swap3A_212 = vector.shape_cast %swap3A_211 : vector<1x16xi32> to vector<16xi32>
      %swap3A_213 = vector.shape_cast %select_n3A_208 : vector<16xi32> to vector<1x16xi32>
      tpu.vector_store %arg6[%swap3A_209, %swap3A_210], %swap3A_213 {strides = array<i32>} : memref<160x128xi32, #tpu.memory_space<vmem>>, vector<1x16xi32>,
    }
    %scan3A_11 = arith.constant 160 : i32
    "tpu.region"() ({
      %run_scoped3A = tpu.sem_alloc : memref<!tpu.dma_semaphore, #tpu.memory_space<semaphore_mem>>
      tpu.enqueue_dma source(%arg3 : memref<128x16xf32, #tpu.memory_space<hbm>>) target(%arg7 : memref<128x16xf32, #tpu.memory_space<vmem>>) target_semaphore(%run_scoped3A : memref<!tpu.dma_semaphore, #tpu.memory_space<semaphore_mem>>)
      tpu.wait_dma2 semaphore(%run_scoped3A : memref<!tpu.dma_semaphore, #tpu.memory_space<semaphore_mem>>) src(%arg3 : memref<128x16xf32, #tpu.memory_space<hbm>>) dst(%arg7 : memref<128x16xf32, #tpu.memory_space<vmem>>)
      tpu.yield
    }) : () -> ()
    "tpu.region"() ({
      %run_scoped3A = tpu.sem_alloc : memref<!tpu.dma_semaphore, #tpu.memory_space<semaphore_mem>>
      tpu.enqueue_dma source(%arg4 : memref<128x16xf32, #tpu.memory_space<hbm>>) target(%arg8 : memref<128x16xf32, #tpu.memory_space<vmem>>) target_semaphore(%run_scoped3A : memref<!tpu.dma_semaphore, #tpu.memory_space<semaphore_mem>>)
      tpu.wait_dma2 semaphore(%run_scoped3A : memref<!tpu.dma_semaphore, #tpu.memory_space<semaphore_mem>>) src(%arg4 : memref<128x16xf32, #tpu.memory_space<hbm>>) dst(%arg8 : memref<128x16xf32, #tpu.memory_space<vmem>>)
      tpu.yield
    }) : () -> ()
    %mul3A_12 = arith.constant 3 : i32
    %mul3A_13 = arith.muli %arg1, %mul3A_12 : i32
    %add3A_14 = arith.constant 0 : i32
    %add3A_15 = arith.addi %mul3A_13, %add3A_14 : i32
    %mul3A_16 = arith.constant 128 : i32
    %mul3A_17 = arith.muli %add3A_15, %mul3A_16 : i32
    "tpu.region"() ({
      %run_scoped3A = tpu.sem_alloc : memref<!tpu.dma_semaphore, #tpu.memory_space<semaphore_mem>>
      %dma_start3A_94 = arith.constant 0 : i32
      %dma_start3A_95 = tpu.memref_slice %arg9[%mul3A_17, %dma_start3A_94] : memref<6144x16xf32, #tpu.memory_space<vmem_shared>> -> memref<128x16xf32, #tpu.memory_space<vmem_shared>>
      %dma_start3A_96 = arith.constant 0 : i32
      %dma_start3A_97 = tpu.memref_slice %arg9[%mul3A_17, %dma_start3A_96] : memref<6144x16xf32, #tpu.memory_space<vmem_shared>> -> memref<128x16xf32, #tpu.memory_space<vmem_shared>>
      tpu.enqueue_dma source(%arg8 : memref<128x16xf32, #tpu.memory_space<vmem>>) target(%dma_start3A_97 : memref<128x16xf32, #tpu.memory_space<vmem_shared>>) target_semaphore(%run_scoped3A : memref<!tpu.dma_semaphore, #tpu.memory_space<semaphore_mem>>)
      %dma_wait3A_98 = arith.constant 0 : i32
      %dma_wait3A_99 = tpu.memref_slice %arg9[%mul3A_17, %dma_wait3A_98] : memref<6144x16xf32, #tpu.memory_space<vmem_shared>> -> memref<128x16xf32, #tpu.memory_space<vmem_shared>>
      %dma_wait3A_100 = arith.constant 0 : i32
      %dma_wait3A_101 = tpu.memref_slice %arg9[%mul3A_17, %dma_wait3A_100] : memref<6144x16xf32, #tpu.memory_space<vmem_shared>> -> memref<128x16xf32, #tpu.memory_space<vmem_shared>>
      tpu.wait_dma2 semaphore(%run_scoped3A : memref<!tpu.dma_semaphore, #tpu.memory_space<semaphore_mem>>) src(%arg8 : memref<128x16xf32, #tpu.memory_space<vmem>>) dst(%dma_wait3A_101 : memref<128x16xf32, #tpu.memory_space<vmem_shared>>)
      tpu.yield
    }) : () -> ()
    %mul3A_18 = arith.constant 3 : i32
    %mul3A_19 = arith.muli %arg1, %mul3A_18 : i32
    %add3A_20 = arith.constant 1 : i32
    %add3A_21 = arith.addi %mul3A_19, %add3A_20 : i32
    %mul3A_22 = arith.constant 128 : i32
    %mul3A_23 = arith.muli %add3A_21, %mul3A_22 : i32
    "tpu.region"() ({
      %run_scoped3A = tpu.sem_alloc : memref<!tpu.dma_semaphore, #tpu.memory_space<semaphore_mem>>
      %dma_start3A_94 = arith.constant 0 : i32
      %dma_start3A_95 = tpu.memref_slice %arg9[%mul3A_23, %dma_start3A_94] : memref<6144x16xf32, #tpu.memory_space<vmem_shared>> -> memref<128x16xf32, #tpu.memory_space<vmem_shared>>
      %dma_start3A_96 = arith.constant 0 : i32
      %dma_start3A_97 = tpu.memref_slice %arg9[%mul3A_23, %dma_start3A_96] : memref<6144x16xf32, #tpu.memory_space<vmem_shared>> -> memref<128x16xf32, #tpu.memory_space<vmem_shared>>
      tpu.enqueue_dma source(%arg8 : memref<128x16xf32, #tpu.memory_space<vmem>>) target(%dma_start3A_97 : memref<128x16xf32, #tpu.memory_space<vmem_shared>>) target_semaphore(%run_scoped3A : memref<!tpu.dma_semaphore, #tpu.memory_space<semaphore_mem>>)
      %dma_wait3A_98 = arith.constant 0 : i32
      %dma_wait3A_99 = tpu.memref_slice %arg9[%mul3A_23, %dma_wait3A_98] : memref<6144x16xf32, #tpu.memory_space<vmem_shared>> -> memref<128x16xf32, #tpu.memory_space<vmem_shared>>
      %dma_wait3A_100 = arith.constant 0 : i32
      %dma_wait3A_101 = tpu.memref_slice %arg9[%mul3A_23, %dma_wait3A_100] : memref<6144x16xf32, #tpu.memory_space<vmem_shared>> -> memref<128x16xf32, #tpu.memory_space<vmem_shared>>
      tpu.wait_dma2 semaphore(%run_scoped3A : memref<!tpu.dma_semaphore, #tpu.memory_space<semaphore_mem>>) src(%arg8 : memref<128x16xf32, #tpu.memory_space<vmem>>) dst(%dma_wait3A_101 : memref<128x16xf32, #tpu.memory_space<vmem_shared>>)
      tpu.yield
    }) : () -> ()
    %mul3A_24 = arith.constant 3 : i32
    %mul3A_25 = arith.muli %arg1, %mul3A_24 : i32
    %add3A_26 = arith.constant 2 : i32
    %add3A_27 = arith.addi %mul3A_25, %add3A_26 : i32
    %mul3A_28 = arith.constant 128 : i32
    %mul3A_29 = arith.muli %add3A_27, %mul3A_28 : i32
    "tpu.region"() ({
      %run_scoped3A = tpu.sem_alloc : memref<!tpu.dma_semaphore, #tpu.memory_space<semaphore_mem>>
      %dma_start3A_94 = arith.constant 0 : i32
      %dma_start3A_95 = tpu.memref_slice %arg9[%mul3A_29, %dma_start3A_94] : memref<6144x16xf32, #tpu.memory_space<vmem_shared>> -> memref<128x16xf32, #tpu.memory_space<vmem_shared>>
      %dma_start3A_96 = arith.constant 0 : i32
      %dma_start3A_97 = tpu.memref_slice %arg9[%mul3A_29, %dma_start3A_96] : memref<6144x16xf32, #tpu.memory_space<vmem_shared>> -> memref<128x16xf32, #tpu.memory_space<vmem_shared>>
      tpu.enqueue_dma source(%arg8 : memref<128x16xf32, #tpu.memory_space<vmem>>) target(%dma_start3A_97 : memref<128x16xf32, #tpu.memory_space<vmem_shared>>) target_semaphore(%run_scoped3A : memref<!tpu.dma_semaphore, #tpu.memory_space<semaphore_mem>>)
      %dma_wait3A_98 = arith.constant 0 : i32
      %dma_wait3A_99 = tpu.memref_slice %arg9[%mul3A_29, %dma_wait3A_98] : memref<6144x16xf32, #tpu.memory_space<vmem_shared>> -> memref<128x16xf32, #tpu.memory_space<vmem_shared>>
      %dma_wait3A_100 = arith.constant 0 : i32
      %dma_wait3A_101 = tpu.memref_slice %arg9[%mul3A_29, %dma_wait3A_100] : memref<6144x16xf32, #tpu.memory_space<vmem_shared>> -> memref<128x16xf32, #tpu.memory_space<vmem_shared>>
      tpu.wait_dma2 semaphore(%run_scoped3A : memref<!tpu.dma_semaphore, #tpu.memory_space<semaphore_mem>>) src(%arg8 : memref<128x16xf32, #tpu.memory_space<vmem>>) dst(%dma_wait3A_101 : memref<128x16xf32, #tpu.memory_space<vmem_shared>>)
      tpu.yield
    }) : () -> ()
    %barrier3A = arith.constant 0 : index
    tpu.barrier barrier_id(%barrier3A)
    %dma_start3A = arith.constant 0 : i32
    %dma_start3A_30 = arith.constant 0 : i32
    %dma_start3A_31 = tpu.memref_slice %arg6[%dma_start3A, %dma_start3A_30] : memref<160x128xi32, #tpu.memory_space<vmem>> -> memref<1x128xi32, #tpu.memory_space<vmem>>
    %dma_start3A_32 = tpu.memref_squeeze %dma_start3A_31 : memref<1x128xi32, #tpu.memory_space<vmem>> -> memref<128xi32, #tpu.memory_space<vmem>>
    %dma_start3A_33 = arith.constant 0 : i32
    %dma_start3A_34 = arith.constant 0 : i32
    %dma_start3A_35 = tpu.memref_slice %arg9[%dma_start3A_33, %dma_start3A_34] : memref<6144x16xf32, #tpu.memory_space<vmem_shared>> -> memref<6144x16xf32, #tpu.memory_space<vmem_shared>>
    tpu.enqueue_indirect_dma source(%arg7 : memref<128x16xf32, #tpu.memory_space<vmem>>) target(%dma_start3A_35 : memref<6144x16xf32, #tpu.memory_space<vmem_shared>>) offsets(%dma_start3A_32 : memref<128xi32, #tpu.memory_space<vmem>>) semaphore(%arg10 : memref<!tpu.dma_semaphore, #tpu.memory_space<semaphore_mem>>) {add = true}
    %dma_start3A_36 = arith.constant 1 : i32
    %dma_start3A_37 = arith.constant 0 : i32
    %dma_start3A_38 = tpu.memref_slice %arg6[%dma_start3A_36, %dma_start3A_37] : memref<160x128xi32, #tpu.memory_space<vmem>> -> memref<1x128xi32, #tpu.memory_space<vmem>>
    %dma_start3A_39 = tpu.memref_squeeze %dma_start3A_38 : memref<1x128xi32, #tpu.memory_space<vmem>> -> memref<128xi32, #tpu.memory_space<vmem>>
    %dma_start3A_40 = arith.constant 0 : i32
    %dma_start3A_41 = arith.constant 0 : i32
    %dma_start3A_42 = tpu.memref_slice %arg9[%dma_start3A_40, %dma_start3A_41] : memref<6144x16xf32, #tpu.memory_space<vmem_shared>> -> memref<6144x16xf32, #tpu.memory_space<vmem_shared>>
    tpu.enqueue_indirect_dma source(%arg7 : memref<128x16xf32, #tpu.memory_space<vmem>>) target(%dma_start3A_42 : memref<6144x16xf32, #tpu.memory_space<vmem_shared>>) offsets(%dma_start3A_39 : memref<128xi32, #tpu.memory_space<vmem>>) semaphore(%arg11 : memref<!tpu.dma_semaphore, #tpu.memory_space<semaphore_mem>>) {add = true}
    %dma_start3A_43 = arith.constant 2 : i32
    %dma_start3A_44 = arith.constant 0 : i32
    %dma_start3A_45 = tpu.memref_slice %arg6[%dma_start3A_43, %dma_start3A_44] : memref<160x128xi32, #tpu.memory_space<vmem>> -> memref<1x128xi32, #tpu.memory_space<vmem>>
    %dma_start3A_46 = tpu.memref_squeeze %dma_start3A_45 : memref<1x128xi32, #tpu.memory_space<vmem>> -> memref<128xi32, #tpu.memory_space<vmem>>
    %dma_start3A_47 = arith.constant 0 : i32
    %dma_start3A_48 = arith.constant 0 : i32
    %dma_start3A_49 = tpu.memref_slice %arg9[%dma_start3A_47, %dma_start3A_48] : memref<6144x16xf32, #tpu.memory_space<vmem_shared>> -> memref<6144x16xf32, #tpu.memory_space<vmem_shared>>
    tpu.enqueue_indirect_dma source(%arg7 : memref<128x16xf32, #tpu.memory_space<vmem>>) target(%dma_start3A_49 : memref<6144x16xf32, #tpu.memory_space<vmem_shared>>) offsets(%dma_start3A_46 : memref<128xi32, #tpu.memory_space<vmem>>) semaphore(%arg12 : memref<!tpu.dma_semaphore, #tpu.memory_space<semaphore_mem>>) {add = true}
    %dma_start3A_50 = arith.constant 3 : i32
    %dma_start3A_51 = arith.constant 0 : i32
    %dma_start3A_52 = tpu.memref_slice %arg6[%dma_start3A_50, %dma_start3A_51] : memref<160x128xi32, #tpu.memory_space<vmem>> -> memref<1x128xi32, #tpu.memory_space<vmem>>
    %dma_start3A_53 = tpu.memref_squeeze %dma_start3A_52 : memref<1x128xi32, #tpu.memory_space<vmem>> -> memref<128xi32, #tpu.memory_space<vmem>>
    %dma_start3A_54 = arith.constant 0 : i32
    %dma_start3A_55 = arith.constant 0 : i32
    %dma_start3A_56 = tpu.memref_slice %arg9[%dma_start3A_54, %dma_start3A_55] : memref<6144x16xf32, #tpu.memory_space<vmem_shared>> -> memref<6144x16xf32, #tpu.memory_space<vmem_shared>>
    tpu.enqueue_indirect_dma source(%arg7 : memref<128x16xf32, #tpu.memory_space<vmem>>) target(%dma_start3A_56 : memref<6144x16xf32, #tpu.memory_space<vmem_shared>>) offsets(%dma_start3A_53 : memref<128xi32, #tpu.memory_space<vmem>>) semaphore(%arg13 : memref<!tpu.dma_semaphore, #tpu.memory_space<semaphore_mem>>) {add = true}
    %scan3A_57 = arith.constant 0 : i32
    %scan3A_58 = arith.constant 39 : i32
    %scan3A_59 = arith.addi %scan3A_57, %scan3A_58 : i32
    %scan3A_60 = arith.constant 1 : i32
    scf.for %scan3A_94 = %scan3A_57 to %scan3A_59 step %scan3A_60  : i32 {
      %mul3A_95 = arith.constant 4 : i32
      %mul3A_96 = arith.muli %scan3A_94, %mul3A_95 : i32
      %add3A_97 = arith.constant 4 : i32
      %add3A_98 = arith.addi %add3A_97, %mul3A_96 : i32
      %sub3A_99 = arith.constant 4 : i32
      %sub3A_100 = arith.subi %add3A_98, %sub3A_99 : i32
      %add3A_101 = arith.constant 0 : i32
      %add3A_102 = arith.addi %sub3A_100, %add3A_101 : i32
      %dma_wait3A_103 = arith.constant 0 : i32
      %dma_wait3A_104 = tpu.memref_slice %arg6[%add3A_102, %dma_wait3A_103] : memref<160x128xi32, #tpu.memory_space<vmem>> -> memref<1x128xi32, #tpu.memory_space<vmem>>
      %dma_wait3A_105 = tpu.memref_squeeze %dma_wait3A_104 : memref<1x128xi32, #tpu.memory_space<vmem>> -> memref<128xi32, #tpu.memory_space<vmem>>
      %dma_wait3A_106 = arith.constant 0 : i32
      %dma_wait3A_107 = arith.constant 0 : i32
      %dma_wait3A_108 = tpu.memref_slice %arg9[%dma_wait3A_106, %dma_wait3A_107] : memref<6144x16xf32, #tpu.memory_space<vmem_shared>> -> memref<6144x16xf32, #tpu.memory_space<vmem_shared>>
      tpu.wait_indirect_dma semaphore(%arg10 : memref<!tpu.dma_semaphore, #tpu.memory_space<semaphore_mem>>) src(%arg7 : memref<128x16xf32, #tpu.memory_space<vmem>>) dst(%dma_wait3A_108 : memref<6144x16xf32, #tpu.memory_space<vmem_shared>>)
      %add3A_109 = arith.constant 0 : i32
      %add3A_110 = arith.addi %add3A_98, %add3A_109 : i32
      %dma_start3A_111 = arith.constant 0 : i32
      %dma_start3A_112 = tpu.memref_slice %arg6[%add3A_110, %dma_start3A_111] : memref<160x128xi32, #tpu.memory_space<vmem>> -> memref<1x128xi32, #tpu.memory_space<vmem>>
      %dma_start3A_113 = tpu.memref_squeeze %dma_start3A_112 : memref<1x128xi32, #tpu.memory_space<vmem>> -> memref<128xi32, #tpu.memory_space<vmem>>
      %dma_start3A_114 = arith.constant 0 : i32
      %dma_start3A_115 = arith.constant 0 : i32
      %dma_start3A_116 = tpu.memref_slice %arg9[%dma_start3A_114, %dma_start3A_115] : memref<6144x16xf32, #tpu.memory_space<vmem_shared>> -> memref<6144x16xf32, #tpu.memory_space<vmem_shared>>
      tpu.enqueue_indirect_dma source(%arg7 : memref<128x16xf32, #tpu.memory_space<vmem>>) target(%dma_start3A_116 : memref<6144x16xf32, #tpu.memory_space<vmem_shared>>) offsets(%dma_start3A_113 : memref<128xi32, #tpu.memory_space<vmem>>) semaphore(%arg10 : memref<!tpu.dma_semaphore, #tpu.memory_space<semaphore_mem>>) {add = true}
      %sub3A_117 = arith.constant 4 : i32
      %sub3A_118 = arith.subi %add3A_98, %sub3A_117 : i32
      %add3A_119 = arith.constant 1 : i32
      %add3A_120 = arith.addi %sub3A_118, %add3A_119 : i32
      %dma_wait3A_121 = arith.constant 0 : i32
      %dma_wait3A_122 = tpu.memref_slice %arg6[%add3A_120, %dma_wait3A_121] : memref<160x128xi32, #tpu.memory_space<vmem>> -> memref<1x128xi32, #tpu.memory_space<vmem>>
      %dma_wait3A_123 = tpu.memref_squeeze %dma_wait3A_122 : memref<1x128xi32, #tpu.memory_space<vmem>> -> memref<128xi32, #tpu.memory_space<vmem>>
      %dma_wait3A_124 = arith.constant 0 : i32
      %dma_wait3A_125 = arith.constant 0 : i32
      %dma_wait3A_126 = tpu.memref_slice %arg9[%dma_wait3A_124, %dma_wait3A_125] : memref<6144x16xf32, #tpu.memory_space<vmem_shared>> -> memref<6144x16xf32, #tpu.memory_space<vmem_shared>>
      tpu.wait_indirect_dma semaphore(%arg11 : memref<!tpu.dma_semaphore, #tpu.memory_space<semaphore_mem>>) src(%arg7 : memref<128x16xf32, #tpu.memory_space<vmem>>) dst(%dma_wait3A_126 : memref<6144x16xf32, #tpu.memory_space<vmem_shared>>)
      %add3A_127 = arith.constant 1 : i32
      %add3A_128 = arith.addi %add3A_98, %add3A_127 : i32
      %dma_start3A_129 = arith.constant 0 : i32
      %dma_start3A_130 = tpu.memref_slice %arg6[%add3A_128, %dma_start3A_129] : memref<160x128xi32, #tpu.memory_space<vmem>> -> memref<1x128xi32, #tpu.memory_space<vmem>>
      %dma_start3A_131 = tpu.memref_squeeze %dma_start3A_130 : memref<1x128xi32, #tpu.memory_space<vmem>> -> memref<128xi32, #tpu.memory_space<vmem>>
      %dma_start3A_132 = arith.constant 0 : i32
      %dma_start3A_133 = arith.constant 0 : i32
      %dma_start3A_134 = tpu.memref_slice %arg9[%dma_start3A_132, %dma_start3A_133] : memref<6144x16xf32, #tpu.memory_space<vmem_shared>> -> memref<6144x16xf32, #tpu.memory_space<vmem_shared>>
      tpu.enqueue_indirect_dma source(%arg7 : memref<128x16xf32, #tpu.memory_space<vmem>>) target(%dma_start3A_134 : memref<6144x16xf32, #tpu.memory_space<vmem_shared>>) offsets(%dma_start3A_131 : memref<128xi32, #tpu.memory_space<vmem>>) semaphore(%arg11 : memref<!tpu.dma_semaphore, #tpu.memory_space<semaphore_mem>>) {add = true}
      %sub3A_135 = arith.constant 4 : i32
      %sub3A_136 = arith.subi %add3A_98, %sub3A_135 : i32
      %add3A_137 = arith.constant 2 : i32
      %add3A_138 = arith.addi %sub3A_136, %add3A_137 : i32
      %dma_wait3A_139 = arith.constant 0 : i32
      %dma_wait3A_140 = tpu.memref_slice %arg6[%add3A_138, %dma_wait3A_139] : memref<160x128xi32, #tpu.memory_space<vmem>> -> memref<1x128xi32, #tpu.memory_space<vmem>>
      %dma_wait3A_141 = tpu.memref_squeeze %dma_wait3A_140 : memref<1x128xi32, #tpu.memory_space<vmem>> -> memref<128xi32, #tpu.memory_space<vmem>>
      %dma_wait3A_142 = arith.constant 0 : i32
      %dma_wait3A_143 = arith.constant 0 : i32
      %dma_wait3A_144 = tpu.memref_slice %arg9[%dma_wait3A_142, %dma_wait3A_143] : memref<6144x16xf32, #tpu.memory_space<vmem_shared>> -> memref<6144x16xf32, #tpu.memory_space<vmem_shared>>
      tpu.wait_indirect_dma semaphore(%arg12 : memref<!tpu.dma_semaphore, #tpu.memory_space<semaphore_mem>>) src(%arg7 : memref<128x16xf32, #tpu.memory_space<vmem>>) dst(%dma_wait3A_144 : memref<6144x16xf32, #tpu.memory_space<vmem_shared>>)
      %add3A_145 = arith.constant 2 : i32
      %add3A_146 = arith.addi %add3A_98, %add3A_145 : i32
      %dma_start3A_147 = arith.constant 0 : i32
      %dma_start3A_148 = tpu.memref_slice %arg6[%add3A_146, %dma_start3A_147] : memref<160x128xi32, #tpu.memory_space<vmem>> -> memref<1x128xi32, #tpu.memory_space<vmem>>
      %dma_start3A_149 = tpu.memref_squeeze %dma_start3A_148 : memref<1x128xi32, #tpu.memory_space<vmem>> -> memref<128xi32, #tpu.memory_space<vmem>>
      %dma_start3A_150 = arith.constant 0 : i32
      %dma_start3A_151 = arith.constant 0 : i32
      %dma_start3A_152 = tpu.memref_slice %arg9[%dma_start3A_150, %dma_start3A_151] : memref<6144x16xf32, #tpu.memory_space<vmem_shared>> -> memref<6144x16xf32, #tpu.memory_space<vmem_shared>>
      tpu.enqueue_indirect_dma source(%arg7 : memref<128x16xf32, #tpu.memory_space<vmem>>) target(%dma_start3A_152 : memref<6144x16xf32, #tpu.memory_space<vmem_shared>>) offsets(%dma_start3A_149 : memref<128xi32, #tpu.memory_space<vmem>>) semaphore(%arg12 : memref<!tpu.dma_semaphore, #tpu.memory_space<semaphore_mem>>) {add = true}
      %sub3A_153 = arith.constant 4 : i32
      %sub3A_154 = arith.subi %add3A_98, %sub3A_153 : i32
      %add3A_155 = arith.constant 3 : i32
      %add3A_156 = arith.addi %sub3A_154, %add3A_155 : i32
      %dma_wait3A_157 = arith.constant 0 : i32
      %dma_wait3A_158 = tpu.memref_slice %arg6[%add3A_156, %dma_wait3A_157] : memref<160x128xi32, #tpu.memory_space<vmem>> -> memref<1x128xi32, #tpu.memory_space<vmem>>
      %dma_wait3A_159 = tpu.memref_squeeze %dma_wait3A_158 : memref<1x128xi32, #tpu.memory_space<vmem>> -> memref<128xi32, #tpu.memory_space<vmem>>
      %dma_wait3A_160 = arith.constant 0 : i32
      %dma_wait3A_161 = arith.constant 0 : i32
      %dma_wait3A_162 = tpu.memref_slice %arg9[%dma_wait3A_160, %dma_wait3A_161] : memref<6144x16xf32, #tpu.memory_space<vmem_shared>> -> memref<6144x16xf32, #tpu.memory_space<vmem_shared>>
      tpu.wait_indirect_dma semaphore(%arg13 : memref<!tpu.dma_semaphore, #tpu.memory_space<semaphore_mem>>) src(%arg7 : memref<128x16xf32, #tpu.memory_space<vmem>>) dst(%dma_wait3A_162 : memref<6144x16xf32, #tpu.memory_space<vmem_shared>>)
      %add3A_163 = arith.constant 3 : i32
      %add3A_164 = arith.addi %add3A_98, %add3A_163 : i32
      %dma_start3A_165 = arith.constant 0 : i32
      %dma_start3A_166 = tpu.memref_slice %arg6[%add3A_164, %dma_start3A_165] : memref<160x128xi32, #tpu.memory_space<vmem>> -> memref<1x128xi32, #tpu.memory_space<vmem>>
      %dma_start3A_167 = tpu.memref_squeeze %dma_start3A_166 : memref<1x128xi32, #tpu.memory_space<vmem>> -> memref<128xi32, #tpu.memory_space<vmem>>
      %dma_start3A_168 = arith.constant 0 : i32
      %dma_start3A_169 = arith.constant 0 : i32
      %dma_start3A_170 = tpu.memref_slice %arg9[%dma_start3A_168, %dma_start3A_169] : memref<6144x16xf32, #tpu.memory_space<vmem_shared>> -> memref<6144x16xf32, #tpu.memory_space<vmem_shared>>
      tpu.enqueue_indirect_dma source(%arg7 : memref<128x16xf32, #tpu.memory_space<vmem>>) target(%dma_start3A_170 : memref<6144x16xf32, #tpu.memory_space<vmem_shared>>) offsets(%dma_start3A_167 : memref<128xi32, #tpu.memory_space<vmem>>) semaphore(%arg13 : memref<!tpu.dma_semaphore, #tpu.memory_space<semaphore_mem>>) {add = true}
    }
    %scan3A_61 = arith.constant 39 : i32
    %dma_wait3A = arith.constant 156 : i32
    %dma_wait3A_62 = arith.constant 0 : i32
    %dma_wait3A_63 = tpu.memref_slice %arg6[%dma_wait3A, %dma_wait3A_62] : memref<160x128xi32, #tpu.memory_space<vmem>> -> memref<1x128xi32, #tpu.memory_space<vmem>>
    %dma_wait3A_64 = tpu.memref_squeeze %dma_wait3A_63 : memref<1x128xi32, #tpu.memory_space<vmem>> -> memref<128xi32, #tpu.memory_space<vmem>>
    %dma_wait3A_65 = arith.constant 0 : i32
    %dma_wait3A_66 = arith.constant 0 : i32
    %dma_wait3A_67 = tpu.memref_slice %arg9[%dma_wait3A_65, %dma_wait3A_66] : memref<6144x16xf32, #tpu.memory_space<vmem_shared>> -> memref<6144x16xf32, #tpu.memory_space<vmem_shared>>
    tpu.wait_indirect_dma semaphore(%arg10 : memref<!tpu.dma_semaphore, #tpu.memory_space<semaphore_mem>>) src(%arg7 : memref<128x16xf32, #tpu.memory_space<vmem>>) dst(%dma_wait3A_67 : memref<6144x16xf32, #tpu.memory_space<vmem_shared>>)
    %dma_wait3A_68 = arith.constant 157 : i32
    %dma_wait3A_69 = arith.constant 0 : i32
    %dma_wait3A_70 = tpu.memref_slice %arg6[%dma_wait3A_68, %dma_wait3A_69] : memref<160x128xi32, #tpu.memory_space<vmem>> -> memref<1x128xi32, #tpu.memory_space<vmem>>
    %dma_wait3A_71 = tpu.memref_squeeze %dma_wait3A_70 : memref<1x128xi32, #tpu.memory_space<vmem>> -> memref<128xi32, #tpu.memory_space<vmem>>
    %dma_wait3A_72 = arith.constant 0 : i32
    %dma_wait3A_73 = arith.constant 0 : i32
    %dma_wait3A_74 = tpu.memref_slice %arg9[%dma_wait3A_72, %dma_wait3A_73] : memref<6144x16xf32, #tpu.memory_space<vmem_shared>> -> memref<6144x16xf32, #tpu.memory_space<vmem_shared>>
    tpu.wait_indirect_dma semaphore(%arg11 : memref<!tpu.dma_semaphore, #tpu.memory_space<semaphore_mem>>) src(%arg7 : memref<128x16xf32, #tpu.memory_space<vmem>>) dst(%dma_wait3A_74 : memref<6144x16xf32, #tpu.memory_space<vmem_shared>>)
    %dma_wait3A_75 = arith.constant 158 : i32
    %dma_wait3A_76 = arith.constant 0 : i32
    %dma_wait3A_77 = tpu.memref_slice %arg6[%dma_wait3A_75, %dma_wait3A_76] : memref<160x128xi32, #tpu.memory_space<vmem>> -> memref<1x128xi32, #tpu.memory_space<vmem>>
    %dma_wait3A_78 = tpu.memref_squeeze %dma_wait3A_77 : memref<1x128xi32, #tpu.memory_space<vmem>> -> memref<128xi32, #tpu.memory_space<vmem>>
    %dma_wait3A_79 = arith.constant 0 : i32
    %dma_wait3A_80 = arith.constant 0 : i32
    %dma_wait3A_81 = tpu.memref_slice %arg9[%dma_wait3A_79, %dma_wait3A_80] : memref<6144x16xf32, #tpu.memory_space<vmem_shared>> -> memref<6144x16xf32, #tpu.memory_space<vmem_shared>>
    tpu.wait_indirect_dma semaphore(%arg12 : memref<!tpu.dma_semaphore, #tpu.memory_space<semaphore_mem>>) src(%arg7 : memref<128x16xf32, #tpu.memory_space<vmem>>) dst(%dma_wait3A_81 : memref<6144x16xf32, #tpu.memory_space<vmem_shared>>)
    %dma_wait3A_82 = arith.constant 159 : i32
    %dma_wait3A_83 = arith.constant 0 : i32
    %dma_wait3A_84 = tpu.memref_slice %arg6[%dma_wait3A_82, %dma_wait3A_83] : memref<160x128xi32, #tpu.memory_space<vmem>> -> memref<1x128xi32, #tpu.memory_space<vmem>>
    %dma_wait3A_85 = tpu.memref_squeeze %dma_wait3A_84 : memref<1x128xi32, #tpu.memory_space<vmem>> -> memref<128xi32, #tpu.memory_space<vmem>>
    %dma_wait3A_86 = arith.constant 0 : i32
    %dma_wait3A_87 = arith.constant 0 : i32
    %dma_wait3A_88 = tpu.memref_slice %arg9[%dma_wait3A_86, %dma_wait3A_87] : memref<6144x16xf32, #tpu.memory_space<vmem_shared>> -> memref<6144x16xf32, #tpu.memory_space<vmem_shared>>
    tpu.wait_indirect_dma semaphore(%arg13 : memref<!tpu.dma_semaphore, #tpu.memory_space<semaphore_mem>>) src(%arg7 : memref<128x16xf32, #tpu.memory_space<vmem>>) dst(%dma_wait3A_88 : memref<6144x16xf32, #tpu.memory_space<vmem_shared>>)
    %barrier3A_89 = arith.constant 0 : index
    tpu.barrier barrier_id(%barrier3A_89)
    %mul3A_90 = arith.constant 384 : i32
    %mul3A_91 = arith.muli %arg1, %mul3A_90 : i32
    %mul3A_92 = arith.constant 384 : i32
    %mul3A_93 = arith.muli %arg1, %mul3A_92 : i32
    "tpu.region"() ({
      %run_scoped3A = tpu.sem_alloc : memref<!tpu.dma_semaphore, #tpu.memory_space<semaphore_mem>>
      %dma_start3A_94 = arith.constant 0 : i32
      %dma_start3A_95 = arith.constant 0 : i32
      %dma_start3A_96 = tpu.memref_slice %arg5[%arg0, %dma_start3A_94, %dma_start3A_95] : memref<2x6144x16xf32, #tpu.memory_space<hbm>> -> memref<1x6144x16xf32, #tpu.memory_space<hbm>>
      %dma_start3A_97 = tpu.memref_squeeze %dma_start3A_96 : memref<1x6144x16xf32, #tpu.memory_space<hbm>> -> memref<6144x16xf32, #tpu.memory_space<hbm>>
      %dma_start3A_98 = arith.constant 0 : i32
      %dma_start3A_99 = tpu.memref_slice %dma_start3A_97[%mul3A_93, %dma_start3A_98] : memref<6144x16xf32, #tpu.memory_space<hbm>> -> memref<384x16xf32, #tpu.memory_space<hbm>>
      %dma_start3A_100 = arith.constant 0 : i32
      %dma_start3A_101 = tpu.memref_slice %arg9[%mul3A_91, %dma_start3A_100] : memref<6144x16xf32, #tpu.memory_space<vmem_shared>> -> memref<384x16xf32, #tpu.memory_space<vmem_shared>>
      tpu.enqueue_dma source(%dma_start3A_101 : memref<384x16xf32, #tpu.memory_space<vmem_shared>>) target(%dma_start3A_99 : memref<384x16xf32, #tpu.memory_space<hbm>>) target_semaphore(%run_scoped3A : memref<!tpu.dma_semaphore, #tpu.memory_space<semaphore_mem>>)
      %dma_wait3A_102 = arith.constant 0 : i32
      %dma_wait3A_103 = arith.constant 0 : i32
      %dma_wait3A_104 = tpu.memref_slice %arg5[%arg0, %dma_wait3A_102, %dma_wait3A_103] : memref<2x6144x16xf32, #tpu.memory_space<hbm>> -> memref<1x6144x16xf32, #tpu.memory_space<hbm>>
      %dma_wait3A_105 = tpu.memref_squeeze %dma_wait3A_104 : memref<1x6144x16xf32, #tpu.memory_space<hbm>> -> memref<6144x16xf32, #tpu.memory_space<hbm>>
      %dma_wait3A_106 = arith.constant 0 : i32
      %dma_wait3A_107 = tpu.memref_slice %dma_wait3A_105[%mul3A_93, %dma_wait3A_106] : memref<6144x16xf32, #tpu.memory_space<hbm>> -> memref<384x16xf32, #tpu.memory_space<hbm>>
      %dma_wait3A_108 = arith.constant 0 : i32
      %dma_wait3A_109 = tpu.memref_slice %arg9[%mul3A_91, %dma_wait3A_108] : memref<6144x16xf32, #tpu.memory_space<vmem_shared>> -> memref<384x16xf32, #tpu.memory_space<vmem_shared>>
      tpu.wait_dma2 semaphore(%run_scoped3A : memref<!tpu.dma_semaphore, #tpu.memory_space<semaphore_mem>>) src(%dma_wait3A_109 : memref<384x16xf32, #tpu.memory_space<vmem_shared>>) dst(%dma_wait3A_107 : memref<384x16xf32, #tpu.memory_space<hbm>>)
      tpu.yield
    }) : () -> ()
    return
  }
}

#map = affine_map<(d0, d1) -> (0, 0)>
#map1 = affine_map<(d0, d1) -> (0, 0, 0)>
module attributes {stable_mosaic.version = 14 : i64} {
  func.func @agg_kernel(%arg0: i32, %arg1: i32, %arg2: memref<10000x128xf32, #tpu.memory_space<hbm>>, %arg3: memref<16x160x128xi32, #tpu.memory_space<hbm>>, %arg4: memref<16x160x128xi32, #tpu.memory_space<hbm>>, %arg5: memref<2x6144x128xf32, #tpu.memory_space<hbm>>, %arg6: memref<160x128xi32, #tpu.memory_space<vmem>>, %arg7: memref<160x128xi32, #tpu.memory_space<vmem>>, %arg8: memref<2x128x128xf32, #tpu.memory_space<vmem>>, %arg9: memref<6144x128xf32, #tpu.memory_space<vmem_shared>>, %arg10: memref<!tpu.dma_semaphore, #tpu.memory_space<semaphore_mem>>, %arg11: memref<!tpu.dma_semaphore, #tpu.memory_space<semaphore_mem>>) attributes {dimension_semantics = [#tpu.dimension_semantics<core_parallel>, #tpu.dimension_semantics<subcore_parallel>], iteration_bounds = array<i64: 2, 16>, scalar_prefetch = 0 : i64, scratch_operands = 6 : i64, tpu.core_type = #tpu.core_type<sc_vector_subcore>, window_params = [{transform_indices = #map}, {transform_indices = #map1}, {transform_indices = #map1}, {transform_indices = #map1}]} {
    "tpu.region"() ({
      %run_scoped3A_97 = tpu.sem_alloc : memref<!tpu.dma_semaphore, #tpu.memory_space<semaphore_mem>>
      %dma_start3A_98 = arith.constant 0 : i32
      %dma_start3A_99 = arith.constant 0 : i32
      %dma_start3A_100 = tpu.memref_slice %arg3[%arg1, %dma_start3A_98, %dma_start3A_99] : memref<16x160x128xi32, #tpu.memory_space<hbm>> -> memref<1x160x128xi32, #tpu.memory_space<hbm>>
      %dma_start3A_101 = tpu.memref_squeeze %dma_start3A_100 : memref<1x160x128xi32, #tpu.memory_space<hbm>> -> memref<160x128xi32, #tpu.memory_space<hbm>>
      %dma_start3A_102 = arith.constant 0 : i32
      %dma_start3A_103 = arith.constant 0 : i32
      %dma_start3A_104 = tpu.memref_slice %arg3[%arg1, %dma_start3A_102, %dma_start3A_103] : memref<16x160x128xi32, #tpu.memory_space<hbm>> -> memref<1x160x128xi32, #tpu.memory_space<hbm>>
      %dma_start3A_105 = tpu.memref_squeeze %dma_start3A_104 : memref<1x160x128xi32, #tpu.memory_space<hbm>> -> memref<160x128xi32, #tpu.memory_space<hbm>>
      tpu.enqueue_dma source(%dma_start3A_105 : memref<160x128xi32, #tpu.memory_space<hbm>>) target(%arg6 : memref<160x128xi32, #tpu.memory_space<vmem>>) target_semaphore(%run_scoped3A_97 : memref<!tpu.dma_semaphore, #tpu.memory_space<semaphore_mem>>)
      %dma_wait3A_106 = arith.constant 0 : i32
      %dma_wait3A_107 = arith.constant 0 : i32
      %dma_wait3A_108 = tpu.memref_slice %arg3[%arg1, %dma_wait3A_106, %dma_wait3A_107] : memref<16x160x128xi32, #tpu.memory_space<hbm>> -> memref<1x160x128xi32, #tpu.memory_space<hbm>>
      %dma_wait3A_109 = tpu.memref_squeeze %dma_wait3A_108 : memref<1x160x128xi32, #tpu.memory_space<hbm>> -> memref<160x128xi32, #tpu.memory_space<hbm>>
      %dma_wait3A_110 = arith.constant 0 : i32
      %dma_wait3A_111 = arith.constant 0 : i32
      %dma_wait3A_112 = tpu.memref_slice %arg3[%arg1, %dma_wait3A_110, %dma_wait3A_111] : memref<16x160x128xi32, #tpu.memory_space<hbm>> -> memref<1x160x128xi32, #tpu.memory_space<hbm>>
      %dma_wait3A_113 = tpu.memref_squeeze %dma_wait3A_112 : memref<1x160x128xi32, #tpu.memory_space<hbm>> -> memref<160x128xi32, #tpu.memory_space<hbm>>
      tpu.wait_dma2 semaphore(%run_scoped3A_97 : memref<!tpu.dma_semaphore, #tpu.memory_space<semaphore_mem>>) src(%dma_wait3A_113 : memref<160x128xi32, #tpu.memory_space<hbm>>) dst(%arg6 : memref<160x128xi32, #tpu.memory_space<vmem>>)
      tpu.yield
    }) : () -> ()
    "tpu.region"() ({
      %run_scoped3A_97 = tpu.sem_alloc : memref<!tpu.dma_semaphore, #tpu.memory_space<semaphore_mem>>
      %dma_start3A_98 = arith.constant 0 : i32
      %dma_start3A_99 = arith.constant 0 : i32
      %dma_start3A_100 = tpu.memref_slice %arg4[%arg1, %dma_start3A_98, %dma_start3A_99] : memref<16x160x128xi32, #tpu.memory_space<hbm>> -> memref<1x160x128xi32, #tpu.memory_space<hbm>>
      %dma_start3A_101 = tpu.memref_squeeze %dma_start3A_100 : memref<1x160x128xi32, #tpu.memory_space<hbm>> -> memref<160x128xi32, #tpu.memory_space<hbm>>
      %dma_start3A_102 = arith.constant 0 : i32
      %dma_start3A_103 = arith.constant 0 : i32
      %dma_start3A_104 = tpu.memref_slice %arg4[%arg1, %dma_start3A_102, %dma_start3A_103] : memref<16x160x128xi32, #tpu.memory_space<hbm>> -> memref<1x160x128xi32, #tpu.memory_space<hbm>>
      %dma_start3A_105 = tpu.memref_squeeze %dma_start3A_104 : memref<1x160x128xi32, #tpu.memory_space<hbm>> -> memref<160x128xi32, #tpu.memory_space<hbm>>
      tpu.enqueue_dma source(%dma_start3A_105 : memref<160x128xi32, #tpu.memory_space<hbm>>) target(%arg7 : memref<160x128xi32, #tpu.memory_space<vmem>>) target_semaphore(%run_scoped3A_97 : memref<!tpu.dma_semaphore, #tpu.memory_space<semaphore_mem>>)
      %dma_wait3A_106 = arith.constant 0 : i32
      %dma_wait3A_107 = arith.constant 0 : i32
      %dma_wait3A_108 = tpu.memref_slice %arg4[%arg1, %dma_wait3A_106, %dma_wait3A_107] : memref<16x160x128xi32, #tpu.memory_space<hbm>> -> memref<1x160x128xi32, #tpu.memory_space<hbm>>
      %dma_wait3A_109 = tpu.memref_squeeze %dma_wait3A_108 : memref<1x160x128xi32, #tpu.memory_space<hbm>> -> memref<160x128xi32, #tpu.memory_space<hbm>>
      %dma_wait3A_110 = arith.constant 0 : i32
      %dma_wait3A_111 = arith.constant 0 : i32
      %dma_wait3A_112 = tpu.memref_slice %arg4[%arg1, %dma_wait3A_110, %dma_wait3A_111] : memref<16x160x128xi32, #tpu.memory_space<hbm>> -> memref<1x160x128xi32, #tpu.memory_space<hbm>>
      %dma_wait3A_113 = tpu.memref_squeeze %dma_wait3A_112 : memref<1x160x128xi32, #tpu.memory_space<hbm>> -> memref<160x128xi32, #tpu.memory_space<hbm>>
      tpu.wait_dma2 semaphore(%run_scoped3A_97 : memref<!tpu.dma_semaphore, #tpu.memory_space<semaphore_mem>>) src(%dma_wait3A_113 : memref<160x128xi32, #tpu.memory_space<hbm>>) dst(%arg7 : memref<160x128xi32, #tpu.memory_space<vmem>>)
      tpu.yield
    }) : () -> ()
    %mul3A = arith.constant 6000 : i32
    %mul3A_0 = arith.muli %arg0, %mul3A : i32
    %mul3A_1 = arith.constant 1700 : i32
    %mul3A_2 = arith.muli %arg0, %mul3A_1 : i32
    %sub3A = arith.constant 6000 : i32
    %sub3A_3 = arith.subi %sub3A, %mul3A_2 : i32
    %add3A = arith.addi %sub3A_3, %arg1 : i32
    %mul3A_4 = arith.constant 144 : i32
    %mul3A_5 = arith.muli %arg0, %mul3A_4 : i32
    %add3A_6 = arith.constant 6000 : i32
    %add3A_7 = arith.addi %add3A_6, %mul3A_5 : i32
    %scan3A = arith.constant 0 : i32
    %scan3A_8 = arith.constant 160 : i32
    %scan3A_9 = arith.addi %scan3A, %scan3A_8 : i32
    %scan3A_10 = arith.constant 1 : i32
    scf.for %scan3A_97 = %scan3A to %scan3A_9 step %scan3A_10  : i32 {
      %mul3A_98 = arith.constant 1 : i32
      %mul3A_99 = arith.muli %scan3A_97, %mul3A_98 : i32
      %add3A_100 = arith.constant 0 : i32
      %add3A_101 = arith.addi %add3A_100, %mul3A_99 : i32
      %get3A = arith.index_cast %add3A_101 : i32 to index
      %get3A_102 = arith.constant 0 : index
      %get3A_103 = tpu.vector_load %arg7[%get3A, %get3A_102] {strides = array<i32>} : memref<160x128xi32, #tpu.memory_space<vmem>>, vector<1x16xi32>,
      %get3A_104 = vector.shape_cast %get3A_103 : vector<1x16xi32> to vector<16xi32>
      %sub3A_105 = vector.broadcast %mul3A_0 : i32 to vector<16xi32>
      %sub3A_106 = arith.subi %get3A_104, %sub3A_105 : vector<16xi32>
      %lt3A = vector.broadcast %add3A_7 : i32 to vector<16xi32>
      %lt3A_107 = arith.cmpi ult, %sub3A_106, %lt3A : vector<16xi32>
      %broadcast_in_dim3A = vector.broadcast %add3A : i32 to vector<16xi32>
      %select_n3A = arith.select %lt3A_107, %sub3A_106, %broadcast_in_dim3A : vector<16xi1>, vector<16xi32>
      %swap3A = arith.index_cast %add3A_101 : i32 to index
      %swap3A_108 = arith.constant 0 : index
      %swap3A_109 = tpu.vector_load %arg7[%swap3A, %swap3A_108] {strides = array<i32>} : memref<160x128xi32, #tpu.memory_space<vmem>>, vector<1x16xi32>,
      %swap3A_110 = vector.shape_cast %swap3A_109 : vector<1x16xi32> to vector<16xi32>
      %swap3A_111 = vector.shape_cast %select_n3A : vector<16xi32> to vector<1x16xi32>
      tpu.vector_store %arg7[%swap3A, %swap3A_108], %swap3A_111 {strides = array<i32>} : memref<160x128xi32, #tpu.memory_space<vmem>>, vector<1x16xi32>,
      %get3A_112 = arith.index_cast %add3A_101 : i32 to index
      %get3A_113 = arith.constant 16 : index
      %get3A_114 = tpu.vector_load %arg7[%get3A_112, %get3A_113] {strides = array<i32>} : memref<160x128xi32, #tpu.memory_space<vmem>>, vector<1x16xi32>,
      %get3A_115 = vector.shape_cast %get3A_114 : vector<1x16xi32> to vector<16xi32>
      %sub3A_116 = vector.broadcast %mul3A_0 : i32 to vector<16xi32>
      %sub3A_117 = arith.subi %get3A_115, %sub3A_116 : vector<16xi32>
      %lt3A_118 = vector.broadcast %add3A_7 : i32 to vector<16xi32>
      %lt3A_119 = arith.cmpi ult, %sub3A_117, %lt3A_118 : vector<16xi32>
      %broadcast_in_dim3A_120 = vector.broadcast %add3A : i32 to vector<16xi32>
      %select_n3A_121 = arith.select %lt3A_119, %sub3A_117, %broadcast_in_dim3A_120 : vector<16xi1>, vector<16xi32>
      %swap3A_122 = arith.index_cast %add3A_101 : i32 to index
      %swap3A_123 = arith.constant 16 : index
      %swap3A_124 = tpu.vector_load %arg7[%swap3A_122, %swap3A_123] {strides = array<i32>} : memref<160x128xi32, #tpu.memory_space<vmem>>, vector<1x16xi32>,
      %swap3A_125 = vector.shape_cast %swap3A_124 : vector<1x16xi32> to vector<16xi32>
      %swap3A_126 = vector.shape_cast %select_n3A_121 : vector<16xi32> to vector<1x16xi32>
      tpu.vector_store %arg7[%swap3A_122, %swap3A_123], %swap3A_126 {strides = array<i32>} : memref<160x128xi32, #tpu.memory_space<vmem>>, vector<1x16xi32>,
      %get3A_127 = arith.index_cast %add3A_101 : i32 to index
      %get3A_128 = arith.constant 32 : index
      %get3A_129 = tpu.vector_load %arg7[%get3A_127, %get3A_128] {strides = array<i32>} : memref<160x128xi32, #tpu.memory_space<vmem>>, vector<1x16xi32>,
      %get3A_130 = vector.shape_cast %get3A_129 : vector<1x16xi32> to vector<16xi32>
      %sub3A_131 = vector.broadcast %mul3A_0 : i32 to vector<16xi32>
      %sub3A_132 = arith.subi %get3A_130, %sub3A_131 : vector<16xi32>
      %lt3A_133 = vector.broadcast %add3A_7 : i32 to vector<16xi32>
      %lt3A_134 = arith.cmpi ult, %sub3A_132, %lt3A_133 : vector<16xi32>
      %broadcast_in_dim3A_135 = vector.broadcast %add3A : i32 to vector<16xi32>
      %select_n3A_136 = arith.select %lt3A_134, %sub3A_132, %broadcast_in_dim3A_135 : vector<16xi1>, vector<16xi32>
      %swap3A_137 = arith.index_cast %add3A_101 : i32 to index
      %swap3A_138 = arith.constant 32 : index
      %swap3A_139 = tpu.vector_load %arg7[%swap3A_137, %swap3A_138] {strides = array<i32>} : memref<160x128xi32, #tpu.memory_space<vmem>>, vector<1x16xi32>,
      %swap3A_140 = vector.shape_cast %swap3A_139 : vector<1x16xi32> to vector<16xi32>
      %swap3A_141 = vector.shape_cast %select_n3A_136 : vector<16xi32> to vector<1x16xi32>
      tpu.vector_store %arg7[%swap3A_137, %swap3A_138], %swap3A_141 {strides = array<i32>} : memref<160x128xi32, #tpu.memory_space<vmem>>, vector<1x16xi32>,
      %get3A_142 = arith.index_cast %add3A_101 : i32 to index
      %get3A_143 = arith.constant 48 : index
      %get3A_144 = tpu.vector_load %arg7[%get3A_142, %get3A_143] {strides = array<i32>} : memref<160x128xi32, #tpu.memory_space<vmem>>, vector<1x16xi32>,
      %get3A_145 = vector.shape_cast %get3A_144 : vector<1x16xi32> to vector<16xi32>
      %sub3A_146 = vector.broadcast %mul3A_0 : i32 to vector<16xi32>
      %sub3A_147 = arith.subi %get3A_145, %sub3A_146 : vector<16xi32>
      %lt3A_148 = vector.broadcast %add3A_7 : i32 to vector<16xi32>
      %lt3A_149 = arith.cmpi ult, %sub3A_147, %lt3A_148 : vector<16xi32>
      %broadcast_in_dim3A_150 = vector.broadcast %add3A : i32 to vector<16xi32>
      %select_n3A_151 = arith.select %lt3A_149, %sub3A_147, %broadcast_in_dim3A_150 : vector<16xi1>, vector<16xi32>
      %swap3A_152 = arith.index_cast %add3A_101 : i32 to index
      %swap3A_153 = arith.constant 48 : index
      %swap3A_154 = tpu.vector_load %arg7[%swap3A_152, %swap3A_153] {strides = array<i32>} : memref<160x128xi32, #tpu.memory_space<vmem>>, vector<1x16xi32>,
      %swap3A_155 = vector.shape_cast %swap3A_154 : vector<1x16xi32> to vector<16xi32>
      %swap3A_156 = vector.shape_cast %select_n3A_151 : vector<16xi32> to vector<1x16xi32>
      tpu.vector_store %arg7[%swap3A_152, %swap3A_153], %swap3A_156 {strides = array<i32>} : memref<160x128xi32, #tpu.memory_space<vmem>>, vector<1x16xi32>,
      %get3A_157 = arith.index_cast %add3A_101 : i32 to index
      %get3A_158 = arith.constant 64 : index
      %get3A_159 = tpu.vector_load %arg7[%get3A_157, %get3A_158] {strides = array<i32>} : memref<160x128xi32, #tpu.memory_space<vmem>>, vector<1x16xi32>,
      %get3A_160 = vector.shape_cast %get3A_159 : vector<1x16xi32> to vector<16xi32>
      %sub3A_161 = vector.broadcast %mul3A_0 : i32 to vector<16xi32>
      %sub3A_162 = arith.subi %get3A_160, %sub3A_161 : vector<16xi32>
      %lt3A_163 = vector.broadcast %add3A_7 : i32 to vector<16xi32>
      %lt3A_164 = arith.cmpi ult, %sub3A_162, %lt3A_163 : vector<16xi32>
      %broadcast_in_dim3A_165 = vector.broadcast %add3A : i32 to vector<16xi32>
      %select_n3A_166 = arith.select %lt3A_164, %sub3A_162, %broadcast_in_dim3A_165 : vector<16xi1>, vector<16xi32>
      %swap3A_167 = arith.index_cast %add3A_101 : i32 to index
      %swap3A_168 = arith.constant 64 : index
      %swap3A_169 = tpu.vector_load %arg7[%swap3A_167, %swap3A_168] {strides = array<i32>} : memref<160x128xi32, #tpu.memory_space<vmem>>, vector<1x16xi32>,
      %swap3A_170 = vector.shape_cast %swap3A_169 : vector<1x16xi32> to vector<16xi32>
      %swap3A_171 = vector.shape_cast %select_n3A_166 : vector<16xi32> to vector<1x16xi32>
      tpu.vector_store %arg7[%swap3A_167, %swap3A_168], %swap3A_171 {strides = array<i32>} : memref<160x128xi32, #tpu.memory_space<vmem>>, vector<1x16xi32>,
      %get3A_172 = arith.index_cast %add3A_101 : i32 to index
      %get3A_173 = arith.constant 80 : index
      %get3A_174 = tpu.vector_load %arg7[%get3A_172, %get3A_173] {strides = array<i32>} : memref<160x128xi32, #tpu.memory_space<vmem>>, vector<1x16xi32>,
      %get3A_175 = vector.shape_cast %get3A_174 : vector<1x16xi32> to vector<16xi32>
      %sub3A_176 = vector.broadcast %mul3A_0 : i32 to vector<16xi32>
      %sub3A_177 = arith.subi %get3A_175, %sub3A_176 : vector<16xi32>
      %lt3A_178 = vector.broadcast %add3A_7 : i32 to vector<16xi32>
      %lt3A_179 = arith.cmpi ult, %sub3A_177, %lt3A_178 : vector<16xi32>
      %broadcast_in_dim3A_180 = vector.broadcast %add3A : i32 to vector<16xi32>
      %select_n3A_181 = arith.select %lt3A_179, %sub3A_177, %broadcast_in_dim3A_180 : vector<16xi1>, vector<16xi32>
      %swap3A_182 = arith.index_cast %add3A_101 : i32 to index
      %swap3A_183 = arith.constant 80 : index
      %swap3A_184 = tpu.vector_load %arg7[%swap3A_182, %swap3A_183] {strides = array<i32>} : memref<160x128xi32, #tpu.memory_space<vmem>>, vector<1x16xi32>,
      %swap3A_185 = vector.shape_cast %swap3A_184 : vector<1x16xi32> to vector<16xi32>
      %swap3A_186 = vector.shape_cast %select_n3A_181 : vector<16xi32> to vector<1x16xi32>
      tpu.vector_store %arg7[%swap3A_182, %swap3A_183], %swap3A_186 {strides = array<i32>} : memref<160x128xi32, #tpu.memory_space<vmem>>, vector<1x16xi32>,
      %get3A_187 = arith.index_cast %add3A_101 : i32 to index
      %get3A_188 = arith.constant 96 : index
      %get3A_189 = tpu.vector_load %arg7[%get3A_187, %get3A_188] {strides = array<i32>} : memref<160x128xi32, #tpu.memory_space<vmem>>, vector<1x16xi32>,
      %get3A_190 = vector.shape_cast %get3A_189 : vector<1x16xi32> to vector<16xi32>
      %sub3A_191 = vector.broadcast %mul3A_0 : i32 to vector<16xi32>
      %sub3A_192 = arith.subi %get3A_190, %sub3A_191 : vector<16xi32>
      %lt3A_193 = vector.broadcast %add3A_7 : i32 to vector<16xi32>
      %lt3A_194 = arith.cmpi ult, %sub3A_192, %lt3A_193 : vector<16xi32>
      %broadcast_in_dim3A_195 = vector.broadcast %add3A : i32 to vector<16xi32>
      %select_n3A_196 = arith.select %lt3A_194, %sub3A_192, %broadcast_in_dim3A_195 : vector<16xi1>, vector<16xi32>
      %swap3A_197 = arith.index_cast %add3A_101 : i32 to index
      %swap3A_198 = arith.constant 96 : index
      %swap3A_199 = tpu.vector_load %arg7[%swap3A_197, %swap3A_198] {strides = array<i32>} : memref<160x128xi32, #tpu.memory_space<vmem>>, vector<1x16xi32>,
      %swap3A_200 = vector.shape_cast %swap3A_199 : vector<1x16xi32> to vector<16xi32>
      %swap3A_201 = vector.shape_cast %select_n3A_196 : vector<16xi32> to vector<1x16xi32>
      tpu.vector_store %arg7[%swap3A_197, %swap3A_198], %swap3A_201 {strides = array<i32>} : memref<160x128xi32, #tpu.memory_space<vmem>>, vector<1x16xi32>,
      %get3A_202 = arith.index_cast %add3A_101 : i32 to index
      %get3A_203 = arith.constant 112 : index
      %get3A_204 = tpu.vector_load %arg7[%get3A_202, %get3A_203] {strides = array<i32>} : memref<160x128xi32, #tpu.memory_space<vmem>>, vector<1x16xi32>,
      %get3A_205 = vector.shape_cast %get3A_204 : vector<1x16xi32> to vector<16xi32>
      %sub3A_206 = vector.broadcast %mul3A_0 : i32 to vector<16xi32>
      %sub3A_207 = arith.subi %get3A_205, %sub3A_206 : vector<16xi32>
      %lt3A_208 = vector.broadcast %add3A_7 : i32 to vector<16xi32>
      %lt3A_209 = arith.cmpi ult, %sub3A_207, %lt3A_208 : vector<16xi32>
      %broadcast_in_dim3A_210 = vector.broadcast %add3A : i32 to vector<16xi32>
      %select_n3A_211 = arith.select %lt3A_209, %sub3A_207, %broadcast_in_dim3A_210 : vector<16xi1>, vector<16xi32>
      %swap3A_212 = arith.index_cast %add3A_101 : i32 to index
      %swap3A_213 = arith.constant 112 : index
      %swap3A_214 = tpu.vector_load %arg7[%swap3A_212, %swap3A_213] {strides = array<i32>} : memref<160x128xi32, #tpu.memory_space<vmem>>, vector<1x16xi32>,
      %swap3A_215 = vector.shape_cast %swap3A_214 : vector<1x16xi32> to vector<16xi32>
      %swap3A_216 = vector.shape_cast %select_n3A_211 : vector<16xi32> to vector<1x16xi32>
      tpu.vector_store %arg7[%swap3A_212, %swap3A_213], %swap3A_216 {strides = array<i32>} : memref<160x128xi32, #tpu.memory_space<vmem>>, vector<1x16xi32>,
    }
    %scan3A_11 = arith.constant 160 : i32
    %scan3A_12 = arith.constant 0 : i32
    %scan3A_13 = arith.constant 128 : i32
    %scan3A_14 = arith.addi %scan3A_12, %scan3A_13 : i32
    %scan3A_15 = arith.constant 1 : i32
    scf.for %scan3A_97 = %scan3A_12 to %scan3A_14 step %scan3A_15  : i32 {
      %mul3A_98 = arith.constant 1 : i32
      %mul3A_99 = arith.muli %scan3A_97, %mul3A_98 : i32
      %add3A_100 = arith.constant 0 : i32
      %add3A_101 = arith.addi %add3A_100, %mul3A_99 : i32
      %broadcast_in_dim3A = arith.constant 0.000000e+00 : f32
      %broadcast_in_dim3A_102 = vector.broadcast %broadcast_in_dim3A : f32 to vector<16xf32>
      %swap3A = arith.constant 0 : i32
      %swap3A_103 = arith.index_cast %swap3A : i32 to index
      %swap3A_104 = arith.index_cast %add3A_101 : i32 to index
      %swap3A_105 = arith.constant 0 : index
      %swap3A_106 = tpu.vector_load %arg8[%swap3A_103, %swap3A_104, %swap3A_105] {strides = array<i32>} : memref<2x128x128xf32, #tpu.memory_space<vmem>>, vector<1x1x16xf32>,
      %swap3A_107 = vector.shape_cast %swap3A_106 : vector<1x1x16xf32> to vector<16xf32>
      %swap3A_108 = vector.shape_cast %broadcast_in_dim3A_102 : vector<16xf32> to vector<1x1x16xf32>
      tpu.vector_store %arg8[%swap3A_103, %swap3A_104, %swap3A_105], %swap3A_108 {strides = array<i32>} : memref<2x128x128xf32, #tpu.memory_space<vmem>>, vector<1x1x16xf32>,
      %broadcast_in_dim3A_109 = arith.constant 0.000000e+00 : f32
      %broadcast_in_dim3A_110 = vector.broadcast %broadcast_in_dim3A_109 : f32 to vector<16xf32>
      %swap3A_111 = arith.constant 0 : i32
      %swap3A_112 = arith.index_cast %swap3A_111 : i32 to index
      %swap3A_113 = arith.index_cast %add3A_101 : i32 to index
      %swap3A_114 = arith.constant 16 : index
      %swap3A_115 = tpu.vector_load %arg8[%swap3A_112, %swap3A_113, %swap3A_114] {strides = array<i32>} : memref<2x128x128xf32, #tpu.memory_space<vmem>>, vector<1x1x16xf32>,
      %swap3A_116 = vector.shape_cast %swap3A_115 : vector<1x1x16xf32> to vector<16xf32>
      %swap3A_117 = vector.shape_cast %broadcast_in_dim3A_110 : vector<16xf32> to vector<1x1x16xf32>
      tpu.vector_store %arg8[%swap3A_112, %swap3A_113, %swap3A_114], %swap3A_117 {strides = array<i32>} : memref<2x128x128xf32, #tpu.memory_space<vmem>>, vector<1x1x16xf32>,
      %broadcast_in_dim3A_118 = arith.constant 0.000000e+00 : f32
      %broadcast_in_dim3A_119 = vector.broadcast %broadcast_in_dim3A_118 : f32 to vector<16xf32>
      %swap3A_120 = arith.constant 0 : i32
      %swap3A_121 = arith.index_cast %swap3A_120 : i32 to index
      %swap3A_122 = arith.index_cast %add3A_101 : i32 to index
      %swap3A_123 = arith.constant 32 : index
      %swap3A_124 = tpu.vector_load %arg8[%swap3A_121, %swap3A_122, %swap3A_123] {strides = array<i32>} : memref<2x128x128xf32, #tpu.memory_space<vmem>>, vector<1x1x16xf32>,
      %swap3A_125 = vector.shape_cast %swap3A_124 : vector<1x1x16xf32> to vector<16xf32>
      %swap3A_126 = vector.shape_cast %broadcast_in_dim3A_119 : vector<16xf32> to vector<1x1x16xf32>
      tpu.vector_store %arg8[%swap3A_121, %swap3A_122, %swap3A_123], %swap3A_126 {strides = array<i32>} : memref<2x128x128xf32, #tpu.memory_space<vmem>>, vector<1x1x16xf32>,
      %broadcast_in_dim3A_127 = arith.constant 0.000000e+00 : f32
      %broadcast_in_dim3A_128 = vector.broadcast %broadcast_in_dim3A_127 : f32 to vector<16xf32>
      %swap3A_129 = arith.constant 0 : i32
      %swap3A_130 = arith.index_cast %swap3A_129 : i32 to index
      %swap3A_131 = arith.index_cast %add3A_101 : i32 to index
      %swap3A_132 = arith.constant 48 : index
      %swap3A_133 = tpu.vector_load %arg8[%swap3A_130, %swap3A_131, %swap3A_132] {strides = array<i32>} : memref<2x128x128xf32, #tpu.memory_space<vmem>>, vector<1x1x16xf32>,
      %swap3A_134 = vector.shape_cast %swap3A_133 : vector<1x1x16xf32> to vector<16xf32>
      %swap3A_135 = vector.shape_cast %broadcast_in_dim3A_128 : vector<16xf32> to vector<1x1x16xf32>
      tpu.vector_store %arg8[%swap3A_130, %swap3A_131, %swap3A_132], %swap3A_135 {strides = array<i32>} : memref<2x128x128xf32, #tpu.memory_space<vmem>>, vector<1x1x16xf32>,
      %broadcast_in_dim3A_136 = arith.constant 0.000000e+00 : f32
      %broadcast_in_dim3A_137 = vector.broadcast %broadcast_in_dim3A_136 : f32 to vector<16xf32>
      %swap3A_138 = arith.constant 0 : i32
      %swap3A_139 = arith.index_cast %swap3A_138 : i32 to index
      %swap3A_140 = arith.index_cast %add3A_101 : i32 to index
      %swap3A_141 = arith.constant 64 : index
      %swap3A_142 = tpu.vector_load %arg8[%swap3A_139, %swap3A_140, %swap3A_141] {strides = array<i32>} : memref<2x128x128xf32, #tpu.memory_space<vmem>>, vector<1x1x16xf32>,
      %swap3A_143 = vector.shape_cast %swap3A_142 : vector<1x1x16xf32> to vector<16xf32>
      %swap3A_144 = vector.shape_cast %broadcast_in_dim3A_137 : vector<16xf32> to vector<1x1x16xf32>
      tpu.vector_store %arg8[%swap3A_139, %swap3A_140, %swap3A_141], %swap3A_144 {strides = array<i32>} : memref<2x128x128xf32, #tpu.memory_space<vmem>>, vector<1x1x16xf32>,
      %broadcast_in_dim3A_145 = arith.constant 0.000000e+00 : f32
      %broadcast_in_dim3A_146 = vector.broadcast %broadcast_in_dim3A_145 : f32 to vector<16xf32>
      %swap3A_147 = arith.constant 0 : i32
      %swap3A_148 = arith.index_cast %swap3A_147 : i32 to index
      %swap3A_149 = arith.index_cast %add3A_101 : i32 to index
      %swap3A_150 = arith.constant 80 : index
      %swap3A_151 = tpu.vector_load %arg8[%swap3A_148, %swap3A_149, %swap3A_150] {strides = array<i32>} : memref<2x128x128xf32, #tpu.memory_space<vmem>>, vector<1x1x16xf32>,
      %swap3A_152 = vector.shape_cast %swap3A_151 : vector<1x1x16xf32> to vector<16xf32>
      %swap3A_153 = vector.shape_cast %broadcast_in_dim3A_146 : vector<16xf32> to vector<1x1x16xf32>
      tpu.vector_store %arg8[%swap3A_148, %swap3A_149, %swap3A_150], %swap3A_153 {strides = array<i32>} : memref<2x128x128xf32, #tpu.memory_space<vmem>>, vector<1x1x16xf32>,
      %broadcast_in_dim3A_154 = arith.constant 0.000000e+00 : f32
      %broadcast_in_dim3A_155 = vector.broadcast %broadcast_in_dim3A_154 : f32 to vector<16xf32>
      %swap3A_156 = arith.constant 0 : i32
      %swap3A_157 = arith.index_cast %swap3A_156 : i32 to index
      %swap3A_158 = arith.index_cast %add3A_101 : i32 to index
      %swap3A_159 = arith.constant 96 : index
      %swap3A_160 = tpu.vector_load %arg8[%swap3A_157, %swap3A_158, %swap3A_159] {strides = array<i32>} : memref<2x128x128xf32, #tpu.memory_space<vmem>>, vector<1x1x16xf32>,
      %swap3A_161 = vector.shape_cast %swap3A_160 : vector<1x1x16xf32> to vector<16xf32>
      %swap3A_162 = vector.shape_cast %broadcast_in_dim3A_155 : vector<16xf32> to vector<1x1x16xf32>
      tpu.vector_store %arg8[%swap3A_157, %swap3A_158, %swap3A_159], %swap3A_162 {strides = array<i32>} : memref<2x128x128xf32, #tpu.memory_space<vmem>>, vector<1x1x16xf32>,
      %broadcast_in_dim3A_163 = arith.constant 0.000000e+00 : f32
      %broadcast_in_dim3A_164 = vector.broadcast %broadcast_in_dim3A_163 : f32 to vector<16xf32>
      %swap3A_165 = arith.constant 0 : i32
      %swap3A_166 = arith.index_cast %swap3A_165 : i32 to index
      %swap3A_167 = arith.index_cast %add3A_101 : i32 to index
      %swap3A_168 = arith.constant 112 : index
      %swap3A_169 = tpu.vector_load %arg8[%swap3A_166, %swap3A_167, %swap3A_168] {strides = array<i32>} : memref<2x128x128xf32, #tpu.memory_space<vmem>>, vector<1x1x16xf32>,
      %swap3A_170 = vector.shape_cast %swap3A_169 : vector<1x1x16xf32> to vector<16xf32>
      %swap3A_171 = vector.shape_cast %broadcast_in_dim3A_164 : vector<16xf32> to vector<1x1x16xf32>
      tpu.vector_store %arg8[%swap3A_166, %swap3A_167, %swap3A_168], %swap3A_171 {strides = array<i32>} : memref<2x128x128xf32, #tpu.memory_space<vmem>>, vector<1x1x16xf32>,
    }
    %scan3A_16 = arith.constant 128 : i32
    %mul3A_17 = arith.constant 3 : i32
    %mul3A_18 = arith.muli %arg1, %mul3A_17 : i32
    %add3A_19 = arith.constant 0 : i32
    %add3A_20 = arith.addi %mul3A_18, %add3A_19 : i32
    %mul3A_21 = arith.constant 128 : i32
    %mul3A_22 = arith.muli %add3A_20, %mul3A_21 : i32
    %run_scoped3A = arith.constant 0 : i32
    "tpu.region"() ({
      %run_scoped3A_97 = tpu.sem_alloc : memref<!tpu.dma_semaphore, #tpu.memory_space<semaphore_mem>>
      %dma_start3A_98 = arith.constant 0 : i32
      %dma_start3A_99 = arith.constant 0 : i32
      %dma_start3A_100 = tpu.memref_slice %arg8[%run_scoped3A, %dma_start3A_98, %dma_start3A_99] : memref<2x128x128xf32, #tpu.memory_space<vmem>> -> memref<1x128x128xf32, #tpu.memory_space<vmem>>
      %dma_start3A_101 = tpu.memref_squeeze %dma_start3A_100 : memref<1x128x128xf32, #tpu.memory_space<vmem>> -> memref<128x128xf32, #tpu.memory_space<vmem>>
      %dma_start3A_102 = arith.constant 0 : i32
      %dma_start3A_103 = tpu.memref_slice %arg9[%mul3A_22, %dma_start3A_102] : memref<6144x128xf32, #tpu.memory_space<vmem_shared>> -> memref<128x128xf32, #tpu.memory_space<vmem_shared>>
      %dma_start3A_104 = arith.constant 0 : i32
      %dma_start3A_105 = tpu.memref_slice %arg9[%mul3A_22, %dma_start3A_104] : memref<6144x128xf32, #tpu.memory_space<vmem_shared>> -> memref<128x128xf32, #tpu.memory_space<vmem_shared>>
      %dma_start3A_106 = arith.constant 0 : i32
      %dma_start3A_107 = arith.constant 0 : i32
      %dma_start3A_108 = tpu.memref_slice %arg8[%run_scoped3A, %dma_start3A_106, %dma_start3A_107] : memref<2x128x128xf32, #tpu.memory_space<vmem>> -> memref<1x128x128xf32, #tpu.memory_space<vmem>>
      %dma_start3A_109 = tpu.memref_squeeze %dma_start3A_108 : memref<1x128x128xf32, #tpu.memory_space<vmem>> -> memref<128x128xf32, #tpu.memory_space<vmem>>
      tpu.enqueue_dma source(%dma_start3A_109 : memref<128x128xf32, #tpu.memory_space<vmem>>) target(%dma_start3A_105 : memref<128x128xf32, #tpu.memory_space<vmem_shared>>) target_semaphore(%run_scoped3A_97 : memref<!tpu.dma_semaphore, #tpu.memory_space<semaphore_mem>>)
      %dma_wait3A_110 = arith.constant 0 : i32
      %dma_wait3A_111 = arith.constant 0 : i32
      %dma_wait3A_112 = tpu.memref_slice %arg8[%run_scoped3A, %dma_wait3A_110, %dma_wait3A_111] : memref<2x128x128xf32, #tpu.memory_space<vmem>> -> memref<1x128x128xf32, #tpu.memory_space<vmem>>
      %dma_wait3A_113 = tpu.memref_squeeze %dma_wait3A_112 : memref<1x128x128xf32, #tpu.memory_space<vmem>> -> memref<128x128xf32, #tpu.memory_space<vmem>>
      %dma_wait3A_114 = arith.constant 0 : i32
      %dma_wait3A_115 = tpu.memref_slice %arg9[%mul3A_22, %dma_wait3A_114] : memref<6144x128xf32, #tpu.memory_space<vmem_shared>> -> memref<128x128xf32, #tpu.memory_space<vmem_shared>>
      %dma_wait3A_116 = arith.constant 0 : i32
      %dma_wait3A_117 = tpu.memref_slice %arg9[%mul3A_22, %dma_wait3A_116] : memref<6144x128xf32, #tpu.memory_space<vmem_shared>> -> memref<128x128xf32, #tpu.memory_space<vmem_shared>>
      %dma_wait3A_118 = arith.constant 0 : i32
      %dma_wait3A_119 = arith.constant 0 : i32
      %dma_wait3A_120 = tpu.memref_slice %arg8[%run_scoped3A, %dma_wait3A_118, %dma_wait3A_119] : memref<2x128x128xf32, #tpu.memory_space<vmem>> -> memref<1x128x128xf32, #tpu.memory_space<vmem>>
      %dma_wait3A_121 = tpu.memref_squeeze %dma_wait3A_120 : memref<1x128x128xf32, #tpu.memory_space<vmem>> -> memref<128x128xf32, #tpu.memory_space<vmem>>
      tpu.wait_dma2 semaphore(%run_scoped3A_97 : memref<!tpu.dma_semaphore, #tpu.memory_space<semaphore_mem>>) src(%dma_wait3A_121 : memref<128x128xf32, #tpu.memory_space<vmem>>) dst(%dma_wait3A_117 : memref<128x128xf32, #tpu.memory_space<vmem_shared>>)
      tpu.yield
    }) : () -> ()
    %mul3A_23 = arith.constant 3 : i32
    %mul3A_24 = arith.muli %arg1, %mul3A_23 : i32
    %add3A_25 = arith.constant 1 : i32
    %add3A_26 = arith.addi %mul3A_24, %add3A_25 : i32
    %mul3A_27 = arith.constant 128 : i32
    %mul3A_28 = arith.muli %add3A_26, %mul3A_27 : i32
    %run_scoped3A_29 = arith.constant 0 : i32
    "tpu.region"() ({
      %run_scoped3A_97 = tpu.sem_alloc : memref<!tpu.dma_semaphore, #tpu.memory_space<semaphore_mem>>
      %dma_start3A_98 = arith.constant 0 : i32
      %dma_start3A_99 = arith.constant 0 : i32
      %dma_start3A_100 = tpu.memref_slice %arg8[%run_scoped3A_29, %dma_start3A_98, %dma_start3A_99] : memref<2x128x128xf32, #tpu.memory_space<vmem>> -> memref<1x128x128xf32, #tpu.memory_space<vmem>>
      %dma_start3A_101 = tpu.memref_squeeze %dma_start3A_100 : memref<1x128x128xf32, #tpu.memory_space<vmem>> -> memref<128x128xf32, #tpu.memory_space<vmem>>
      %dma_start3A_102 = arith.constant 0 : i32
      %dma_start3A_103 = tpu.memref_slice %arg9[%mul3A_28, %dma_start3A_102] : memref<6144x128xf32, #tpu.memory_space<vmem_shared>> -> memref<128x128xf32, #tpu.memory_space<vmem_shared>>
      %dma_start3A_104 = arith.constant 0 : i32
      %dma_start3A_105 = tpu.memref_slice %arg9[%mul3A_28, %dma_start3A_104] : memref<6144x128xf32, #tpu.memory_space<vmem_shared>> -> memref<128x128xf32, #tpu.memory_space<vmem_shared>>
      %dma_start3A_106 = arith.constant 0 : i32
      %dma_start3A_107 = arith.constant 0 : i32
      %dma_start3A_108 = tpu.memref_slice %arg8[%run_scoped3A_29, %dma_start3A_106, %dma_start3A_107] : memref<2x128x128xf32, #tpu.memory_space<vmem>> -> memref<1x128x128xf32, #tpu.memory_space<vmem>>
      %dma_start3A_109 = tpu.memref_squeeze %dma_start3A_108 : memref<1x128x128xf32, #tpu.memory_space<vmem>> -> memref<128x128xf32, #tpu.memory_space<vmem>>
      tpu.enqueue_dma source(%dma_start3A_109 : memref<128x128xf32, #tpu.memory_space<vmem>>) target(%dma_start3A_105 : memref<128x128xf32, #tpu.memory_space<vmem_shared>>) target_semaphore(%run_scoped3A_97 : memref<!tpu.dma_semaphore, #tpu.memory_space<semaphore_mem>>)
      %dma_wait3A_110 = arith.constant 0 : i32
      %dma_wait3A_111 = arith.constant 0 : i32
      %dma_wait3A_112 = tpu.memref_slice %arg8[%run_scoped3A_29, %dma_wait3A_110, %dma_wait3A_111] : memref<2x128x128xf32, #tpu.memory_space<vmem>> -> memref<1x128x128xf32, #tpu.memory_space<vmem>>
      %dma_wait3A_113 = tpu.memref_squeeze %dma_wait3A_112 : memref<1x128x128xf32, #tpu.memory_space<vmem>> -> memref<128x128xf32, #tpu.memory_space<vmem>>
      %dma_wait3A_114 = arith.constant 0 : i32
      %dma_wait3A_115 = tpu.memref_slice %arg9[%mul3A_28, %dma_wait3A_114] : memref<6144x128xf32, #tpu.memory_space<vmem_shared>> -> memref<128x128xf32, #tpu.memory_space<vmem_shared>>
      %dma_wait3A_116 = arith.constant 0 : i32
      %dma_wait3A_117 = tpu.memref_slice %arg9[%mul3A_28, %dma_wait3A_116] : memref<6144x128xf32, #tpu.memory_space<vmem_shared>> -> memref<128x128xf32, #tpu.memory_space<vmem_shared>>
      %dma_wait3A_118 = arith.constant 0 : i32
      %dma_wait3A_119 = arith.constant 0 : i32
      %dma_wait3A_120 = tpu.memref_slice %arg8[%run_scoped3A_29, %dma_wait3A_118, %dma_wait3A_119] : memref<2x128x128xf32, #tpu.memory_space<vmem>> -> memref<1x128x128xf32, #tpu.memory_space<vmem>>
      %dma_wait3A_121 = tpu.memref_squeeze %dma_wait3A_120 : memref<1x128x128xf32, #tpu.memory_space<vmem>> -> memref<128x128xf32, #tpu.memory_space<vmem>>
      tpu.wait_dma2 semaphore(%run_scoped3A_97 : memref<!tpu.dma_semaphore, #tpu.memory_space<semaphore_mem>>) src(%dma_wait3A_121 : memref<128x128xf32, #tpu.memory_space<vmem>>) dst(%dma_wait3A_117 : memref<128x128xf32, #tpu.memory_space<vmem_shared>>)
      tpu.yield
    }) : () -> ()
    %mul3A_30 = arith.constant 3 : i32
    %mul3A_31 = arith.muli %arg1, %mul3A_30 : i32
    %add3A_32 = arith.constant 2 : i32
    %add3A_33 = arith.addi %mul3A_31, %add3A_32 : i32
    %mul3A_34 = arith.constant 128 : i32
    %mul3A_35 = arith.muli %add3A_33, %mul3A_34 : i32
    %run_scoped3A_36 = arith.constant 0 : i32
    "tpu.region"() ({
      %run_scoped3A_97 = tpu.sem_alloc : memref<!tpu.dma_semaphore, #tpu.memory_space<semaphore_mem>>
      %dma_start3A_98 = arith.constant 0 : i32
      %dma_start3A_99 = arith.constant 0 : i32
      %dma_start3A_100 = tpu.memref_slice %arg8[%run_scoped3A_36, %dma_start3A_98, %dma_start3A_99] : memref<2x128x128xf32, #tpu.memory_space<vmem>> -> memref<1x128x128xf32, #tpu.memory_space<vmem>>
      %dma_start3A_101 = tpu.memref_squeeze %dma_start3A_100 : memref<1x128x128xf32, #tpu.memory_space<vmem>> -> memref<128x128xf32, #tpu.memory_space<vmem>>
      %dma_start3A_102 = arith.constant 0 : i32
      %dma_start3A_103 = tpu.memref_slice %arg9[%mul3A_35, %dma_start3A_102] : memref<6144x128xf32, #tpu.memory_space<vmem_shared>> -> memref<128x128xf32, #tpu.memory_space<vmem_shared>>
      %dma_start3A_104 = arith.constant 0 : i32
      %dma_start3A_105 = tpu.memref_slice %arg9[%mul3A_35, %dma_start3A_104] : memref<6144x128xf32, #tpu.memory_space<vmem_shared>> -> memref<128x128xf32, #tpu.memory_space<vmem_shared>>
      %dma_start3A_106 = arith.constant 0 : i32
      %dma_start3A_107 = arith.constant 0 : i32
      %dma_start3A_108 = tpu.memref_slice %arg8[%run_scoped3A_36, %dma_start3A_106, %dma_start3A_107] : memref<2x128x128xf32, #tpu.memory_space<vmem>> -> memref<1x128x128xf32, #tpu.memory_space<vmem>>
      %dma_start3A_109 = tpu.memref_squeeze %dma_start3A_108 : memref<1x128x128xf32, #tpu.memory_space<vmem>> -> memref<128x128xf32, #tpu.memory_space<vmem>>
      tpu.enqueue_dma source(%dma_start3A_109 : memref<128x128xf32, #tpu.memory_space<vmem>>) target(%dma_start3A_105 : memref<128x128xf32, #tpu.memory_space<vmem_shared>>) target_semaphore(%run_scoped3A_97 : memref<!tpu.dma_semaphore, #tpu.memory_space<semaphore_mem>>)
      %dma_wait3A_110 = arith.constant 0 : i32
      %dma_wait3A_111 = arith.constant 0 : i32
      %dma_wait3A_112 = tpu.memref_slice %arg8[%run_scoped3A_36, %dma_wait3A_110, %dma_wait3A_111] : memref<2x128x128xf32, #tpu.memory_space<vmem>> -> memref<1x128x128xf32, #tpu.memory_space<vmem>>
      %dma_wait3A_113 = tpu.memref_squeeze %dma_wait3A_112 : memref<1x128x128xf32, #tpu.memory_space<vmem>> -> memref<128x128xf32, #tpu.memory_space<vmem>>
      %dma_wait3A_114 = arith.constant 0 : i32
      %dma_wait3A_115 = tpu.memref_slice %arg9[%mul3A_35, %dma_wait3A_114] : memref<6144x128xf32, #tpu.memory_space<vmem_shared>> -> memref<128x128xf32, #tpu.memory_space<vmem_shared>>
      %dma_wait3A_116 = arith.constant 0 : i32
      %dma_wait3A_117 = tpu.memref_slice %arg9[%mul3A_35, %dma_wait3A_116] : memref<6144x128xf32, #tpu.memory_space<vmem_shared>> -> memref<128x128xf32, #tpu.memory_space<vmem_shared>>
      %dma_wait3A_118 = arith.constant 0 : i32
      %dma_wait3A_119 = arith.constant 0 : i32
      %dma_wait3A_120 = tpu.memref_slice %arg8[%run_scoped3A_36, %dma_wait3A_118, %dma_wait3A_119] : memref<2x128x128xf32, #tpu.memory_space<vmem>> -> memref<1x128x128xf32, #tpu.memory_space<vmem>>
      %dma_wait3A_121 = tpu.memref_squeeze %dma_wait3A_120 : memref<1x128x128xf32, #tpu.memory_space<vmem>> -> memref<128x128xf32, #tpu.memory_space<vmem>>
      tpu.wait_dma2 semaphore(%run_scoped3A_97 : memref<!tpu.dma_semaphore, #tpu.memory_space<semaphore_mem>>) src(%dma_wait3A_121 : memref<128x128xf32, #tpu.memory_space<vmem>>) dst(%dma_wait3A_117 : memref<128x128xf32, #tpu.memory_space<vmem_shared>>)
      tpu.yield
    }) : () -> ()
    %barrier3A = arith.constant 0 : index
    tpu.barrier barrier_id(%barrier3A)
    %dma_start3A = arith.constant 0 : i32
    %dma_start3A_37 = arith.constant 0 : i32
    %dma_start3A_38 = arith.constant 0 : i32
    %dma_start3A_39 = arith.constant 0 : i32
    %dma_start3A_40 = tpu.memref_slice %arg8[%dma_start3A_37, %dma_start3A_38, %dma_start3A_39] : memref<2x128x128xf32, #tpu.memory_space<vmem>> -> memref<1x128x128xf32, #tpu.memory_space<vmem>>
    %dma_start3A_41 = tpu.memref_squeeze %dma_start3A_40 : memref<1x128x128xf32, #tpu.memory_space<vmem>> -> memref<128x128xf32, #tpu.memory_space<vmem>>
    %dma_start3A_42 = arith.constant 0 : i32
    %dma_start3A_43 = tpu.memref_slice %arg6[%dma_start3A, %dma_start3A_42] : memref<160x128xi32, #tpu.memory_space<vmem>> -> memref<1x128xi32, #tpu.memory_space<vmem>>
    %dma_start3A_44 = tpu.memref_squeeze %dma_start3A_43 : memref<1x128xi32, #tpu.memory_space<vmem>> -> memref<128xi32, #tpu.memory_space<vmem>>
    %dma_start3A_45 = arith.constant 0 : i32
    %dma_start3A_46 = arith.constant 0 : i32
    %dma_start3A_47 = tpu.memref_slice %arg2[%dma_start3A_45, %dma_start3A_46] : memref<10000x128xf32, #tpu.memory_space<hbm>> -> memref<10000x128xf32, #tpu.memory_space<hbm>>
    tpu.enqueue_indirect_dma source(%dma_start3A_47 : memref<10000x128xf32, #tpu.memory_space<hbm>>) target(%dma_start3A_41 : memref<128x128xf32, #tpu.memory_space<vmem>>) offsets(%dma_start3A_44 : memref<128xi32, #tpu.memory_space<vmem>>) semaphore(%arg10 : memref<!tpu.dma_semaphore, #tpu.memory_space<semaphore_mem>>)
    %dma_start3A_48 = arith.constant 1 : i32
    %dma_start3A_49 = arith.constant 1 : i32
    %dma_start3A_50 = arith.constant 0 : i32
    %dma_start3A_51 = arith.constant 0 : i32
    %dma_start3A_52 = tpu.memref_slice %arg8[%dma_start3A_49, %dma_start3A_50, %dma_start3A_51] : memref<2x128x128xf32, #tpu.memory_space<vmem>> -> memref<1x128x128xf32, #tpu.memory_space<vmem>>
    %dma_start3A_53 = tpu.memref_squeeze %dma_start3A_52 : memref<1x128x128xf32, #tpu.memory_space<vmem>> -> memref<128x128xf32, #tpu.memory_space<vmem>>
    %dma_start3A_54 = arith.constant 0 : i32
    %dma_start3A_55 = tpu.memref_slice %arg6[%dma_start3A_48, %dma_start3A_54] : memref<160x128xi32, #tpu.memory_space<vmem>> -> memref<1x128xi32, #tpu.memory_space<vmem>>
    %dma_start3A_56 = tpu.memref_squeeze %dma_start3A_55 : memref<1x128xi32, #tpu.memory_space<vmem>> -> memref<128xi32, #tpu.memory_space<vmem>>
    %dma_start3A_57 = arith.constant 0 : i32
    %dma_start3A_58 = arith.constant 0 : i32
    %dma_start3A_59 = tpu.memref_slice %arg2[%dma_start3A_57, %dma_start3A_58] : memref<10000x128xf32, #tpu.memory_space<hbm>> -> memref<10000x128xf32, #tpu.memory_space<hbm>>
    tpu.enqueue_indirect_dma source(%dma_start3A_59 : memref<10000x128xf32, #tpu.memory_space<hbm>>) target(%dma_start3A_53 : memref<128x128xf32, #tpu.memory_space<vmem>>) offsets(%dma_start3A_56 : memref<128xi32, #tpu.memory_space<vmem>>) semaphore(%arg11 : memref<!tpu.dma_semaphore, #tpu.memory_space<semaphore_mem>>)
    %scan3A_60 = arith.constant 0 : i32
    %scan3A_61 = arith.constant 79 : i32
    %scan3A_62 = arith.addi %scan3A_60, %scan3A_61 : i32
    %scan3A_63 = arith.constant 1 : i32
    scf.for %scan3A_97 = %scan3A_60 to %scan3A_62 step %scan3A_63  : i32 {
      %mul3A_98 = arith.constant 2 : i32
      %mul3A_99 = arith.muli %scan3A_97, %mul3A_98 : i32
      %add3A_100 = arith.constant 0 : i32
      %add3A_101 = arith.addi %add3A_100, %mul3A_99 : i32
      %add3A_102 = arith.constant 0 : i32
      %add3A_103 = arith.addi %add3A_101, %add3A_102 : i32
      %dma_wait3A_104 = arith.constant 0 : i32
      %dma_wait3A_105 = arith.constant 0 : i32
      %dma_wait3A_106 = arith.constant 0 : i32
      %dma_wait3A_107 = tpu.memref_slice %arg8[%dma_wait3A_104, %dma_wait3A_105, %dma_wait3A_106] : memref<2x128x128xf32, #tpu.memory_space<vmem>> -> memref<1x128x128xf32, #tpu.memory_space<vmem>>
      %dma_wait3A_108 = tpu.memref_squeeze %dma_wait3A_107 : memref<1x128x128xf32, #tpu.memory_space<vmem>> -> memref<128x128xf32, #tpu.memory_space<vmem>>
      %dma_wait3A_109 = arith.constant 0 : i32
      %dma_wait3A_110 = tpu.memref_slice %arg6[%add3A_103, %dma_wait3A_109] : memref<160x128xi32, #tpu.memory_space<vmem>> -> memref<1x128xi32, #tpu.memory_space<vmem>>
      %dma_wait3A_111 = tpu.memref_squeeze %dma_wait3A_110 : memref<1x128xi32, #tpu.memory_space<vmem>> -> memref<128xi32, #tpu.memory_space<vmem>>
      %dma_wait3A_112 = arith.constant 0 : i32
      %dma_wait3A_113 = arith.constant 0 : i32
      %dma_wait3A_114 = tpu.memref_slice %arg2[%dma_wait3A_112, %dma_wait3A_113] : memref<10000x128xf32, #tpu.memory_space<hbm>> -> memref<10000x128xf32, #tpu.memory_space<hbm>>
      tpu.wait_indirect_dma semaphore(%arg10 : memref<!tpu.dma_semaphore, #tpu.memory_space<semaphore_mem>>) src(%dma_wait3A_114 : memref<10000x128xf32, #tpu.memory_space<hbm>>) dst(%dma_wait3A_108 : memref<128x128xf32, #tpu.memory_space<vmem>>)
      %run_scoped3A_115 = arith.constant 0 : i32
      "tpu.region"() ({
        %run_scoped3A_156 = tpu.sem_alloc : memref<!tpu.dma_semaphore, #tpu.memory_space<semaphore_mem>>
        %dma_start3A_157 = arith.constant 0 : i32
        %dma_start3A_158 = arith.constant 0 : i32
        %dma_start3A_159 = tpu.memref_slice %arg8[%run_scoped3A_115, %dma_start3A_157, %dma_start3A_158] : memref<2x128x128xf32, #tpu.memory_space<vmem>> -> memref<1x128x128xf32, #tpu.memory_space<vmem>>
        %dma_start3A_160 = tpu.memref_squeeze %dma_start3A_159 : memref<1x128x128xf32, #tpu.memory_space<vmem>> -> memref<128x128xf32, #tpu.memory_space<vmem>>
        %dma_start3A_161 = arith.constant 0 : i32
        %dma_start3A_162 = tpu.memref_slice %arg7[%add3A_103, %dma_start3A_161] : memref<160x128xi32, #tpu.memory_space<vmem>> -> memref<1x128xi32, #tpu.memory_space<vmem>>
        %dma_start3A_163 = tpu.memref_squeeze %dma_start3A_162 : memref<1x128xi32, #tpu.memory_space<vmem>> -> memref<128xi32, #tpu.memory_space<vmem>>
        %dma_start3A_164 = arith.constant 0 : i32
        %dma_start3A_165 = arith.constant 0 : i32
        %dma_start3A_166 = tpu.memref_slice %arg9[%dma_start3A_164, %dma_start3A_165] : memref<6144x128xf32, #tpu.memory_space<vmem_shared>> -> memref<6144x128xf32, #tpu.memory_space<vmem_shared>>
        tpu.enqueue_indirect_dma source(%dma_start3A_160 : memref<128x128xf32, #tpu.memory_space<vmem>>) target(%dma_start3A_166 : memref<6144x128xf32, #tpu.memory_space<vmem_shared>>) offsets(%dma_start3A_163 : memref<128xi32, #tpu.memory_space<vmem>>) semaphore(%run_scoped3A_156 : memref<!tpu.dma_semaphore, #tpu.memory_space<semaphore_mem>>) {add = true}
        %dma_wait3A_167 = arith.constant 0 : i32
        %dma_wait3A_168 = arith.constant 0 : i32
        %dma_wait3A_169 = tpu.memref_slice %arg8[%run_scoped3A_115, %dma_wait3A_167, %dma_wait3A_168] : memref<2x128x128xf32, #tpu.memory_space<vmem>> -> memref<1x128x128xf32, #tpu.memory_space<vmem>>
        %dma_wait3A_170 = tpu.memref_squeeze %dma_wait3A_169 : memref<1x128x128xf32, #tpu.memory_space<vmem>> -> memref<128x128xf32, #tpu.memory_space<vmem>>
        %dma_wait3A_171 = arith.constant 0 : i32
        %dma_wait3A_172 = tpu.memref_slice %arg7[%add3A_103, %dma_wait3A_171] : memref<160x128xi32, #tpu.memory_space<vmem>> -> memref<1x128xi32, #tpu.memory_space<vmem>>
        %dma_wait3A_173 = tpu.memref_squeeze %dma_wait3A_172 : memref<1x128xi32, #tpu.memory_space<vmem>> -> memref<128xi32, #tpu.memory_space<vmem>>
        %dma_wait3A_174 = arith.constant 0 : i32
        %dma_wait3A_175 = arith.constant 0 : i32
        %dma_wait3A_176 = tpu.memref_slice %arg9[%dma_wait3A_174, %dma_wait3A_175] : memref<6144x128xf32, #tpu.memory_space<vmem_shared>> -> memref<6144x128xf32, #tpu.memory_space<vmem_shared>>
        tpu.wait_indirect_dma semaphore(%run_scoped3A_156 : memref<!tpu.dma_semaphore, #tpu.memory_space<semaphore_mem>>) src(%dma_wait3A_170 : memref<128x128xf32, #tpu.memory_space<vmem>>) dst(%dma_wait3A_176 : memref<6144x128xf32, #tpu.memory_space<vmem_shared>>)
        tpu.yield
      }) : () -> ()
      %add3A_116 = arith.constant 2 : i32
      %add3A_117 = arith.addi %add3A_103, %add3A_116 : i32
      %dma_start3A_118 = arith.constant 0 : i32
      %dma_start3A_119 = arith.constant 0 : i32
      %dma_start3A_120 = arith.constant 0 : i32
      %dma_start3A_121 = tpu.memref_slice %arg8[%dma_start3A_118, %dma_start3A_119, %dma_start3A_120] : memref<2x128x128xf32, #tpu.memory_space<vmem>> -> memref<1x128x128xf32, #tpu.memory_space<vmem>>
      %dma_start3A_122 = tpu.memref_squeeze %dma_start3A_121 : memref<1x128x128xf32, #tpu.memory_space<vmem>> -> memref<128x128xf32, #tpu.memory_space<vmem>>
      %dma_start3A_123 = arith.constant 0 : i32
      %dma_start3A_124 = tpu.memref_slice %arg6[%add3A_117, %dma_start3A_123] : memref<160x128xi32, #tpu.memory_space<vmem>> -> memref<1x128xi32, #tpu.memory_space<vmem>>
      %dma_start3A_125 = tpu.memref_squeeze %dma_start3A_124 : memref<1x128xi32, #tpu.memory_space<vmem>> -> memref<128xi32, #tpu.memory_space<vmem>>
      %dma_start3A_126 = arith.constant 0 : i32
      %dma_start3A_127 = arith.constant 0 : i32
      %dma_start3A_128 = tpu.memref_slice %arg2[%dma_start3A_126, %dma_start3A_127] : memref<10000x128xf32, #tpu.memory_space<hbm>> -> memref<10000x128xf32, #tpu.memory_space<hbm>>
      tpu.enqueue_indirect_dma source(%dma_start3A_128 : memref<10000x128xf32, #tpu.memory_space<hbm>>) target(%dma_start3A_122 : memref<128x128xf32, #tpu.memory_space<vmem>>) offsets(%dma_start3A_125 : memref<128xi32, #tpu.memory_space<vmem>>) semaphore(%arg10 : memref<!tpu.dma_semaphore, #tpu.memory_space<semaphore_mem>>)
      %add3A_129 = arith.constant 1 : i32
      %add3A_130 = arith.addi %add3A_101, %add3A_129 : i32
      %dma_wait3A_131 = arith.constant 1 : i32
      %dma_wait3A_132 = arith.constant 0 : i32
      %dma_wait3A_133 = arith.constant 0 : i32
      %dma_wait3A_134 = tpu.memref_slice %arg8[%dma_wait3A_131, %dma_wait3A_132, %dma_wait3A_133] : memref<2x128x128xf32, #tpu.memory_space<vmem>> -> memref<1x128x128xf32, #tpu.memory_space<vmem>>
      %dma_wait3A_135 = tpu.memref_squeeze %dma_wait3A_134 : memref<1x128x128xf32, #tpu.memory_space<vmem>> -> memref<128x128xf32, #tpu.memory_space<vmem>>
      %dma_wait3A_136 = arith.constant 0 : i32
      %dma_wait3A_137 = tpu.memref_slice %arg6[%add3A_130, %dma_wait3A_136] : memref<160x128xi32, #tpu.memory_space<vmem>> -> memref<1x128xi32, #tpu.memory_space<vmem>>
      %dma_wait3A_138 = tpu.memref_squeeze %dma_wait3A_137 : memref<1x128xi32, #tpu.memory_space<vmem>> -> memref<128xi32, #tpu.memory_space<vmem>>
      %dma_wait3A_139 = arith.constant 0 : i32
      %dma_wait3A_140 = arith.constant 0 : i32
      %dma_wait3A_141 = tpu.memref_slice %arg2[%dma_wait3A_139, %dma_wait3A_140] : memref<10000x128xf32, #tpu.memory_space<hbm>> -> memref<10000x128xf32, #tpu.memory_space<hbm>>
      tpu.wait_indirect_dma semaphore(%arg11 : memref<!tpu.dma_semaphore, #tpu.memory_space<semaphore_mem>>) src(%dma_wait3A_141 : memref<10000x128xf32, #tpu.memory_space<hbm>>) dst(%dma_wait3A_135 : memref<128x128xf32, #tpu.memory_space<vmem>>)
      %run_scoped3A_142 = arith.constant 1 : i32
      "tpu.region"() ({
        %run_scoped3A_156 = tpu.sem_alloc : memref<!tpu.dma_semaphore, #tpu.memory_space<semaphore_mem>>
        %dma_start3A_157 = arith.constant 0 : i32
        %dma_start3A_158 = arith.constant 0 : i32
        %dma_start3A_159 = tpu.memref_slice %arg8[%run_scoped3A_142, %dma_start3A_157, %dma_start3A_158] : memref<2x128x128xf32, #tpu.memory_space<vmem>> -> memref<1x128x128xf32, #tpu.memory_space<vmem>>
        %dma_start3A_160 = tpu.memref_squeeze %dma_start3A_159 : memref<1x128x128xf32, #tpu.memory_space<vmem>> -> memref<128x128xf32, #tpu.memory_space<vmem>>
        %dma_start3A_161 = arith.constant 0 : i32
        %dma_start3A_162 = tpu.memref_slice %arg7[%add3A_130, %dma_start3A_161] : memref<160x128xi32, #tpu.memory_space<vmem>> -> memref<1x128xi32, #tpu.memory_space<vmem>>
        %dma_start3A_163 = tpu.memref_squeeze %dma_start3A_162 : memref<1x128xi32, #tpu.memory_space<vmem>> -> memref<128xi32, #tpu.memory_space<vmem>>
        %dma_start3A_164 = arith.constant 0 : i32
        %dma_start3A_165 = arith.constant 0 : i32
        %dma_start3A_166 = tpu.memref_slice %arg9[%dma_start3A_164, %dma_start3A_165] : memref<6144x128xf32, #tpu.memory_space<vmem_shared>> -> memref<6144x128xf32, #tpu.memory_space<vmem_shared>>
        tpu.enqueue_indirect_dma source(%dma_start3A_160 : memref<128x128xf32, #tpu.memory_space<vmem>>) target(%dma_start3A_166 : memref<6144x128xf32, #tpu.memory_space<vmem_shared>>) offsets(%dma_start3A_163 : memref<128xi32, #tpu.memory_space<vmem>>) semaphore(%run_scoped3A_156 : memref<!tpu.dma_semaphore, #tpu.memory_space<semaphore_mem>>) {add = true}
        %dma_wait3A_167 = arith.constant 0 : i32
        %dma_wait3A_168 = arith.constant 0 : i32
        %dma_wait3A_169 = tpu.memref_slice %arg8[%run_scoped3A_142, %dma_wait3A_167, %dma_wait3A_168] : memref<2x128x128xf32, #tpu.memory_space<vmem>> -> memref<1x128x128xf32, #tpu.memory_space<vmem>>
        %dma_wait3A_170 = tpu.memref_squeeze %dma_wait3A_169 : memref<1x128x128xf32, #tpu.memory_space<vmem>> -> memref<128x128xf32, #tpu.memory_space<vmem>>
        %dma_wait3A_171 = arith.constant 0 : i32
        %dma_wait3A_172 = tpu.memref_slice %arg7[%add3A_130, %dma_wait3A_171] : memref<160x128xi32, #tpu.memory_space<vmem>> -> memref<1x128xi32, #tpu.memory_space<vmem>>
        %dma_wait3A_173 = tpu.memref_squeeze %dma_wait3A_172 : memref<1x128xi32, #tpu.memory_space<vmem>> -> memref<128xi32, #tpu.memory_space<vmem>>
        %dma_wait3A_174 = arith.constant 0 : i32
        %dma_wait3A_175 = arith.constant 0 : i32
        %dma_wait3A_176 = tpu.memref_slice %arg9[%dma_wait3A_174, %dma_wait3A_175] : memref<6144x128xf32, #tpu.memory_space<vmem_shared>> -> memref<6144x128xf32, #tpu.memory_space<vmem_shared>>
        tpu.wait_indirect_dma semaphore(%run_scoped3A_156 : memref<!tpu.dma_semaphore, #tpu.memory_space<semaphore_mem>>) src(%dma_wait3A_170 : memref<128x128xf32, #tpu.memory_space<vmem>>) dst(%dma_wait3A_176 : memref<6144x128xf32, #tpu.memory_space<vmem_shared>>)
        tpu.yield
      }) : () -> ()
      %add3A_143 = arith.constant 2 : i32
      %add3A_144 = arith.addi %add3A_130, %add3A_143 : i32
      %dma_start3A_145 = arith.constant 1 : i32
      %dma_start3A_146 = arith.constant 0 : i32
      %dma_start3A_147 = arith.constant 0 : i32
      %dma_start3A_148 = tpu.memref_slice %arg8[%dma_start3A_145, %dma_start3A_146, %dma_start3A_147] : memref<2x128x128xf32, #tpu.memory_space<vmem>> -> memref<1x128x128xf32, #tpu.memory_space<vmem>>
      %dma_start3A_149 = tpu.memref_squeeze %dma_start3A_148 : memref<1x128x128xf32, #tpu.memory_space<vmem>> -> memref<128x128xf32, #tpu.memory_space<vmem>>
      %dma_start3A_150 = arith.constant 0 : i32
      %dma_start3A_151 = tpu.memref_slice %arg6[%add3A_144, %dma_start3A_150] : memref<160x128xi32, #tpu.memory_space<vmem>> -> memref<1x128xi32, #tpu.memory_space<vmem>>
      %dma_start3A_152 = tpu.memref_squeeze %dma_start3A_151 : memref<1x128xi32, #tpu.memory_space<vmem>> -> memref<128xi32, #tpu.memory_space<vmem>>
      %dma_start3A_153 = arith.constant 0 : i32
      %dma_start3A_154 = arith.constant 0 : i32
      %dma_start3A_155 = tpu.memref_slice %arg2[%dma_start3A_153, %dma_start3A_154] : memref<10000x128xf32, #tpu.memory_space<hbm>> -> memref<10000x128xf32, #tpu.memory_space<hbm>>
      tpu.enqueue_indirect_dma source(%dma_start3A_155 : memref<10000x128xf32, #tpu.memory_space<hbm>>) target(%dma_start3A_149 : memref<128x128xf32, #tpu.memory_space<vmem>>) offsets(%dma_start3A_152 : memref<128xi32, #tpu.memory_space<vmem>>) semaphore(%arg11 : memref<!tpu.dma_semaphore, #tpu.memory_space<semaphore_mem>>)
    }
    %scan3A_64 = arith.constant 79 : i32
    %dma_wait3A = arith.constant 158 : i32
    %dma_wait3A_65 = arith.constant 0 : i32
    %dma_wait3A_66 = arith.constant 0 : i32
    %dma_wait3A_67 = arith.constant 0 : i32
    %dma_wait3A_68 = tpu.memref_slice %arg8[%dma_wait3A_65, %dma_wait3A_66, %dma_wait3A_67] : memref<2x128x128xf32, #tpu.memory_space<vmem>> -> memref<1x128x128xf32, #tpu.memory_space<vmem>>
    %dma_wait3A_69 = tpu.memref_squeeze %dma_wait3A_68 : memref<1x128x128xf32, #tpu.memory_space<vmem>> -> memref<128x128xf32, #tpu.memory_space<vmem>>
    %dma_wait3A_70 = arith.constant 0 : i32
    %dma_wait3A_71 = tpu.memref_slice %arg6[%dma_wait3A, %dma_wait3A_70] : memref<160x128xi32, #tpu.memory_space<vmem>> -> memref<1x128xi32, #tpu.memory_space<vmem>>
    %dma_wait3A_72 = tpu.memref_squeeze %dma_wait3A_71 : memref<1x128xi32, #tpu.memory_space<vmem>> -> memref<128xi32, #tpu.memory_space<vmem>>
    %dma_wait3A_73 = arith.constant 0 : i32
    %dma_wait3A_74 = arith.constant 0 : i32
    %dma_wait3A_75 = tpu.memref_slice %arg2[%dma_wait3A_73, %dma_wait3A_74] : memref<10000x128xf32, #tpu.memory_space<hbm>> -> memref<10000x128xf32, #tpu.memory_space<hbm>>
    tpu.wait_indirect_dma semaphore(%arg10 : memref<!tpu.dma_semaphore, #tpu.memory_space<semaphore_mem>>) src(%dma_wait3A_75 : memref<10000x128xf32, #tpu.memory_space<hbm>>) dst(%dma_wait3A_69 : memref<128x128xf32, #tpu.memory_space<vmem>>)
    %run_scoped3A_76 = arith.constant 0 : i32
    %run_scoped3A_77 = arith.constant 158 : i32
    "tpu.region"() ({
      %run_scoped3A_97 = tpu.sem_alloc : memref<!tpu.dma_semaphore, #tpu.memory_space<semaphore_mem>>
      %dma_start3A_98 = arith.constant 0 : i32
      %dma_start3A_99 = arith.constant 0 : i32
      %dma_start3A_100 = tpu.memref_slice %arg8[%run_scoped3A_76, %dma_start3A_98, %dma_start3A_99] : memref<2x128x128xf32, #tpu.memory_space<vmem>> -> memref<1x128x128xf32, #tpu.memory_space<vmem>>
      %dma_start3A_101 = tpu.memref_squeeze %dma_start3A_100 : memref<1x128x128xf32, #tpu.memory_space<vmem>> -> memref<128x128xf32, #tpu.memory_space<vmem>>
      %dma_start3A_102 = arith.constant 0 : i32
      %dma_start3A_103 = tpu.memref_slice %arg7[%run_scoped3A_77, %dma_start3A_102] : memref<160x128xi32, #tpu.memory_space<vmem>> -> memref<1x128xi32, #tpu.memory_space<vmem>>
      %dma_start3A_104 = tpu.memref_squeeze %dma_start3A_103 : memref<1x128xi32, #tpu.memory_space<vmem>> -> memref<128xi32, #tpu.memory_space<vmem>>
      %dma_start3A_105 = arith.constant 0 : i32
      %dma_start3A_106 = arith.constant 0 : i32
      %dma_start3A_107 = tpu.memref_slice %arg9[%dma_start3A_105, %dma_start3A_106] : memref<6144x128xf32, #tpu.memory_space<vmem_shared>> -> memref<6144x128xf32, #tpu.memory_space<vmem_shared>>
      tpu.enqueue_indirect_dma source(%dma_start3A_101 : memref<128x128xf32, #tpu.memory_space<vmem>>) target(%dma_start3A_107 : memref<6144x128xf32, #tpu.memory_space<vmem_shared>>) offsets(%dma_start3A_104 : memref<128xi32, #tpu.memory_space<vmem>>) semaphore(%run_scoped3A_97 : memref<!tpu.dma_semaphore, #tpu.memory_space<semaphore_mem>>) {add = true}
      %dma_wait3A_108 = arith.constant 0 : i32
      %dma_wait3A_109 = arith.constant 0 : i32
      %dma_wait3A_110 = tpu.memref_slice %arg8[%run_scoped3A_76, %dma_wait3A_108, %dma_wait3A_109] : memref<2x128x128xf32, #tpu.memory_space<vmem>> -> memref<1x128x128xf32, #tpu.memory_space<vmem>>
      %dma_wait3A_111 = tpu.memref_squeeze %dma_wait3A_110 : memref<1x128x128xf32, #tpu.memory_space<vmem>> -> memref<128x128xf32, #tpu.memory_space<vmem>>
      %dma_wait3A_112 = arith.constant 0 : i32
      %dma_wait3A_113 = tpu.memref_slice %arg7[%run_scoped3A_77, %dma_wait3A_112] : memref<160x128xi32, #tpu.memory_space<vmem>> -> memref<1x128xi32, #tpu.memory_space<vmem>>
      %dma_wait3A_114 = tpu.memref_squeeze %dma_wait3A_113 : memref<1x128xi32, #tpu.memory_space<vmem>> -> memref<128xi32, #tpu.memory_space<vmem>>
      %dma_wait3A_115 = arith.constant 0 : i32
      %dma_wait3A_116 = arith.constant 0 : i32
      %dma_wait3A_117 = tpu.memref_slice %arg9[%dma_wait3A_115, %dma_wait3A_116] : memref<6144x128xf32, #tpu.memory_space<vmem_shared>> -> memref<6144x128xf32, #tpu.memory_space<vmem_shared>>
      tpu.wait_indirect_dma semaphore(%run_scoped3A_97 : memref<!tpu.dma_semaphore, #tpu.memory_space<semaphore_mem>>) src(%dma_wait3A_111 : memref<128x128xf32, #tpu.memory_space<vmem>>) dst(%dma_wait3A_117 : memref<6144x128xf32, #tpu.memory_space<vmem_shared>>)
      tpu.yield
    }) : () -> ()
    %dma_wait3A_78 = arith.constant 159 : i32
    %dma_wait3A_79 = arith.constant 1 : i32
    %dma_wait3A_80 = arith.constant 0 : i32
    %dma_wait3A_81 = arith.constant 0 : i32
    %dma_wait3A_82 = tpu.memref_slice %arg8[%dma_wait3A_79, %dma_wait3A_80, %dma_wait3A_81] : memref<2x128x128xf32, #tpu.memory_space<vmem>> -> memref<1x128x128xf32, #tpu.memory_space<vmem>>
    %dma_wait3A_83 = tpu.memref_squeeze %dma_wait3A_82 : memref<1x128x128xf32, #tpu.memory_space<vmem>> -> memref<128x128xf32, #tpu.memory_space<vmem>>
    %dma_wait3A_84 = arith.constant 0 : i32
    %dma_wait3A_85 = tpu.memref_slice %arg6[%dma_wait3A_78, %dma_wait3A_84] : memref<160x128xi32, #tpu.memory_space<vmem>> -> memref<1x128xi32, #tpu.memory_space<vmem>>
    %dma_wait3A_86 = tpu.memref_squeeze %dma_wait3A_85 : memref<1x128xi32, #tpu.memory_space<vmem>> -> memref<128xi32, #tpu.memory_space<vmem>>
    %dma_wait3A_87 = arith.constant 0 : i32
    %dma_wait3A_88 = arith.constant 0 : i32
    %dma_wait3A_89 = tpu.memref_slice %arg2[%dma_wait3A_87, %dma_wait3A_88] : memref<10000x128xf32, #tpu.memory_space<hbm>> -> memref<10000x128xf32, #tpu.memory_space<hbm>>
    tpu.wait_indirect_dma semaphore(%arg11 : memref<!tpu.dma_semaphore, #tpu.memory_space<semaphore_mem>>) src(%dma_wait3A_89 : memref<10000x128xf32, #tpu.memory_space<hbm>>) dst(%dma_wait3A_83 : memref<128x128xf32, #tpu.memory_space<vmem>>)
    %run_scoped3A_90 = arith.constant 1 : i32
    %run_scoped3A_91 = arith.constant 159 : i32
    "tpu.region"() ({
      %run_scoped3A_97 = tpu.sem_alloc : memref<!tpu.dma_semaphore, #tpu.memory_space<semaphore_mem>>
      %dma_start3A_98 = arith.constant 0 : i32
      %dma_start3A_99 = arith.constant 0 : i32
      %dma_start3A_100 = tpu.memref_slice %arg8[%run_scoped3A_90, %dma_start3A_98, %dma_start3A_99] : memref<2x128x128xf32, #tpu.memory_space<vmem>> -> memref<1x128x128xf32, #tpu.memory_space<vmem>>
      %dma_start3A_101 = tpu.memref_squeeze %dma_start3A_100 : memref<1x128x128xf32, #tpu.memory_space<vmem>> -> memref<128x128xf32, #tpu.memory_space<vmem>>
      %dma_start3A_102 = arith.constant 0 : i32
      %dma_start3A_103 = tpu.memref_slice %arg7[%run_scoped3A_91, %dma_start3A_102] : memref<160x128xi32, #tpu.memory_space<vmem>> -> memref<1x128xi32, #tpu.memory_space<vmem>>
      %dma_start3A_104 = tpu.memref_squeeze %dma_start3A_103 : memref<1x128xi32, #tpu.memory_space<vmem>> -> memref<128xi32, #tpu.memory_space<vmem>>
      %dma_start3A_105 = arith.constant 0 : i32
      %dma_start3A_106 = arith.constant 0 : i32
      %dma_start3A_107 = tpu.memref_slice %arg9[%dma_start3A_105, %dma_start3A_106] : memref<6144x128xf32, #tpu.memory_space<vmem_shared>> -> memref<6144x128xf32, #tpu.memory_space<vmem_shared>>
      tpu.enqueue_indirect_dma source(%dma_start3A_101 : memref<128x128xf32, #tpu.memory_space<vmem>>) target(%dma_start3A_107 : memref<6144x128xf32, #tpu.memory_space<vmem_shared>>) offsets(%dma_start3A_104 : memref<128xi32, #tpu.memory_space<vmem>>) semaphore(%run_scoped3A_97 : memref<!tpu.dma_semaphore, #tpu.memory_space<semaphore_mem>>) {add = true}
      %dma_wait3A_108 = arith.constant 0 : i32
      %dma_wait3A_109 = arith.constant 0 : i32
      %dma_wait3A_110 = tpu.memref_slice %arg8[%run_scoped3A_90, %dma_wait3A_108, %dma_wait3A_109] : memref<2x128x128xf32, #tpu.memory_space<vmem>> -> memref<1x128x128xf32, #tpu.memory_space<vmem>>
      %dma_wait3A_111 = tpu.memref_squeeze %dma_wait3A_110 : memref<1x128x128xf32, #tpu.memory_space<vmem>> -> memref<128x128xf32, #tpu.memory_space<vmem>>
      %dma_wait3A_112 = arith.constant 0 : i32
      %dma_wait3A_113 = tpu.memref_slice %arg7[%run_scoped3A_91, %dma_wait3A_112] : memref<160x128xi32, #tpu.memory_space<vmem>> -> memref<1x128xi32, #tpu.memory_space<vmem>>
      %dma_wait3A_114 = tpu.memref_squeeze %dma_wait3A_113 : memref<1x128xi32, #tpu.memory_space<vmem>> -> memref<128xi32, #tpu.memory_space<vmem>>
      %dma_wait3A_115 = arith.constant 0 : i32
      %dma_wait3A_116 = arith.constant 0 : i32
      %dma_wait3A_117 = tpu.memref_slice %arg9[%dma_wait3A_115, %dma_wait3A_116] : memref<6144x128xf32, #tpu.memory_space<vmem_shared>> -> memref<6144x128xf32, #tpu.memory_space<vmem_shared>>
      tpu.wait_indirect_dma semaphore(%run_scoped3A_97 : memref<!tpu.dma_semaphore, #tpu.memory_space<semaphore_mem>>) src(%dma_wait3A_111 : memref<128x128xf32, #tpu.memory_space<vmem>>) dst(%dma_wait3A_117 : memref<6144x128xf32, #tpu.memory_space<vmem_shared>>)
      tpu.yield
    }) : () -> ()
    %barrier3A_92 = arith.constant 0 : index
    tpu.barrier barrier_id(%barrier3A_92)
    %mul3A_93 = arith.constant 384 : i32
    %mul3A_94 = arith.muli %arg1, %mul3A_93 : i32
    %mul3A_95 = arith.constant 384 : i32
    %mul3A_96 = arith.muli %arg1, %mul3A_95 : i32
    "tpu.region"() ({
      %run_scoped3A_97 = tpu.sem_alloc : memref<!tpu.dma_semaphore, #tpu.memory_space<semaphore_mem>>
      %dma_start3A_98 = arith.constant 0 : i32
      %dma_start3A_99 = arith.constant 0 : i32
      %dma_start3A_100 = tpu.memref_slice %arg5[%arg0, %dma_start3A_98, %dma_start3A_99] : memref<2x6144x128xf32, #tpu.memory_space<hbm>> -> memref<1x6144x128xf32, #tpu.memory_space<hbm>>
      %dma_start3A_101 = tpu.memref_squeeze %dma_start3A_100 : memref<1x6144x128xf32, #tpu.memory_space<hbm>> -> memref<6144x128xf32, #tpu.memory_space<hbm>>
      %dma_start3A_102 = arith.constant 0 : i32
      %dma_start3A_103 = tpu.memref_slice %dma_start3A_101[%mul3A_96, %dma_start3A_102] : memref<6144x128xf32, #tpu.memory_space<hbm>> -> memref<384x128xf32, #tpu.memory_space<hbm>>
      %dma_start3A_104 = arith.constant 0 : i32
      %dma_start3A_105 = tpu.memref_slice %arg9[%mul3A_94, %dma_start3A_104] : memref<6144x128xf32, #tpu.memory_space<vmem_shared>> -> memref<384x128xf32, #tpu.memory_space<vmem_shared>>
      tpu.enqueue_dma source(%dma_start3A_105 : memref<384x128xf32, #tpu.memory_space<vmem_shared>>) target(%dma_start3A_103 : memref<384x128xf32, #tpu.memory_space<hbm>>) target_semaphore(%run_scoped3A_97 : memref<!tpu.dma_semaphore, #tpu.memory_space<semaphore_mem>>)
      %dma_wait3A_106 = arith.constant 0 : i32
      %dma_wait3A_107 = arith.constant 0 : i32
      %dma_wait3A_108 = tpu.memref_slice %arg5[%arg0, %dma_wait3A_106, %dma_wait3A_107] : memref<2x6144x128xf32, #tpu.memory_space<hbm>> -> memref<1x6144x128xf32, #tpu.memory_space<hbm>>
      %dma_wait3A_109 = tpu.memref_squeeze %dma_wait3A_108 : memref<1x6144x128xf32, #tpu.memory_space<hbm>> -> memref<6144x128xf32, #tpu.memory_space<hbm>>
      %dma_wait3A_110 = arith.constant 0 : i32
      %dma_wait3A_111 = tpu.memref_slice %dma_wait3A_109[%mul3A_96, %dma_wait3A_110] : memref<6144x128xf32, #tpu.memory_space<hbm>> -> memref<384x128xf32, #tpu.memory_space<hbm>>
      %dma_wait3A_112 = arith.constant 0 : i32
      %dma_wait3A_113 = tpu.memref_slice %arg9[%mul3A_94, %dma_wait3A_112] : memref<6144x128xf32, #tpu.memory_space<vmem_shared>> -> memref<384x128xf32, #tpu.memory_space<vmem_shared>>
      tpu.wait_dma2 semaphore(%run_scoped3A_97 : memref<!tpu.dma_semaphore, #tpu.memory_space<semaphore_mem>>) src(%dma_wait3A_113 : memref<384x128xf32, #tpu.memory_space<vmem_shared>>) dst(%dma_wait3A_111 : memref<384x128xf32, #tpu.memory_space<hbm>>)
      tpu.yield
    }) : () -> ()
    return
  }
}

#map = affine_map<(d0, d1) -> (0, 0)>
#map1 = affine_map<(d0, d1) -> (0, 0, 0)>
module attributes {stable_mosaic.version = 14 : i64} {
  func.func @agg_kernel(%arg0: i32, %arg1: i32, %arg2: memref<10000x128xf32, #tpu.memory_space<hbm>>, %arg3: memref<16x160x128xi32, #tpu.memory_space<hbm>>, %arg4: memref<16x160x128xi32, #tpu.memory_space<hbm>>, %arg5: memref<2x6144x128xf32, #tpu.memory_space<hbm>>, %arg6: memref<160x128xi32, #tpu.memory_space<vmem>>, %arg7: memref<160x128xi32, #tpu.memory_space<vmem>>, %arg8: memref<2x128x128xf32, #tpu.memory_space<vmem>>, %arg9: memref<6144x128xf32, #tpu.memory_space<vmem_shared>>, %arg10: memref<!tpu.dma_semaphore, #tpu.memory_space<semaphore_mem>>, %arg11: memref<!tpu.dma_semaphore, #tpu.memory_space<semaphore_mem>>) attributes {dimension_semantics = [#tpu.dimension_semantics<core_parallel>, #tpu.dimension_semantics<subcore_parallel>], iteration_bounds = array<i64: 2, 16>, scalar_prefetch = 0 : i64, scratch_operands = 6 : i64, tpu.core_type = #tpu.core_type<sc_vector_subcore>, window_params = [{transform_indices = #map}, {transform_indices = #map1}, {transform_indices = #map1}, {transform_indices = #map1}]} {
    "tpu.region"() ({
      %run_scoped3A_97 = tpu.sem_alloc : memref<!tpu.dma_semaphore, #tpu.memory_space<semaphore_mem>>
      %dma_start3A_98 = arith.constant 0 : i32
      %dma_start3A_99 = arith.constant 0 : i32
      %dma_start3A_100 = tpu.memref_slice %arg3[%arg1, %dma_start3A_98, %dma_start3A_99] : memref<16x160x128xi32, #tpu.memory_space<hbm>> -> memref<1x160x128xi32, #tpu.memory_space<hbm>>
      %dma_start3A_101 = tpu.memref_squeeze %dma_start3A_100 : memref<1x160x128xi32, #tpu.memory_space<hbm>> -> memref<160x128xi32, #tpu.memory_space<hbm>>
      %dma_start3A_102 = arith.constant 0 : i32
      %dma_start3A_103 = arith.constant 0 : i32
      %dma_start3A_104 = tpu.memref_slice %arg3[%arg1, %dma_start3A_102, %dma_start3A_103] : memref<16x160x128xi32, #tpu.memory_space<hbm>> -> memref<1x160x128xi32, #tpu.memory_space<hbm>>
      %dma_start3A_105 = tpu.memref_squeeze %dma_start3A_104 : memref<1x160x128xi32, #tpu.memory_space<hbm>> -> memref<160x128xi32, #tpu.memory_space<hbm>>
      tpu.enqueue_dma source(%dma_start3A_105 : memref<160x128xi32, #tpu.memory_space<hbm>>) target(%arg6 : memref<160x128xi32, #tpu.memory_space<vmem>>) target_semaphore(%run_scoped3A_97 : memref<!tpu.dma_semaphore, #tpu.memory_space<semaphore_mem>>)
      %dma_wait3A_106 = arith.constant 0 : i32
      %dma_wait3A_107 = arith.constant 0 : i32
      %dma_wait3A_108 = tpu.memref_slice %arg3[%arg1, %dma_wait3A_106, %dma_wait3A_107] : memref<16x160x128xi32, #tpu.memory_space<hbm>> -> memref<1x160x128xi32, #tpu.memory_space<hbm>>
      %dma_wait3A_109 = tpu.memref_squeeze %dma_wait3A_108 : memref<1x160x128xi32, #tpu.memory_space<hbm>> -> memref<160x128xi32, #tpu.memory_space<hbm>>
      %dma_wait3A_110 = arith.constant 0 : i32
      %dma_wait3A_111 = arith.constant 0 : i32
      %dma_wait3A_112 = tpu.memref_slice %arg3[%arg1, %dma_wait3A_110, %dma_wait3A_111] : memref<16x160x128xi32, #tpu.memory_space<hbm>> -> memref<1x160x128xi32, #tpu.memory_space<hbm>>
      %dma_wait3A_113 = tpu.memref_squeeze %dma_wait3A_112 : memref<1x160x128xi32, #tpu.memory_space<hbm>> -> memref<160x128xi32, #tpu.memory_space<hbm>>
      tpu.wait_dma2 semaphore(%run_scoped3A_97 : memref<!tpu.dma_semaphore, #tpu.memory_space<semaphore_mem>>) src(%dma_wait3A_113 : memref<160x128xi32, #tpu.memory_space<hbm>>) dst(%arg6 : memref<160x128xi32, #tpu.memory_space<vmem>>)
      tpu.yield
    }) : () -> ()
    "tpu.region"() ({
      %run_scoped3A_97 = tpu.sem_alloc : memref<!tpu.dma_semaphore, #tpu.memory_space<semaphore_mem>>
      %dma_start3A_98 = arith.constant 0 : i32
      %dma_start3A_99 = arith.constant 0 : i32
      %dma_start3A_100 = tpu.memref_slice %arg4[%arg1, %dma_start3A_98, %dma_start3A_99] : memref<16x160x128xi32, #tpu.memory_space<hbm>> -> memref<1x160x128xi32, #tpu.memory_space<hbm>>
      %dma_start3A_101 = tpu.memref_squeeze %dma_start3A_100 : memref<1x160x128xi32, #tpu.memory_space<hbm>> -> memref<160x128xi32, #tpu.memory_space<hbm>>
      %dma_start3A_102 = arith.constant 0 : i32
      %dma_start3A_103 = arith.constant 0 : i32
      %dma_start3A_104 = tpu.memref_slice %arg4[%arg1, %dma_start3A_102, %dma_start3A_103] : memref<16x160x128xi32, #tpu.memory_space<hbm>> -> memref<1x160x128xi32, #tpu.memory_space<hbm>>
      %dma_start3A_105 = tpu.memref_squeeze %dma_start3A_104 : memref<1x160x128xi32, #tpu.memory_space<hbm>> -> memref<160x128xi32, #tpu.memory_space<hbm>>
      tpu.enqueue_dma source(%dma_start3A_105 : memref<160x128xi32, #tpu.memory_space<hbm>>) target(%arg7 : memref<160x128xi32, #tpu.memory_space<vmem>>) target_semaphore(%run_scoped3A_97 : memref<!tpu.dma_semaphore, #tpu.memory_space<semaphore_mem>>)
      %dma_wait3A_106 = arith.constant 0 : i32
      %dma_wait3A_107 = arith.constant 0 : i32
      %dma_wait3A_108 = tpu.memref_slice %arg4[%arg1, %dma_wait3A_106, %dma_wait3A_107] : memref<16x160x128xi32, #tpu.memory_space<hbm>> -> memref<1x160x128xi32, #tpu.memory_space<hbm>>
      %dma_wait3A_109 = tpu.memref_squeeze %dma_wait3A_108 : memref<1x160x128xi32, #tpu.memory_space<hbm>> -> memref<160x128xi32, #tpu.memory_space<hbm>>
      %dma_wait3A_110 = arith.constant 0 : i32
      %dma_wait3A_111 = arith.constant 0 : i32
      %dma_wait3A_112 = tpu.memref_slice %arg4[%arg1, %dma_wait3A_110, %dma_wait3A_111] : memref<16x160x128xi32, #tpu.memory_space<hbm>> -> memref<1x160x128xi32, #tpu.memory_space<hbm>>
      %dma_wait3A_113 = tpu.memref_squeeze %dma_wait3A_112 : memref<1x160x128xi32, #tpu.memory_space<hbm>> -> memref<160x128xi32, #tpu.memory_space<hbm>>
      tpu.wait_dma2 semaphore(%run_scoped3A_97 : memref<!tpu.dma_semaphore, #tpu.memory_space<semaphore_mem>>) src(%dma_wait3A_113 : memref<160x128xi32, #tpu.memory_space<hbm>>) dst(%arg7 : memref<160x128xi32, #tpu.memory_space<vmem>>)
      tpu.yield
    }) : () -> ()
    %mul3A = arith.constant 6000 : i32
    %mul3A_0 = arith.muli %arg0, %mul3A : i32
    %mul3A_1 = arith.constant 1700 : i32
    %mul3A_2 = arith.muli %arg0, %mul3A_1 : i32
    %sub3A = arith.constant 6000 : i32
    %sub3A_3 = arith.subi %sub3A, %mul3A_2 : i32
    %add3A = arith.addi %sub3A_3, %arg1 : i32
    %mul3A_4 = arith.constant 144 : i32
    %mul3A_5 = arith.muli %arg0, %mul3A_4 : i32
    %add3A_6 = arith.constant 6000 : i32
    %add3A_7 = arith.addi %add3A_6, %mul3A_5 : i32
    %scan3A = arith.constant 0 : i32
    %scan3A_8 = arith.constant 160 : i32
    %scan3A_9 = arith.addi %scan3A, %scan3A_8 : i32
    %scan3A_10 = arith.constant 1 : i32
    scf.for %scan3A_97 = %scan3A to %scan3A_9 step %scan3A_10  : i32 {
      %mul3A_98 = arith.constant 1 : i32
      %mul3A_99 = arith.muli %scan3A_97, %mul3A_98 : i32
      %add3A_100 = arith.constant 0 : i32
      %add3A_101 = arith.addi %add3A_100, %mul3A_99 : i32
      %get3A = arith.index_cast %add3A_101 : i32 to index
      %get3A_102 = arith.constant 0 : index
      %get3A_103 = tpu.vector_load %arg7[%get3A, %get3A_102] {strides = array<i32>} : memref<160x128xi32, #tpu.memory_space<vmem>>, vector<1x16xi32>,
      %get3A_104 = vector.shape_cast %get3A_103 : vector<1x16xi32> to vector<16xi32>
      %sub3A_105 = vector.broadcast %mul3A_0 : i32 to vector<16xi32>
      %sub3A_106 = arith.subi %get3A_104, %sub3A_105 : vector<16xi32>
      %lt3A = vector.broadcast %add3A_7 : i32 to vector<16xi32>
      %lt3A_107 = arith.cmpi ult, %sub3A_106, %lt3A : vector<16xi32>
      %broadcast_in_dim3A = vector.broadcast %add3A : i32 to vector<16xi32>
      %select_n3A = arith.select %lt3A_107, %sub3A_106, %broadcast_in_dim3A : vector<16xi1>, vector<16xi32>
      %swap3A = arith.index_cast %add3A_101 : i32 to index
      %swap3A_108 = arith.constant 0 : index
      %swap3A_109 = tpu.vector_load %arg7[%swap3A, %swap3A_108] {strides = array<i32>} : memref<160x128xi32, #tpu.memory_space<vmem>>, vector<1x16xi32>,
      %swap3A_110 = vector.shape_cast %swap3A_109 : vector<1x16xi32> to vector<16xi32>
      %swap3A_111 = vector.shape_cast %select_n3A : vector<16xi32> to vector<1x16xi32>
      tpu.vector_store %arg7[%swap3A, %swap3A_108], %swap3A_111 {strides = array<i32>} : memref<160x128xi32, #tpu.memory_space<vmem>>, vector<1x16xi32>,
      %get3A_112 = arith.index_cast %add3A_101 : i32 to index
      %get3A_113 = arith.constant 16 : index
      %get3A_114 = tpu.vector_load %arg7[%get3A_112, %get3A_113] {strides = array<i32>} : memref<160x128xi32, #tpu.memory_space<vmem>>, vector<1x16xi32>,
      %get3A_115 = vector.shape_cast %get3A_114 : vector<1x16xi32> to vector<16xi32>
      %sub3A_116 = vector.broadcast %mul3A_0 : i32 to vector<16xi32>
      %sub3A_117 = arith.subi %get3A_115, %sub3A_116 : vector<16xi32>
      %lt3A_118 = vector.broadcast %add3A_7 : i32 to vector<16xi32>
      %lt3A_119 = arith.cmpi ult, %sub3A_117, %lt3A_118 : vector<16xi32>
      %broadcast_in_dim3A_120 = vector.broadcast %add3A : i32 to vector<16xi32>
      %select_n3A_121 = arith.select %lt3A_119, %sub3A_117, %broadcast_in_dim3A_120 : vector<16xi1>, vector<16xi32>
      %swap3A_122 = arith.index_cast %add3A_101 : i32 to index
      %swap3A_123 = arith.constant 16 : index
      %swap3A_124 = tpu.vector_load %arg7[%swap3A_122, %swap3A_123] {strides = array<i32>} : memref<160x128xi32, #tpu.memory_space<vmem>>, vector<1x16xi32>,
      %swap3A_125 = vector.shape_cast %swap3A_124 : vector<1x16xi32> to vector<16xi32>
      %swap3A_126 = vector.shape_cast %select_n3A_121 : vector<16xi32> to vector<1x16xi32>
      tpu.vector_store %arg7[%swap3A_122, %swap3A_123], %swap3A_126 {strides = array<i32>} : memref<160x128xi32, #tpu.memory_space<vmem>>, vector<1x16xi32>,
      %get3A_127 = arith.index_cast %add3A_101 : i32 to index
      %get3A_128 = arith.constant 32 : index
      %get3A_129 = tpu.vector_load %arg7[%get3A_127, %get3A_128] {strides = array<i32>} : memref<160x128xi32, #tpu.memory_space<vmem>>, vector<1x16xi32>,
      %get3A_130 = vector.shape_cast %get3A_129 : vector<1x16xi32> to vector<16xi32>
      %sub3A_131 = vector.broadcast %mul3A_0 : i32 to vector<16xi32>
      %sub3A_132 = arith.subi %get3A_130, %sub3A_131 : vector<16xi32>
      %lt3A_133 = vector.broadcast %add3A_7 : i32 to vector<16xi32>
      %lt3A_134 = arith.cmpi ult, %sub3A_132, %lt3A_133 : vector<16xi32>
      %broadcast_in_dim3A_135 = vector.broadcast %add3A : i32 to vector<16xi32>
      %select_n3A_136 = arith.select %lt3A_134, %sub3A_132, %broadcast_in_dim3A_135 : vector<16xi1>, vector<16xi32>
      %swap3A_137 = arith.index_cast %add3A_101 : i32 to index
      %swap3A_138 = arith.constant 32 : index
      %swap3A_139 = tpu.vector_load %arg7[%swap3A_137, %swap3A_138] {strides = array<i32>} : memref<160x128xi32, #tpu.memory_space<vmem>>, vector<1x16xi32>,
      %swap3A_140 = vector.shape_cast %swap3A_139 : vector<1x16xi32> to vector<16xi32>
      %swap3A_141 = vector.shape_cast %select_n3A_136 : vector<16xi32> to vector<1x16xi32>
      tpu.vector_store %arg7[%swap3A_137, %swap3A_138], %swap3A_141 {strides = array<i32>} : memref<160x128xi32, #tpu.memory_space<vmem>>, vector<1x16xi32>,
      %get3A_142 = arith.index_cast %add3A_101 : i32 to index
      %get3A_143 = arith.constant 48 : index
      %get3A_144 = tpu.vector_load %arg7[%get3A_142, %get3A_143] {strides = array<i32>} : memref<160x128xi32, #tpu.memory_space<vmem>>, vector<1x16xi32>,
      %get3A_145 = vector.shape_cast %get3A_144 : vector<1x16xi32> to vector<16xi32>
      %sub3A_146 = vector.broadcast %mul3A_0 : i32 to vector<16xi32>
      %sub3A_147 = arith.subi %get3A_145, %sub3A_146 : vector<16xi32>
      %lt3A_148 = vector.broadcast %add3A_7 : i32 to vector<16xi32>
      %lt3A_149 = arith.cmpi ult, %sub3A_147, %lt3A_148 : vector<16xi32>
      %broadcast_in_dim3A_150 = vector.broadcast %add3A : i32 to vector<16xi32>
      %select_n3A_151 = arith.select %lt3A_149, %sub3A_147, %broadcast_in_dim3A_150 : vector<16xi1>, vector<16xi32>
      %swap3A_152 = arith.index_cast %add3A_101 : i32 to index
      %swap3A_153 = arith.constant 48 : index
      %swap3A_154 = tpu.vector_load %arg7[%swap3A_152, %swap3A_153] {strides = array<i32>} : memref<160x128xi32, #tpu.memory_space<vmem>>, vector<1x16xi32>,
      %swap3A_155 = vector.shape_cast %swap3A_154 : vector<1x16xi32> to vector<16xi32>
      %swap3A_156 = vector.shape_cast %select_n3A_151 : vector<16xi32> to vector<1x16xi32>
      tpu.vector_store %arg7[%swap3A_152, %swap3A_153], %swap3A_156 {strides = array<i32>} : memref<160x128xi32, #tpu.memory_space<vmem>>, vector<1x16xi32>,
      %get3A_157 = arith.index_cast %add3A_101 : i32 to index
      %get3A_158 = arith.constant 64 : index
      %get3A_159 = tpu.vector_load %arg7[%get3A_157, %get3A_158] {strides = array<i32>} : memref<160x128xi32, #tpu.memory_space<vmem>>, vector<1x16xi32>,
      %get3A_160 = vector.shape_cast %get3A_159 : vector<1x16xi32> to vector<16xi32>
      %sub3A_161 = vector.broadcast %mul3A_0 : i32 to vector<16xi32>
      %sub3A_162 = arith.subi %get3A_160, %sub3A_161 : vector<16xi32>
      %lt3A_163 = vector.broadcast %add3A_7 : i32 to vector<16xi32>
      %lt3A_164 = arith.cmpi ult, %sub3A_162, %lt3A_163 : vector<16xi32>
      %broadcast_in_dim3A_165 = vector.broadcast %add3A : i32 to vector<16xi32>
      %select_n3A_166 = arith.select %lt3A_164, %sub3A_162, %broadcast_in_dim3A_165 : vector<16xi1>, vector<16xi32>
      %swap3A_167 = arith.index_cast %add3A_101 : i32 to index
      %swap3A_168 = arith.constant 64 : index
      %swap3A_169 = tpu.vector_load %arg7[%swap3A_167, %swap3A_168] {strides = array<i32>} : memref<160x128xi32, #tpu.memory_space<vmem>>, vector<1x16xi32>,
      %swap3A_170 = vector.shape_cast %swap3A_169 : vector<1x16xi32> to vector<16xi32>
      %swap3A_171 = vector.shape_cast %select_n3A_166 : vector<16xi32> to vector<1x16xi32>
      tpu.vector_store %arg7[%swap3A_167, %swap3A_168], %swap3A_171 {strides = array<i32>} : memref<160x128xi32, #tpu.memory_space<vmem>>, vector<1x16xi32>,
      %get3A_172 = arith.index_cast %add3A_101 : i32 to index
      %get3A_173 = arith.constant 80 : index
      %get3A_174 = tpu.vector_load %arg7[%get3A_172, %get3A_173] {strides = array<i32>} : memref<160x128xi32, #tpu.memory_space<vmem>>, vector<1x16xi32>,
      %get3A_175 = vector.shape_cast %get3A_174 : vector<1x16xi32> to vector<16xi32>
      %sub3A_176 = vector.broadcast %mul3A_0 : i32 to vector<16xi32>
      %sub3A_177 = arith.subi %get3A_175, %sub3A_176 : vector<16xi32>
      %lt3A_178 = vector.broadcast %add3A_7 : i32 to vector<16xi32>
      %lt3A_179 = arith.cmpi ult, %sub3A_177, %lt3A_178 : vector<16xi32>
      %broadcast_in_dim3A_180 = vector.broadcast %add3A : i32 to vector<16xi32>
      %select_n3A_181 = arith.select %lt3A_179, %sub3A_177, %broadcast_in_dim3A_180 : vector<16xi1>, vector<16xi32>
      %swap3A_182 = arith.index_cast %add3A_101 : i32 to index
      %swap3A_183 = arith.constant 80 : index
      %swap3A_184 = tpu.vector_load %arg7[%swap3A_182, %swap3A_183] {strides = array<i32>} : memref<160x128xi32, #tpu.memory_space<vmem>>, vector<1x16xi32>,
      %swap3A_185 = vector.shape_cast %swap3A_184 : vector<1x16xi32> to vector<16xi32>
      %swap3A_186 = vector.shape_cast %select_n3A_181 : vector<16xi32> to vector<1x16xi32>
      tpu.vector_store %arg7[%swap3A_182, %swap3A_183], %swap3A_186 {strides = array<i32>} : memref<160x128xi32, #tpu.memory_space<vmem>>, vector<1x16xi32>,
      %get3A_187 = arith.index_cast %add3A_101 : i32 to index
      %get3A_188 = arith.constant 96 : index
      %get3A_189 = tpu.vector_load %arg7[%get3A_187, %get3A_188] {strides = array<i32>} : memref<160x128xi32, #tpu.memory_space<vmem>>, vector<1x16xi32>,
      %get3A_190 = vector.shape_cast %get3A_189 : vector<1x16xi32> to vector<16xi32>
      %sub3A_191 = vector.broadcast %mul3A_0 : i32 to vector<16xi32>
      %sub3A_192 = arith.subi %get3A_190, %sub3A_191 : vector<16xi32>
      %lt3A_193 = vector.broadcast %add3A_7 : i32 to vector<16xi32>
      %lt3A_194 = arith.cmpi ult, %sub3A_192, %lt3A_193 : vector<16xi32>
      %broadcast_in_dim3A_195 = vector.broadcast %add3A : i32 to vector<16xi32>
      %select_n3A_196 = arith.select %lt3A_194, %sub3A_192, %broadcast_in_dim3A_195 : vector<16xi1>, vector<16xi32>
      %swap3A_197 = arith.index_cast %add3A_101 : i32 to index
      %swap3A_198 = arith.constant 96 : index
      %swap3A_199 = tpu.vector_load %arg7[%swap3A_197, %swap3A_198] {strides = array<i32>} : memref<160x128xi32, #tpu.memory_space<vmem>>, vector<1x16xi32>,
      %swap3A_200 = vector.shape_cast %swap3A_199 : vector<1x16xi32> to vector<16xi32>
      %swap3A_201 = vector.shape_cast %select_n3A_196 : vector<16xi32> to vector<1x16xi32>
      tpu.vector_store %arg7[%swap3A_197, %swap3A_198], %swap3A_201 {strides = array<i32>} : memref<160x128xi32, #tpu.memory_space<vmem>>, vector<1x16xi32>,
      %get3A_202 = arith.index_cast %add3A_101 : i32 to index
      %get3A_203 = arith.constant 112 : index
      %get3A_204 = tpu.vector_load %arg7[%get3A_202, %get3A_203] {strides = array<i32>} : memref<160x128xi32, #tpu.memory_space<vmem>>, vector<1x16xi32>,
      %get3A_205 = vector.shape_cast %get3A_204 : vector<1x16xi32> to vector<16xi32>
      %sub3A_206 = vector.broadcast %mul3A_0 : i32 to vector<16xi32>
      %sub3A_207 = arith.subi %get3A_205, %sub3A_206 : vector<16xi32>
      %lt3A_208 = vector.broadcast %add3A_7 : i32 to vector<16xi32>
      %lt3A_209 = arith.cmpi ult, %sub3A_207, %lt3A_208 : vector<16xi32>
      %broadcast_in_dim3A_210 = vector.broadcast %add3A : i32 to vector<16xi32>
      %select_n3A_211 = arith.select %lt3A_209, %sub3A_207, %broadcast_in_dim3A_210 : vector<16xi1>, vector<16xi32>
      %swap3A_212 = arith.index_cast %add3A_101 : i32 to index
      %swap3A_213 = arith.constant 112 : index
      %swap3A_214 = tpu.vector_load %arg7[%swap3A_212, %swap3A_213] {strides = array<i32>} : memref<160x128xi32, #tpu.memory_space<vmem>>, vector<1x16xi32>,
      %swap3A_215 = vector.shape_cast %swap3A_214 : vector<1x16xi32> to vector<16xi32>
      %swap3A_216 = vector.shape_cast %select_n3A_211 : vector<16xi32> to vector<1x16xi32>
      tpu.vector_store %arg7[%swap3A_212, %swap3A_213], %swap3A_216 {strides = array<i32>} : memref<160x128xi32, #tpu.memory_space<vmem>>, vector<1x16xi32>,
    }
    %scan3A_11 = arith.constant 160 : i32
    %scan3A_12 = arith.constant 0 : i32
    %scan3A_13 = arith.constant 128 : i32
    %scan3A_14 = arith.addi %scan3A_12, %scan3A_13 : i32
    %scan3A_15 = arith.constant 1 : i32
    scf.for %scan3A_97 = %scan3A_12 to %scan3A_14 step %scan3A_15  : i32 {
      %mul3A_98 = arith.constant 1 : i32
      %mul3A_99 = arith.muli %scan3A_97, %mul3A_98 : i32
      %add3A_100 = arith.constant 0 : i32
      %add3A_101 = arith.addi %add3A_100, %mul3A_99 : i32
      %broadcast_in_dim3A = arith.constant 0.000000e+00 : f32
      %broadcast_in_dim3A_102 = vector.broadcast %broadcast_in_dim3A : f32 to vector<16xf32>
      %swap3A = arith.constant 0 : i32
      %swap3A_103 = arith.index_cast %swap3A : i32 to index
      %swap3A_104 = arith.index_cast %add3A_101 : i32 to index
      %swap3A_105 = arith.constant 0 : index
      %swap3A_106 = tpu.vector_load %arg8[%swap3A_103, %swap3A_104, %swap3A_105] {strides = array<i32>} : memref<2x128x128xf32, #tpu.memory_space<vmem>>, vector<1x1x16xf32>,
      %swap3A_107 = vector.shape_cast %swap3A_106 : vector<1x1x16xf32> to vector<16xf32>
      %swap3A_108 = vector.shape_cast %broadcast_in_dim3A_102 : vector<16xf32> to vector<1x1x16xf32>
      tpu.vector_store %arg8[%swap3A_103, %swap3A_104, %swap3A_105], %swap3A_108 {strides = array<i32>} : memref<2x128x128xf32, #tpu.memory_space<vmem>>, vector<1x1x16xf32>,
      %broadcast_in_dim3A_109 = arith.constant 0.000000e+00 : f32
      %broadcast_in_dim3A_110 = vector.broadcast %broadcast_in_dim3A_109 : f32 to vector<16xf32>
      %swap3A_111 = arith.constant 0 : i32
      %swap3A_112 = arith.index_cast %swap3A_111 : i32 to index
      %swap3A_113 = arith.index_cast %add3A_101 : i32 to index
      %swap3A_114 = arith.constant 16 : index
      %swap3A_115 = tpu.vector_load %arg8[%swap3A_112, %swap3A_113, %swap3A_114] {strides = array<i32>} : memref<2x128x128xf32, #tpu.memory_space<vmem>>, vector<1x1x16xf32>,
      %swap3A_116 = vector.shape_cast %swap3A_115 : vector<1x1x16xf32> to vector<16xf32>
      %swap3A_117 = vector.shape_cast %broadcast_in_dim3A_110 : vector<16xf32> to vector<1x1x16xf32>
      tpu.vector_store %arg8[%swap3A_112, %swap3A_113, %swap3A_114], %swap3A_117 {strides = array<i32>} : memref<2x128x128xf32, #tpu.memory_space<vmem>>, vector<1x1x16xf32>,
      %broadcast_in_dim3A_118 = arith.constant 0.000000e+00 : f32
      %broadcast_in_dim3A_119 = vector.broadcast %broadcast_in_dim3A_118 : f32 to vector<16xf32>
      %swap3A_120 = arith.constant 0 : i32
      %swap3A_121 = arith.index_cast %swap3A_120 : i32 to index
      %swap3A_122 = arith.index_cast %add3A_101 : i32 to index
      %swap3A_123 = arith.constant 32 : index
      %swap3A_124 = tpu.vector_load %arg8[%swap3A_121, %swap3A_122, %swap3A_123] {strides = array<i32>} : memref<2x128x128xf32, #tpu.memory_space<vmem>>, vector<1x1x16xf32>,
      %swap3A_125 = vector.shape_cast %swap3A_124 : vector<1x1x16xf32> to vector<16xf32>
      %swap3A_126 = vector.shape_cast %broadcast_in_dim3A_119 : vector<16xf32> to vector<1x1x16xf32>
      tpu.vector_store %arg8[%swap3A_121, %swap3A_122, %swap3A_123], %swap3A_126 {strides = array<i32>} : memref<2x128x128xf32, #tpu.memory_space<vmem>>, vector<1x1x16xf32>,
      %broadcast_in_dim3A_127 = arith.constant 0.000000e+00 : f32
      %broadcast_in_dim3A_128 = vector.broadcast %broadcast_in_dim3A_127 : f32 to vector<16xf32>
      %swap3A_129 = arith.constant 0 : i32
      %swap3A_130 = arith.index_cast %swap3A_129 : i32 to index
      %swap3A_131 = arith.index_cast %add3A_101 : i32 to index
      %swap3A_132 = arith.constant 48 : index
      %swap3A_133 = tpu.vector_load %arg8[%swap3A_130, %swap3A_131, %swap3A_132] {strides = array<i32>} : memref<2x128x128xf32, #tpu.memory_space<vmem>>, vector<1x1x16xf32>,
      %swap3A_134 = vector.shape_cast %swap3A_133 : vector<1x1x16xf32> to vector<16xf32>
      %swap3A_135 = vector.shape_cast %broadcast_in_dim3A_128 : vector<16xf32> to vector<1x1x16xf32>
      tpu.vector_store %arg8[%swap3A_130, %swap3A_131, %swap3A_132], %swap3A_135 {strides = array<i32>} : memref<2x128x128xf32, #tpu.memory_space<vmem>>, vector<1x1x16xf32>,
      %broadcast_in_dim3A_136 = arith.constant 0.000000e+00 : f32
      %broadcast_in_dim3A_137 = vector.broadcast %broadcast_in_dim3A_136 : f32 to vector<16xf32>
      %swap3A_138 = arith.constant 0 : i32
      %swap3A_139 = arith.index_cast %swap3A_138 : i32 to index
      %swap3A_140 = arith.index_cast %add3A_101 : i32 to index
      %swap3A_141 = arith.constant 64 : index
      %swap3A_142 = tpu.vector_load %arg8[%swap3A_139, %swap3A_140, %swap3A_141] {strides = array<i32>} : memref<2x128x128xf32, #tpu.memory_space<vmem>>, vector<1x1x16xf32>,
      %swap3A_143 = vector.shape_cast %swap3A_142 : vector<1x1x16xf32> to vector<16xf32>
      %swap3A_144 = vector.shape_cast %broadcast_in_dim3A_137 : vector<16xf32> to vector<1x1x16xf32>
      tpu.vector_store %arg8[%swap3A_139, %swap3A_140, %swap3A_141], %swap3A_144 {strides = array<i32>} : memref<2x128x128xf32, #tpu.memory_space<vmem>>, vector<1x1x16xf32>,
      %broadcast_in_dim3A_145 = arith.constant 0.000000e+00 : f32
      %broadcast_in_dim3A_146 = vector.broadcast %broadcast_in_dim3A_145 : f32 to vector<16xf32>
      %swap3A_147 = arith.constant 0 : i32
      %swap3A_148 = arith.index_cast %swap3A_147 : i32 to index
      %swap3A_149 = arith.index_cast %add3A_101 : i32 to index
      %swap3A_150 = arith.constant 80 : index
      %swap3A_151 = tpu.vector_load %arg8[%swap3A_148, %swap3A_149, %swap3A_150] {strides = array<i32>} : memref<2x128x128xf32, #tpu.memory_space<vmem>>, vector<1x1x16xf32>,
      %swap3A_152 = vector.shape_cast %swap3A_151 : vector<1x1x16xf32> to vector<16xf32>
      %swap3A_153 = vector.shape_cast %broadcast_in_dim3A_146 : vector<16xf32> to vector<1x1x16xf32>
      tpu.vector_store %arg8[%swap3A_148, %swap3A_149, %swap3A_150], %swap3A_153 {strides = array<i32>} : memref<2x128x128xf32, #tpu.memory_space<vmem>>, vector<1x1x16xf32>,
      %broadcast_in_dim3A_154 = arith.constant 0.000000e+00 : f32
      %broadcast_in_dim3A_155 = vector.broadcast %broadcast_in_dim3A_154 : f32 to vector<16xf32>
      %swap3A_156 = arith.constant 0 : i32
      %swap3A_157 = arith.index_cast %swap3A_156 : i32 to index
      %swap3A_158 = arith.index_cast %add3A_101 : i32 to index
      %swap3A_159 = arith.constant 96 : index
      %swap3A_160 = tpu.vector_load %arg8[%swap3A_157, %swap3A_158, %swap3A_159] {strides = array<i32>} : memref<2x128x128xf32, #tpu.memory_space<vmem>>, vector<1x1x16xf32>,
      %swap3A_161 = vector.shape_cast %swap3A_160 : vector<1x1x16xf32> to vector<16xf32>
      %swap3A_162 = vector.shape_cast %broadcast_in_dim3A_155 : vector<16xf32> to vector<1x1x16xf32>
      tpu.vector_store %arg8[%swap3A_157, %swap3A_158, %swap3A_159], %swap3A_162 {strides = array<i32>} : memref<2x128x128xf32, #tpu.memory_space<vmem>>, vector<1x1x16xf32>,
      %broadcast_in_dim3A_163 = arith.constant 0.000000e+00 : f32
      %broadcast_in_dim3A_164 = vector.broadcast %broadcast_in_dim3A_163 : f32 to vector<16xf32>
      %swap3A_165 = arith.constant 0 : i32
      %swap3A_166 = arith.index_cast %swap3A_165 : i32 to index
      %swap3A_167 = arith.index_cast %add3A_101 : i32 to index
      %swap3A_168 = arith.constant 112 : index
      %swap3A_169 = tpu.vector_load %arg8[%swap3A_166, %swap3A_167, %swap3A_168] {strides = array<i32>} : memref<2x128x128xf32, #tpu.memory_space<vmem>>, vector<1x1x16xf32>,
      %swap3A_170 = vector.shape_cast %swap3A_169 : vector<1x1x16xf32> to vector<16xf32>
      %swap3A_171 = vector.shape_cast %broadcast_in_dim3A_164 : vector<16xf32> to vector<1x1x16xf32>
      tpu.vector_store %arg8[%swap3A_166, %swap3A_167, %swap3A_168], %swap3A_171 {strides = array<i32>} : memref<2x128x128xf32, #tpu.memory_space<vmem>>, vector<1x1x16xf32>,
    }
    %scan3A_16 = arith.constant 128 : i32
    %mul3A_17 = arith.constant 3 : i32
    %mul3A_18 = arith.muli %arg1, %mul3A_17 : i32
    %add3A_19 = arith.constant 0 : i32
    %add3A_20 = arith.addi %mul3A_18, %add3A_19 : i32
    %mul3A_21 = arith.constant 128 : i32
    %mul3A_22 = arith.muli %add3A_20, %mul3A_21 : i32
    %run_scoped3A = arith.constant 0 : i32
    "tpu.region"() ({
      %run_scoped3A_97 = tpu.sem_alloc : memref<!tpu.dma_semaphore, #tpu.memory_space<semaphore_mem>>
      %dma_start3A_98 = arith.constant 0 : i32
      %dma_start3A_99 = arith.constant 0 : i32
      %dma_start3A_100 = tpu.memref_slice %arg8[%run_scoped3A, %dma_start3A_98, %dma_start3A_99] : memref<2x128x128xf32, #tpu.memory_space<vmem>> -> memref<1x128x128xf32, #tpu.memory_space<vmem>>
      %dma_start3A_101 = tpu.memref_squeeze %dma_start3A_100 : memref<1x128x128xf32, #tpu.memory_space<vmem>> -> memref<128x128xf32, #tpu.memory_space<vmem>>
      %dma_start3A_102 = arith.constant 0 : i32
      %dma_start3A_103 = tpu.memref_slice %arg9[%mul3A_22, %dma_start3A_102] : memref<6144x128xf32, #tpu.memory_space<vmem_shared>> -> memref<128x128xf32, #tpu.memory_space<vmem_shared>>
      %dma_start3A_104 = arith.constant 0 : i32
      %dma_start3A_105 = tpu.memref_slice %arg9[%mul3A_22, %dma_start3A_104] : memref<6144x128xf32, #tpu.memory_space<vmem_shared>> -> memref<128x128xf32, #tpu.memory_space<vmem_shared>>
      %dma_start3A_106 = arith.constant 0 : i32
      %dma_start3A_107 = arith.constant 0 : i32
      %dma_start3A_108 = tpu.memref_slice %arg8[%run_scoped3A, %dma_start3A_106, %dma_start3A_107] : memref<2x128x128xf32, #tpu.memory_space<vmem>> -> memref<1x128x128xf32, #tpu.memory_space<vmem>>
      %dma_start3A_109 = tpu.memref_squeeze %dma_start3A_108 : memref<1x128x128xf32, #tpu.memory_space<vmem>> -> memref<128x128xf32, #tpu.memory_space<vmem>>
      tpu.enqueue_dma source(%dma_start3A_109 : memref<128x128xf32, #tpu.memory_space<vmem>>) target(%dma_start3A_105 : memref<128x128xf32, #tpu.memory_space<vmem_shared>>) target_semaphore(%run_scoped3A_97 : memref<!tpu.dma_semaphore, #tpu.memory_space<semaphore_mem>>)
      %dma_wait3A_110 = arith.constant 0 : i32
      %dma_wait3A_111 = arith.constant 0 : i32
      %dma_wait3A_112 = tpu.memref_slice %arg8[%run_scoped3A, %dma_wait3A_110, %dma_wait3A_111] : memref<2x128x128xf32, #tpu.memory_space<vmem>> -> memref<1x128x128xf32, #tpu.memory_space<vmem>>
      %dma_wait3A_113 = tpu.memref_squeeze %dma_wait3A_112 : memref<1x128x128xf32, #tpu.memory_space<vmem>> -> memref<128x128xf32, #tpu.memory_space<vmem>>
      %dma_wait3A_114 = arith.constant 0 : i32
      %dma_wait3A_115 = tpu.memref_slice %arg9[%mul3A_22, %dma_wait3A_114] : memref<6144x128xf32, #tpu.memory_space<vmem_shared>> -> memref<128x128xf32, #tpu.memory_space<vmem_shared>>
      %dma_wait3A_116 = arith.constant 0 : i32
      %dma_wait3A_117 = tpu.memref_slice %arg9[%mul3A_22, %dma_wait3A_116] : memref<6144x128xf32, #tpu.memory_space<vmem_shared>> -> memref<128x128xf32, #tpu.memory_space<vmem_shared>>
      %dma_wait3A_118 = arith.constant 0 : i32
      %dma_wait3A_119 = arith.constant 0 : i32
      %dma_wait3A_120 = tpu.memref_slice %arg8[%run_scoped3A, %dma_wait3A_118, %dma_wait3A_119] : memref<2x128x128xf32, #tpu.memory_space<vmem>> -> memref<1x128x128xf32, #tpu.memory_space<vmem>>
      %dma_wait3A_121 = tpu.memref_squeeze %dma_wait3A_120 : memref<1x128x128xf32, #tpu.memory_space<vmem>> -> memref<128x128xf32, #tpu.memory_space<vmem>>
      tpu.wait_dma2 semaphore(%run_scoped3A_97 : memref<!tpu.dma_semaphore, #tpu.memory_space<semaphore_mem>>) src(%dma_wait3A_121 : memref<128x128xf32, #tpu.memory_space<vmem>>) dst(%dma_wait3A_117 : memref<128x128xf32, #tpu.memory_space<vmem_shared>>)
      tpu.yield
    }) : () -> ()
    %mul3A_23 = arith.constant 3 : i32
    %mul3A_24 = arith.muli %arg1, %mul3A_23 : i32
    %add3A_25 = arith.constant 1 : i32
    %add3A_26 = arith.addi %mul3A_24, %add3A_25 : i32
    %mul3A_27 = arith.constant 128 : i32
    %mul3A_28 = arith.muli %add3A_26, %mul3A_27 : i32
    %run_scoped3A_29 = arith.constant 0 : i32
    "tpu.region"() ({
      %run_scoped3A_97 = tpu.sem_alloc : memref<!tpu.dma_semaphore, #tpu.memory_space<semaphore_mem>>
      %dma_start3A_98 = arith.constant 0 : i32
      %dma_start3A_99 = arith.constant 0 : i32
      %dma_start3A_100 = tpu.memref_slice %arg8[%run_scoped3A_29, %dma_start3A_98, %dma_start3A_99] : memref<2x128x128xf32, #tpu.memory_space<vmem>> -> memref<1x128x128xf32, #tpu.memory_space<vmem>>
      %dma_start3A_101 = tpu.memref_squeeze %dma_start3A_100 : memref<1x128x128xf32, #tpu.memory_space<vmem>> -> memref<128x128xf32, #tpu.memory_space<vmem>>
      %dma_start3A_102 = arith.constant 0 : i32
      %dma_start3A_103 = tpu.memref_slice %arg9[%mul3A_28, %dma_start3A_102] : memref<6144x128xf32, #tpu.memory_space<vmem_shared>> -> memref<128x128xf32, #tpu.memory_space<vmem_shared>>
      %dma_start3A_104 = arith.constant 0 : i32
      %dma_start3A_105 = tpu.memref_slice %arg9[%mul3A_28, %dma_start3A_104] : memref<6144x128xf32, #tpu.memory_space<vmem_shared>> -> memref<128x128xf32, #tpu.memory_space<vmem_shared>>
      %dma_start3A_106 = arith.constant 0 : i32
      %dma_start3A_107 = arith.constant 0 : i32
      %dma_start3A_108 = tpu.memref_slice %arg8[%run_scoped3A_29, %dma_start3A_106, %dma_start3A_107] : memref<2x128x128xf32, #tpu.memory_space<vmem>> -> memref<1x128x128xf32, #tpu.memory_space<vmem>>
      %dma_start3A_109 = tpu.memref_squeeze %dma_start3A_108 : memref<1x128x128xf32, #tpu.memory_space<vmem>> -> memref<128x128xf32, #tpu.memory_space<vmem>>
      tpu.enqueue_dma source(%dma_start3A_109 : memref<128x128xf32, #tpu.memory_space<vmem>>) target(%dma_start3A_105 : memref<128x128xf32, #tpu.memory_space<vmem_shared>>) target_semaphore(%run_scoped3A_97 : memref<!tpu.dma_semaphore, #tpu.memory_space<semaphore_mem>>)
      %dma_wait3A_110 = arith.constant 0 : i32
      %dma_wait3A_111 = arith.constant 0 : i32
      %dma_wait3A_112 = tpu.memref_slice %arg8[%run_scoped3A_29, %dma_wait3A_110, %dma_wait3A_111] : memref<2x128x128xf32, #tpu.memory_space<vmem>> -> memref<1x128x128xf32, #tpu.memory_space<vmem>>
      %dma_wait3A_113 = tpu.memref_squeeze %dma_wait3A_112 : memref<1x128x128xf32, #tpu.memory_space<vmem>> -> memref<128x128xf32, #tpu.memory_space<vmem>>
      %dma_wait3A_114 = arith.constant 0 : i32
      %dma_wait3A_115 = tpu.memref_slice %arg9[%mul3A_28, %dma_wait3A_114] : memref<6144x128xf32, #tpu.memory_space<vmem_shared>> -> memref<128x128xf32, #tpu.memory_space<vmem_shared>>
      %dma_wait3A_116 = arith.constant 0 : i32
      %dma_wait3A_117 = tpu.memref_slice %arg9[%mul3A_28, %dma_wait3A_116] : memref<6144x128xf32, #tpu.memory_space<vmem_shared>> -> memref<128x128xf32, #tpu.memory_space<vmem_shared>>
      %dma_wait3A_118 = arith.constant 0 : i32
      %dma_wait3A_119 = arith.constant 0 : i32
      %dma_wait3A_120 = tpu.memref_slice %arg8[%run_scoped3A_29, %dma_wait3A_118, %dma_wait3A_119] : memref<2x128x128xf32, #tpu.memory_space<vmem>> -> memref<1x128x128xf32, #tpu.memory_space<vmem>>
      %dma_wait3A_121 = tpu.memref_squeeze %dma_wait3A_120 : memref<1x128x128xf32, #tpu.memory_space<vmem>> -> memref<128x128xf32, #tpu.memory_space<vmem>>
      tpu.wait_dma2 semaphore(%run_scoped3A_97 : memref<!tpu.dma_semaphore, #tpu.memory_space<semaphore_mem>>) src(%dma_wait3A_121 : memref<128x128xf32, #tpu.memory_space<vmem>>) dst(%dma_wait3A_117 : memref<128x128xf32, #tpu.memory_space<vmem_shared>>)
      tpu.yield
    }) : () -> ()
    %mul3A_30 = arith.constant 3 : i32
    %mul3A_31 = arith.muli %arg1, %mul3A_30 : i32
    %add3A_32 = arith.constant 2 : i32
    %add3A_33 = arith.addi %mul3A_31, %add3A_32 : i32
    %mul3A_34 = arith.constant 128 : i32
    %mul3A_35 = arith.muli %add3A_33, %mul3A_34 : i32
    %run_scoped3A_36 = arith.constant 0 : i32
    "tpu.region"() ({
      %run_scoped3A_97 = tpu.sem_alloc : memref<!tpu.dma_semaphore, #tpu.memory_space<semaphore_mem>>
      %dma_start3A_98 = arith.constant 0 : i32
      %dma_start3A_99 = arith.constant 0 : i32
      %dma_start3A_100 = tpu.memref_slice %arg8[%run_scoped3A_36, %dma_start3A_98, %dma_start3A_99] : memref<2x128x128xf32, #tpu.memory_space<vmem>> -> memref<1x128x128xf32, #tpu.memory_space<vmem>>
      %dma_start3A_101 = tpu.memref_squeeze %dma_start3A_100 : memref<1x128x128xf32, #tpu.memory_space<vmem>> -> memref<128x128xf32, #tpu.memory_space<vmem>>
      %dma_start3A_102 = arith.constant 0 : i32
      %dma_start3A_103 = tpu.memref_slice %arg9[%mul3A_35, %dma_start3A_102] : memref<6144x128xf32, #tpu.memory_space<vmem_shared>> -> memref<128x128xf32, #tpu.memory_space<vmem_shared>>
      %dma_start3A_104 = arith.constant 0 : i32
      %dma_start3A_105 = tpu.memref_slice %arg9[%mul3A_35, %dma_start3A_104] : memref<6144x128xf32, #tpu.memory_space<vmem_shared>> -> memref<128x128xf32, #tpu.memory_space<vmem_shared>>
      %dma_start3A_106 = arith.constant 0 : i32
      %dma_start3A_107 = arith.constant 0 : i32
      %dma_start3A_108 = tpu.memref_slice %arg8[%run_scoped3A_36, %dma_start3A_106, %dma_start3A_107] : memref<2x128x128xf32, #tpu.memory_space<vmem>> -> memref<1x128x128xf32, #tpu.memory_space<vmem>>
      %dma_start3A_109 = tpu.memref_squeeze %dma_start3A_108 : memref<1x128x128xf32, #tpu.memory_space<vmem>> -> memref<128x128xf32, #tpu.memory_space<vmem>>
      tpu.enqueue_dma source(%dma_start3A_109 : memref<128x128xf32, #tpu.memory_space<vmem>>) target(%dma_start3A_105 : memref<128x128xf32, #tpu.memory_space<vmem_shared>>) target_semaphore(%run_scoped3A_97 : memref<!tpu.dma_semaphore, #tpu.memory_space<semaphore_mem>>)
      %dma_wait3A_110 = arith.constant 0 : i32
      %dma_wait3A_111 = arith.constant 0 : i32
      %dma_wait3A_112 = tpu.memref_slice %arg8[%run_scoped3A_36, %dma_wait3A_110, %dma_wait3A_111] : memref<2x128x128xf32, #tpu.memory_space<vmem>> -> memref<1x128x128xf32, #tpu.memory_space<vmem>>
      %dma_wait3A_113 = tpu.memref_squeeze %dma_wait3A_112 : memref<1x128x128xf32, #tpu.memory_space<vmem>> -> memref<128x128xf32, #tpu.memory_space<vmem>>
      %dma_wait3A_114 = arith.constant 0 : i32
      %dma_wait3A_115 = tpu.memref_slice %arg9[%mul3A_35, %dma_wait3A_114] : memref<6144x128xf32, #tpu.memory_space<vmem_shared>> -> memref<128x128xf32, #tpu.memory_space<vmem_shared>>
      %dma_wait3A_116 = arith.constant 0 : i32
      %dma_wait3A_117 = tpu.memref_slice %arg9[%mul3A_35, %dma_wait3A_116] : memref<6144x128xf32, #tpu.memory_space<vmem_shared>> -> memref<128x128xf32, #tpu.memory_space<vmem_shared>>
      %dma_wait3A_118 = arith.constant 0 : i32
      %dma_wait3A_119 = arith.constant 0 : i32
      %dma_wait3A_120 = tpu.memref_slice %arg8[%run_scoped3A_36, %dma_wait3A_118, %dma_wait3A_119] : memref<2x128x128xf32, #tpu.memory_space<vmem>> -> memref<1x128x128xf32, #tpu.memory_space<vmem>>
      %dma_wait3A_121 = tpu.memref_squeeze %dma_wait3A_120 : memref<1x128x128xf32, #tpu.memory_space<vmem>> -> memref<128x128xf32, #tpu.memory_space<vmem>>
      tpu.wait_dma2 semaphore(%run_scoped3A_97 : memref<!tpu.dma_semaphore, #tpu.memory_space<semaphore_mem>>) src(%dma_wait3A_121 : memref<128x128xf32, #tpu.memory_space<vmem>>) dst(%dma_wait3A_117 : memref<128x128xf32, #tpu.memory_space<vmem_shared>>)
      tpu.yield
    }) : () -> ()
    %barrier3A = arith.constant 0 : index
    tpu.barrier barrier_id(%barrier3A)
    %dma_start3A = arith.constant 0 : i32
    %dma_start3A_37 = arith.constant 0 : i32
    %dma_start3A_38 = arith.constant 0 : i32
    %dma_start3A_39 = arith.constant 0 : i32
    %dma_start3A_40 = tpu.memref_slice %arg8[%dma_start3A_37, %dma_start3A_38, %dma_start3A_39] : memref<2x128x128xf32, #tpu.memory_space<vmem>> -> memref<1x128x128xf32, #tpu.memory_space<vmem>>
    %dma_start3A_41 = tpu.memref_squeeze %dma_start3A_40 : memref<1x128x128xf32, #tpu.memory_space<vmem>> -> memref<128x128xf32, #tpu.memory_space<vmem>>
    %dma_start3A_42 = arith.constant 0 : i32
    %dma_start3A_43 = tpu.memref_slice %arg6[%dma_start3A, %dma_start3A_42] : memref<160x128xi32, #tpu.memory_space<vmem>> -> memref<1x128xi32, #tpu.memory_space<vmem>>
    %dma_start3A_44 = tpu.memref_squeeze %dma_start3A_43 : memref<1x128xi32, #tpu.memory_space<vmem>> -> memref<128xi32, #tpu.memory_space<vmem>>
    %dma_start3A_45 = arith.constant 0 : i32
    %dma_start3A_46 = arith.constant 0 : i32
    %dma_start3A_47 = tpu.memref_slice %arg2[%dma_start3A_45, %dma_start3A_46] : memref<10000x128xf32, #tpu.memory_space<hbm>> -> memref<10000x128xf32, #tpu.memory_space<hbm>>
    tpu.enqueue_indirect_dma source(%dma_start3A_47 : memref<10000x128xf32, #tpu.memory_space<hbm>>) target(%dma_start3A_41 : memref<128x128xf32, #tpu.memory_space<vmem>>) offsets(%dma_start3A_44 : memref<128xi32, #tpu.memory_space<vmem>>) semaphore(%arg10 : memref<!tpu.dma_semaphore, #tpu.memory_space<semaphore_mem>>)
    %dma_start3A_48 = arith.constant 1 : i32
    %dma_start3A_49 = arith.constant 1 : i32
    %dma_start3A_50 = arith.constant 0 : i32
    %dma_start3A_51 = arith.constant 0 : i32
    %dma_start3A_52 = tpu.memref_slice %arg8[%dma_start3A_49, %dma_start3A_50, %dma_start3A_51] : memref<2x128x128xf32, #tpu.memory_space<vmem>> -> memref<1x128x128xf32, #tpu.memory_space<vmem>>
    %dma_start3A_53 = tpu.memref_squeeze %dma_start3A_52 : memref<1x128x128xf32, #tpu.memory_space<vmem>> -> memref<128x128xf32, #tpu.memory_space<vmem>>
    %dma_start3A_54 = arith.constant 0 : i32
    %dma_start3A_55 = tpu.memref_slice %arg6[%dma_start3A_48, %dma_start3A_54] : memref<160x128xi32, #tpu.memory_space<vmem>> -> memref<1x128xi32, #tpu.memory_space<vmem>>
    %dma_start3A_56 = tpu.memref_squeeze %dma_start3A_55 : memref<1x128xi32, #tpu.memory_space<vmem>> -> memref<128xi32, #tpu.memory_space<vmem>>
    %dma_start3A_57 = arith.constant 0 : i32
    %dma_start3A_58 = arith.constant 0 : i32
    %dma_start3A_59 = tpu.memref_slice %arg2[%dma_start3A_57, %dma_start3A_58] : memref<10000x128xf32, #tpu.memory_space<hbm>> -> memref<10000x128xf32, #tpu.memory_space<hbm>>
    tpu.enqueue_indirect_dma source(%dma_start3A_59 : memref<10000x128xf32, #tpu.memory_space<hbm>>) target(%dma_start3A_53 : memref<128x128xf32, #tpu.memory_space<vmem>>) offsets(%dma_start3A_56 : memref<128xi32, #tpu.memory_space<vmem>>) semaphore(%arg11 : memref<!tpu.dma_semaphore, #tpu.memory_space<semaphore_mem>>)
    %scan3A_60 = arith.constant 0 : i32
    %scan3A_61 = arith.constant 79 : i32
    %scan3A_62 = arith.addi %scan3A_60, %scan3A_61 : i32
    %scan3A_63 = arith.constant 1 : i32
    scf.for %scan3A_97 = %scan3A_60 to %scan3A_62 step %scan3A_63  : i32 {
      %mul3A_98 = arith.constant 2 : i32
      %mul3A_99 = arith.muli %scan3A_97, %mul3A_98 : i32
      %add3A_100 = arith.constant 0 : i32
      %add3A_101 = arith.addi %add3A_100, %mul3A_99 : i32
      %add3A_102 = arith.constant 0 : i32
      %add3A_103 = arith.addi %add3A_101, %add3A_102 : i32
      %dma_wait3A_104 = arith.constant 0 : i32
      %dma_wait3A_105 = arith.constant 0 : i32
      %dma_wait3A_106 = arith.constant 0 : i32
      %dma_wait3A_107 = tpu.memref_slice %arg8[%dma_wait3A_104, %dma_wait3A_105, %dma_wait3A_106] : memref<2x128x128xf32, #tpu.memory_space<vmem>> -> memref<1x128x128xf32, #tpu.memory_space<vmem>>
      %dma_wait3A_108 = tpu.memref_squeeze %dma_wait3A_107 : memref<1x128x128xf32, #tpu.memory_space<vmem>> -> memref<128x128xf32, #tpu.memory_space<vmem>>
      %dma_wait3A_109 = arith.constant 0 : i32
      %dma_wait3A_110 = tpu.memref_slice %arg6[%add3A_103, %dma_wait3A_109] : memref<160x128xi32, #tpu.memory_space<vmem>> -> memref<1x128xi32, #tpu.memory_space<vmem>>
      %dma_wait3A_111 = tpu.memref_squeeze %dma_wait3A_110 : memref<1x128xi32, #tpu.memory_space<vmem>> -> memref<128xi32, #tpu.memory_space<vmem>>
      %dma_wait3A_112 = arith.constant 0 : i32
      %dma_wait3A_113 = arith.constant 0 : i32
      %dma_wait3A_114 = tpu.memref_slice %arg2[%dma_wait3A_112, %dma_wait3A_113] : memref<10000x128xf32, #tpu.memory_space<hbm>> -> memref<10000x128xf32, #tpu.memory_space<hbm>>
      tpu.wait_indirect_dma semaphore(%arg10 : memref<!tpu.dma_semaphore, #tpu.memory_space<semaphore_mem>>) src(%dma_wait3A_114 : memref<10000x128xf32, #tpu.memory_space<hbm>>) dst(%dma_wait3A_108 : memref<128x128xf32, #tpu.memory_space<vmem>>)
      %run_scoped3A_115 = arith.constant 0 : i32
      "tpu.region"() ({
        %run_scoped3A_156 = tpu.sem_alloc : memref<!tpu.dma_semaphore, #tpu.memory_space<semaphore_mem>>
        %dma_start3A_157 = arith.constant 0 : i32
        %dma_start3A_158 = arith.constant 0 : i32
        %dma_start3A_159 = tpu.memref_slice %arg8[%run_scoped3A_115, %dma_start3A_157, %dma_start3A_158] : memref<2x128x128xf32, #tpu.memory_space<vmem>> -> memref<1x128x128xf32, #tpu.memory_space<vmem>>
        %dma_start3A_160 = tpu.memref_squeeze %dma_start3A_159 : memref<1x128x128xf32, #tpu.memory_space<vmem>> -> memref<128x128xf32, #tpu.memory_space<vmem>>
        %dma_start3A_161 = arith.constant 0 : i32
        %dma_start3A_162 = tpu.memref_slice %arg7[%add3A_103, %dma_start3A_161] : memref<160x128xi32, #tpu.memory_space<vmem>> -> memref<1x128xi32, #tpu.memory_space<vmem>>
        %dma_start3A_163 = tpu.memref_squeeze %dma_start3A_162 : memref<1x128xi32, #tpu.memory_space<vmem>> -> memref<128xi32, #tpu.memory_space<vmem>>
        %dma_start3A_164 = arith.constant 0 : i32
        %dma_start3A_165 = arith.constant 0 : i32
        %dma_start3A_166 = tpu.memref_slice %arg9[%dma_start3A_164, %dma_start3A_165] : memref<6144x128xf32, #tpu.memory_space<vmem_shared>> -> memref<6144x128xf32, #tpu.memory_space<vmem_shared>>
        tpu.enqueue_indirect_dma source(%dma_start3A_160 : memref<128x128xf32, #tpu.memory_space<vmem>>) target(%dma_start3A_166 : memref<6144x128xf32, #tpu.memory_space<vmem_shared>>) offsets(%dma_start3A_163 : memref<128xi32, #tpu.memory_space<vmem>>) semaphore(%run_scoped3A_156 : memref<!tpu.dma_semaphore, #tpu.memory_space<semaphore_mem>>) {add = true}
        %dma_wait3A_167 = arith.constant 0 : i32
        %dma_wait3A_168 = arith.constant 0 : i32
        %dma_wait3A_169 = tpu.memref_slice %arg8[%run_scoped3A_115, %dma_wait3A_167, %dma_wait3A_168] : memref<2x128x128xf32, #tpu.memory_space<vmem>> -> memref<1x128x128xf32, #tpu.memory_space<vmem>>
        %dma_wait3A_170 = tpu.memref_squeeze %dma_wait3A_169 : memref<1x128x128xf32, #tpu.memory_space<vmem>> -> memref<128x128xf32, #tpu.memory_space<vmem>>
        %dma_wait3A_171 = arith.constant 0 : i32
        %dma_wait3A_172 = tpu.memref_slice %arg7[%add3A_103, %dma_wait3A_171] : memref<160x128xi32, #tpu.memory_space<vmem>> -> memref<1x128xi32, #tpu.memory_space<vmem>>
        %dma_wait3A_173 = tpu.memref_squeeze %dma_wait3A_172 : memref<1x128xi32, #tpu.memory_space<vmem>> -> memref<128xi32, #tpu.memory_space<vmem>>
        %dma_wait3A_174 = arith.constant 0 : i32
        %dma_wait3A_175 = arith.constant 0 : i32
        %dma_wait3A_176 = tpu.memref_slice %arg9[%dma_wait3A_174, %dma_wait3A_175] : memref<6144x128xf32, #tpu.memory_space<vmem_shared>> -> memref<6144x128xf32, #tpu.memory_space<vmem_shared>>
        tpu.wait_indirect_dma semaphore(%run_scoped3A_156 : memref<!tpu.dma_semaphore, #tpu.memory_space<semaphore_mem>>) src(%dma_wait3A_170 : memref<128x128xf32, #tpu.memory_space<vmem>>) dst(%dma_wait3A_176 : memref<6144x128xf32, #tpu.memory_space<vmem_shared>>)
        tpu.yield
      }) : () -> ()
      %add3A_116 = arith.constant 2 : i32
      %add3A_117 = arith.addi %add3A_103, %add3A_116 : i32
      %dma_start3A_118 = arith.constant 0 : i32
      %dma_start3A_119 = arith.constant 0 : i32
      %dma_start3A_120 = arith.constant 0 : i32
      %dma_start3A_121 = tpu.memref_slice %arg8[%dma_start3A_118, %dma_start3A_119, %dma_start3A_120] : memref<2x128x128xf32, #tpu.memory_space<vmem>> -> memref<1x128x128xf32, #tpu.memory_space<vmem>>
      %dma_start3A_122 = tpu.memref_squeeze %dma_start3A_121 : memref<1x128x128xf32, #tpu.memory_space<vmem>> -> memref<128x128xf32, #tpu.memory_space<vmem>>
      %dma_start3A_123 = arith.constant 0 : i32
      %dma_start3A_124 = tpu.memref_slice %arg6[%add3A_117, %dma_start3A_123] : memref<160x128xi32, #tpu.memory_space<vmem>> -> memref<1x128xi32, #tpu.memory_space<vmem>>
      %dma_start3A_125 = tpu.memref_squeeze %dma_start3A_124 : memref<1x128xi32, #tpu.memory_space<vmem>> -> memref<128xi32, #tpu.memory_space<vmem>>
      %dma_start3A_126 = arith.constant 0 : i32
      %dma_start3A_127 = arith.constant 0 : i32
      %dma_start3A_128 = tpu.memref_slice %arg2[%dma_start3A_126, %dma_start3A_127] : memref<10000x128xf32, #tpu.memory_space<hbm>> -> memref<10000x128xf32, #tpu.memory_space<hbm>>
      tpu.enqueue_indirect_dma source(%dma_start3A_128 : memref<10000x128xf32, #tpu.memory_space<hbm>>) target(%dma_start3A_122 : memref<128x128xf32, #tpu.memory_space<vmem>>) offsets(%dma_start3A_125 : memref<128xi32, #tpu.memory_space<vmem>>) semaphore(%arg10 : memref<!tpu.dma_semaphore, #tpu.memory_space<semaphore_mem>>)
      %add3A_129 = arith.constant 1 : i32
      %add3A_130 = arith.addi %add3A_101, %add3A_129 : i32
      %dma_wait3A_131 = arith.constant 1 : i32
      %dma_wait3A_132 = arith.constant 0 : i32
      %dma_wait3A_133 = arith.constant 0 : i32
      %dma_wait3A_134 = tpu.memref_slice %arg8[%dma_wait3A_131, %dma_wait3A_132, %dma_wait3A_133] : memref<2x128x128xf32, #tpu.memory_space<vmem>> -> memref<1x128x128xf32, #tpu.memory_space<vmem>>
      %dma_wait3A_135 = tpu.memref_squeeze %dma_wait3A_134 : memref<1x128x128xf32, #tpu.memory_space<vmem>> -> memref<128x128xf32, #tpu.memory_space<vmem>>
      %dma_wait3A_136 = arith.constant 0 : i32
      %dma_wait3A_137 = tpu.memref_slice %arg6[%add3A_130, %dma_wait3A_136] : memref<160x128xi32, #tpu.memory_space<vmem>> -> memref<1x128xi32, #tpu.memory_space<vmem>>
      %dma_wait3A_138 = tpu.memref_squeeze %dma_wait3A_137 : memref<1x128xi32, #tpu.memory_space<vmem>> -> memref<128xi32, #tpu.memory_space<vmem>>
      %dma_wait3A_139 = arith.constant 0 : i32
      %dma_wait3A_140 = arith.constant 0 : i32
      %dma_wait3A_141 = tpu.memref_slice %arg2[%dma_wait3A_139, %dma_wait3A_140] : memref<10000x128xf32, #tpu.memory_space<hbm>> -> memref<10000x128xf32, #tpu.memory_space<hbm>>
      tpu.wait_indirect_dma semaphore(%arg11 : memref<!tpu.dma_semaphore, #tpu.memory_space<semaphore_mem>>) src(%dma_wait3A_141 : memref<10000x128xf32, #tpu.memory_space<hbm>>) dst(%dma_wait3A_135 : memref<128x128xf32, #tpu.memory_space<vmem>>)
      %run_scoped3A_142 = arith.constant 1 : i32
      "tpu.region"() ({
        %run_scoped3A_156 = tpu.sem_alloc : memref<!tpu.dma_semaphore, #tpu.memory_space<semaphore_mem>>
        %dma_start3A_157 = arith.constant 0 : i32
        %dma_start3A_158 = arith.constant 0 : i32
        %dma_start3A_159 = tpu.memref_slice %arg8[%run_scoped3A_142, %dma_start3A_157, %dma_start3A_158] : memref<2x128x128xf32, #tpu.memory_space<vmem>> -> memref<1x128x128xf32, #tpu.memory_space<vmem>>
        %dma_start3A_160 = tpu.memref_squeeze %dma_start3A_159 : memref<1x128x128xf32, #tpu.memory_space<vmem>> -> memref<128x128xf32, #tpu.memory_space<vmem>>
        %dma_start3A_161 = arith.constant 0 : i32
        %dma_start3A_162 = tpu.memref_slice %arg7[%add3A_130, %dma_start3A_161] : memref<160x128xi32, #tpu.memory_space<vmem>> -> memref<1x128xi32, #tpu.memory_space<vmem>>
        %dma_start3A_163 = tpu.memref_squeeze %dma_start3A_162 : memref<1x128xi32, #tpu.memory_space<vmem>> -> memref<128xi32, #tpu.memory_space<vmem>>
        %dma_start3A_164 = arith.constant 0 : i32
        %dma_start3A_165 = arith.constant 0 : i32
        %dma_start3A_166 = tpu.memref_slice %arg9[%dma_start3A_164, %dma_start3A_165] : memref<6144x128xf32, #tpu.memory_space<vmem_shared>> -> memref<6144x128xf32, #tpu.memory_space<vmem_shared>>
        tpu.enqueue_indirect_dma source(%dma_start3A_160 : memref<128x128xf32, #tpu.memory_space<vmem>>) target(%dma_start3A_166 : memref<6144x128xf32, #tpu.memory_space<vmem_shared>>) offsets(%dma_start3A_163 : memref<128xi32, #tpu.memory_space<vmem>>) semaphore(%run_scoped3A_156 : memref<!tpu.dma_semaphore, #tpu.memory_space<semaphore_mem>>) {add = true}
        %dma_wait3A_167 = arith.constant 0 : i32
        %dma_wait3A_168 = arith.constant 0 : i32
        %dma_wait3A_169 = tpu.memref_slice %arg8[%run_scoped3A_142, %dma_wait3A_167, %dma_wait3A_168] : memref<2x128x128xf32, #tpu.memory_space<vmem>> -> memref<1x128x128xf32, #tpu.memory_space<vmem>>
        %dma_wait3A_170 = tpu.memref_squeeze %dma_wait3A_169 : memref<1x128x128xf32, #tpu.memory_space<vmem>> -> memref<128x128xf32, #tpu.memory_space<vmem>>
        %dma_wait3A_171 = arith.constant 0 : i32
        %dma_wait3A_172 = tpu.memref_slice %arg7[%add3A_130, %dma_wait3A_171] : memref<160x128xi32, #tpu.memory_space<vmem>> -> memref<1x128xi32, #tpu.memory_space<vmem>>
        %dma_wait3A_173 = tpu.memref_squeeze %dma_wait3A_172 : memref<1x128xi32, #tpu.memory_space<vmem>> -> memref<128xi32, #tpu.memory_space<vmem>>
        %dma_wait3A_174 = arith.constant 0 : i32
        %dma_wait3A_175 = arith.constant 0 : i32
        %dma_wait3A_176 = tpu.memref_slice %arg9[%dma_wait3A_174, %dma_wait3A_175] : memref<6144x128xf32, #tpu.memory_space<vmem_shared>> -> memref<6144x128xf32, #tpu.memory_space<vmem_shared>>
        tpu.wait_indirect_dma semaphore(%run_scoped3A_156 : memref<!tpu.dma_semaphore, #tpu.memory_space<semaphore_mem>>) src(%dma_wait3A_170 : memref<128x128xf32, #tpu.memory_space<vmem>>) dst(%dma_wait3A_176 : memref<6144x128xf32, #tpu.memory_space<vmem_shared>>)
        tpu.yield
      }) : () -> ()
      %add3A_143 = arith.constant 2 : i32
      %add3A_144 = arith.addi %add3A_130, %add3A_143 : i32
      %dma_start3A_145 = arith.constant 1 : i32
      %dma_start3A_146 = arith.constant 0 : i32
      %dma_start3A_147 = arith.constant 0 : i32
      %dma_start3A_148 = tpu.memref_slice %arg8[%dma_start3A_145, %dma_start3A_146, %dma_start3A_147] : memref<2x128x128xf32, #tpu.memory_space<vmem>> -> memref<1x128x128xf32, #tpu.memory_space<vmem>>
      %dma_start3A_149 = tpu.memref_squeeze %dma_start3A_148 : memref<1x128x128xf32, #tpu.memory_space<vmem>> -> memref<128x128xf32, #tpu.memory_space<vmem>>
      %dma_start3A_150 = arith.constant 0 : i32
      %dma_start3A_151 = tpu.memref_slice %arg6[%add3A_144, %dma_start3A_150] : memref<160x128xi32, #tpu.memory_space<vmem>> -> memref<1x128xi32, #tpu.memory_space<vmem>>
      %dma_start3A_152 = tpu.memref_squeeze %dma_start3A_151 : memref<1x128xi32, #tpu.memory_space<vmem>> -> memref<128xi32, #tpu.memory_space<vmem>>
      %dma_start3A_153 = arith.constant 0 : i32
      %dma_start3A_154 = arith.constant 0 : i32
      %dma_start3A_155 = tpu.memref_slice %arg2[%dma_start3A_153, %dma_start3A_154] : memref<10000x128xf32, #tpu.memory_space<hbm>> -> memref<10000x128xf32, #tpu.memory_space<hbm>>
      tpu.enqueue_indirect_dma source(%dma_start3A_155 : memref<10000x128xf32, #tpu.memory_space<hbm>>) target(%dma_start3A_149 : memref<128x128xf32, #tpu.memory_space<vmem>>) offsets(%dma_start3A_152 : memref<128xi32, #tpu.memory_space<vmem>>) semaphore(%arg11 : memref<!tpu.dma_semaphore, #tpu.memory_space<semaphore_mem>>)
    }
    %scan3A_64 = arith.constant 79 : i32
    %dma_wait3A = arith.constant 158 : i32
    %dma_wait3A_65 = arith.constant 0 : i32
    %dma_wait3A_66 = arith.constant 0 : i32
    %dma_wait3A_67 = arith.constant 0 : i32
    %dma_wait3A_68 = tpu.memref_slice %arg8[%dma_wait3A_65, %dma_wait3A_66, %dma_wait3A_67] : memref<2x128x128xf32, #tpu.memory_space<vmem>> -> memref<1x128x128xf32, #tpu.memory_space<vmem>>
    %dma_wait3A_69 = tpu.memref_squeeze %dma_wait3A_68 : memref<1x128x128xf32, #tpu.memory_space<vmem>> -> memref<128x128xf32, #tpu.memory_space<vmem>>
    %dma_wait3A_70 = arith.constant 0 : i32
    %dma_wait3A_71 = tpu.memref_slice %arg6[%dma_wait3A, %dma_wait3A_70] : memref<160x128xi32, #tpu.memory_space<vmem>> -> memref<1x128xi32, #tpu.memory_space<vmem>>
    %dma_wait3A_72 = tpu.memref_squeeze %dma_wait3A_71 : memref<1x128xi32, #tpu.memory_space<vmem>> -> memref<128xi32, #tpu.memory_space<vmem>>
    %dma_wait3A_73 = arith.constant 0 : i32
    %dma_wait3A_74 = arith.constant 0 : i32
    %dma_wait3A_75 = tpu.memref_slice %arg2[%dma_wait3A_73, %dma_wait3A_74] : memref<10000x128xf32, #tpu.memory_space<hbm>> -> memref<10000x128xf32, #tpu.memory_space<hbm>>
    tpu.wait_indirect_dma semaphore(%arg10 : memref<!tpu.dma_semaphore, #tpu.memory_space<semaphore_mem>>) src(%dma_wait3A_75 : memref<10000x128xf32, #tpu.memory_space<hbm>>) dst(%dma_wait3A_69 : memref<128x128xf32, #tpu.memory_space<vmem>>)
    %run_scoped3A_76 = arith.constant 0 : i32
    %run_scoped3A_77 = arith.constant 158 : i32
    "tpu.region"() ({
      %run_scoped3A_97 = tpu.sem_alloc : memref<!tpu.dma_semaphore, #tpu.memory_space<semaphore_mem>>
      %dma_start3A_98 = arith.constant 0 : i32
      %dma_start3A_99 = arith.constant 0 : i32
      %dma_start3A_100 = tpu.memref_slice %arg8[%run_scoped3A_76, %dma_start3A_98, %dma_start3A_99] : memref<2x128x128xf32, #tpu.memory_space<vmem>> -> memref<1x128x128xf32, #tpu.memory_space<vmem>>
      %dma_start3A_101 = tpu.memref_squeeze %dma_start3A_100 : memref<1x128x128xf32, #tpu.memory_space<vmem>> -> memref<128x128xf32, #tpu.memory_space<vmem>>
      %dma_start3A_102 = arith.constant 0 : i32
      %dma_start3A_103 = tpu.memref_slice %arg7[%run_scoped3A_77, %dma_start3A_102] : memref<160x128xi32, #tpu.memory_space<vmem>> -> memref<1x128xi32, #tpu.memory_space<vmem>>
      %dma_start3A_104 = tpu.memref_squeeze %dma_start3A_103 : memref<1x128xi32, #tpu.memory_space<vmem>> -> memref<128xi32, #tpu.memory_space<vmem>>
      %dma_start3A_105 = arith.constant 0 : i32
      %dma_start3A_106 = arith.constant 0 : i32
      %dma_start3A_107 = tpu.memref_slice %arg9[%dma_start3A_105, %dma_start3A_106] : memref<6144x128xf32, #tpu.memory_space<vmem_shared>> -> memref<6144x128xf32, #tpu.memory_space<vmem_shared>>
      tpu.enqueue_indirect_dma source(%dma_start3A_101 : memref<128x128xf32, #tpu.memory_space<vmem>>) target(%dma_start3A_107 : memref<6144x128xf32, #tpu.memory_space<vmem_shared>>) offsets(%dma_start3A_104 : memref<128xi32, #tpu.memory_space<vmem>>) semaphore(%run_scoped3A_97 : memref<!tpu.dma_semaphore, #tpu.memory_space<semaphore_mem>>) {add = true}
      %dma_wait3A_108 = arith.constant 0 : i32
      %dma_wait3A_109 = arith.constant 0 : i32
      %dma_wait3A_110 = tpu.memref_slice %arg8[%run_scoped3A_76, %dma_wait3A_108, %dma_wait3A_109] : memref<2x128x128xf32, #tpu.memory_space<vmem>> -> memref<1x128x128xf32, #tpu.memory_space<vmem>>
      %dma_wait3A_111 = tpu.memref_squeeze %dma_wait3A_110 : memref<1x128x128xf32, #tpu.memory_space<vmem>> -> memref<128x128xf32, #tpu.memory_space<vmem>>
      %dma_wait3A_112 = arith.constant 0 : i32
      %dma_wait3A_113 = tpu.memref_slice %arg7[%run_scoped3A_77, %dma_wait3A_112] : memref<160x128xi32, #tpu.memory_space<vmem>> -> memref<1x128xi32, #tpu.memory_space<vmem>>
      %dma_wait3A_114 = tpu.memref_squeeze %dma_wait3A_113 : memref<1x128xi32, #tpu.memory_space<vmem>> -> memref<128xi32, #tpu.memory_space<vmem>>
      %dma_wait3A_115 = arith.constant 0 : i32
      %dma_wait3A_116 = arith.constant 0 : i32
      %dma_wait3A_117 = tpu.memref_slice %arg9[%dma_wait3A_115, %dma_wait3A_116] : memref<6144x128xf32, #tpu.memory_space<vmem_shared>> -> memref<6144x128xf32, #tpu.memory_space<vmem_shared>>
      tpu.wait_indirect_dma semaphore(%run_scoped3A_97 : memref<!tpu.dma_semaphore, #tpu.memory_space<semaphore_mem>>) src(%dma_wait3A_111 : memref<128x128xf32, #tpu.memory_space<vmem>>) dst(%dma_wait3A_117 : memref<6144x128xf32, #tpu.memory_space<vmem_shared>>)
      tpu.yield
    }) : () -> ()
    %dma_wait3A_78 = arith.constant 159 : i32
    %dma_wait3A_79 = arith.constant 1 : i32
    %dma_wait3A_80 = arith.constant 0 : i32
    %dma_wait3A_81 = arith.constant 0 : i32
    %dma_wait3A_82 = tpu.memref_slice %arg8[%dma_wait3A_79, %dma_wait3A_80, %dma_wait3A_81] : memref<2x128x128xf32, #tpu.memory_space<vmem>> -> memref<1x128x128xf32, #tpu.memory_space<vmem>>
    %dma_wait3A_83 = tpu.memref_squeeze %dma_wait3A_82 : memref<1x128x128xf32, #tpu.memory_space<vmem>> -> memref<128x128xf32, #tpu.memory_space<vmem>>
    %dma_wait3A_84 = arith.constant 0 : i32
    %dma_wait3A_85 = tpu.memref_slice %arg6[%dma_wait3A_78, %dma_wait3A_84] : memref<160x128xi32, #tpu.memory_space<vmem>> -> memref<1x128xi32, #tpu.memory_space<vmem>>
    %dma_wait3A_86 = tpu.memref_squeeze %dma_wait3A_85 : memref<1x128xi32, #tpu.memory_space<vmem>> -> memref<128xi32, #tpu.memory_space<vmem>>
    %dma_wait3A_87 = arith.constant 0 : i32
    %dma_wait3A_88 = arith.constant 0 : i32
    %dma_wait3A_89 = tpu.memref_slice %arg2[%dma_wait3A_87, %dma_wait3A_88] : memref<10000x128xf32, #tpu.memory_space<hbm>> -> memref<10000x128xf32, #tpu.memory_space<hbm>>
    tpu.wait_indirect_dma semaphore(%arg11 : memref<!tpu.dma_semaphore, #tpu.memory_space<semaphore_mem>>) src(%dma_wait3A_89 : memref<10000x128xf32, #tpu.memory_space<hbm>>) dst(%dma_wait3A_83 : memref<128x128xf32, #tpu.memory_space<vmem>>)
    %run_scoped3A_90 = arith.constant 1 : i32
    %run_scoped3A_91 = arith.constant 159 : i32
    "tpu.region"() ({
      %run_scoped3A_97 = tpu.sem_alloc : memref<!tpu.dma_semaphore, #tpu.memory_space<semaphore_mem>>
      %dma_start3A_98 = arith.constant 0 : i32
      %dma_start3A_99 = arith.constant 0 : i32
      %dma_start3A_100 = tpu.memref_slice %arg8[%run_scoped3A_90, %dma_start3A_98, %dma_start3A_99] : memref<2x128x128xf32, #tpu.memory_space<vmem>> -> memref<1x128x128xf32, #tpu.memory_space<vmem>>
      %dma_start3A_101 = tpu.memref_squeeze %dma_start3A_100 : memref<1x128x128xf32, #tpu.memory_space<vmem>> -> memref<128x128xf32, #tpu.memory_space<vmem>>
      %dma_start3A_102 = arith.constant 0 : i32
      %dma_start3A_103 = tpu.memref_slice %arg7[%run_scoped3A_91, %dma_start3A_102] : memref<160x128xi32, #tpu.memory_space<vmem>> -> memref<1x128xi32, #tpu.memory_space<vmem>>
      %dma_start3A_104 = tpu.memref_squeeze %dma_start3A_103 : memref<1x128xi32, #tpu.memory_space<vmem>> -> memref<128xi32, #tpu.memory_space<vmem>>
      %dma_start3A_105 = arith.constant 0 : i32
      %dma_start3A_106 = arith.constant 0 : i32
      %dma_start3A_107 = tpu.memref_slice %arg9[%dma_start3A_105, %dma_start3A_106] : memref<6144x128xf32, #tpu.memory_space<vmem_shared>> -> memref<6144x128xf32, #tpu.memory_space<vmem_shared>>
      tpu.enqueue_indirect_dma source(%dma_start3A_101 : memref<128x128xf32, #tpu.memory_space<vmem>>) target(%dma_start3A_107 : memref<6144x128xf32, #tpu.memory_space<vmem_shared>>) offsets(%dma_start3A_104 : memref<128xi32, #tpu.memory_space<vmem>>) semaphore(%run_scoped3A_97 : memref<!tpu.dma_semaphore, #tpu.memory_space<semaphore_mem>>) {add = true}
      %dma_wait3A_108 = arith.constant 0 : i32
      %dma_wait3A_109 = arith.constant 0 : i32
      %dma_wait3A_110 = tpu.memref_slice %arg8[%run_scoped3A_90, %dma_wait3A_108, %dma_wait3A_109] : memref<2x128x128xf32, #tpu.memory_space<vmem>> -> memref<1x128x128xf32, #tpu.memory_space<vmem>>
      %dma_wait3A_111 = tpu.memref_squeeze %dma_wait3A_110 : memref<1x128x128xf32, #tpu.memory_space<vmem>> -> memref<128x128xf32, #tpu.memory_space<vmem>>
      %dma_wait3A_112 = arith.constant 0 : i32
      %dma_wait3A_113 = tpu.memref_slice %arg7[%run_scoped3A_91, %dma_wait3A_112] : memref<160x128xi32, #tpu.memory_space<vmem>> -> memref<1x128xi32, #tpu.memory_space<vmem>>
      %dma_wait3A_114 = tpu.memref_squeeze %dma_wait3A_113 : memref<1x128xi32, #tpu.memory_space<vmem>> -> memref<128xi32, #tpu.memory_space<vmem>>
      %dma_wait3A_115 = arith.constant 0 : i32
      %dma_wait3A_116 = arith.constant 0 : i32
      %dma_wait3A_117 = tpu.memref_slice %arg9[%dma_wait3A_115, %dma_wait3A_116] : memref<6144x128xf32, #tpu.memory_space<vmem_shared>> -> memref<6144x128xf32, #tpu.memory_space<vmem_shared>>
      tpu.wait_indirect_dma semaphore(%run_scoped3A_97 : memref<!tpu.dma_semaphore, #tpu.memory_space<semaphore_mem>>) src(%dma_wait3A_111 : memref<128x128xf32, #tpu.memory_space<vmem>>) dst(%dma_wait3A_117 : memref<6144x128xf32, #tpu.memory_space<vmem_shared>>)
      tpu.yield
    }) : () -> ()
    %barrier3A_92 = arith.constant 0 : index
    tpu.barrier barrier_id(%barrier3A_92)
    %mul3A_93 = arith.constant 384 : i32
    %mul3A_94 = arith.muli %arg1, %mul3A_93 : i32
    %mul3A_95 = arith.constant 384 : i32
    %mul3A_96 = arith.muli %arg1, %mul3A_95 : i32
    "tpu.region"() ({
      %run_scoped3A_97 = tpu.sem_alloc : memref<!tpu.dma_semaphore, #tpu.memory_space<semaphore_mem>>
      %dma_start3A_98 = arith.constant 0 : i32
      %dma_start3A_99 = arith.constant 0 : i32
      %dma_start3A_100 = tpu.memref_slice %arg5[%arg0, %dma_start3A_98, %dma_start3A_99] : memref<2x6144x128xf32, #tpu.memory_space<hbm>> -> memref<1x6144x128xf32, #tpu.memory_space<hbm>>
      %dma_start3A_101 = tpu.memref_squeeze %dma_start3A_100 : memref<1x6144x128xf32, #tpu.memory_space<hbm>> -> memref<6144x128xf32, #tpu.memory_space<hbm>>
      %dma_start3A_102 = arith.constant 0 : i32
      %dma_start3A_103 = tpu.memref_slice %dma_start3A_101[%mul3A_96, %dma_start3A_102] : memref<6144x128xf32, #tpu.memory_space<hbm>> -> memref<384x128xf32, #tpu.memory_space<hbm>>
      %dma_start3A_104 = arith.constant 0 : i32
      %dma_start3A_105 = tpu.memref_slice %arg9[%mul3A_94, %dma_start3A_104] : memref<6144x128xf32, #tpu.memory_space<vmem_shared>> -> memref<384x128xf32, #tpu.memory_space<vmem_shared>>
      tpu.enqueue_dma source(%dma_start3A_105 : memref<384x128xf32, #tpu.memory_space<vmem_shared>>) target(%dma_start3A_103 : memref<384x128xf32, #tpu.memory_space<hbm>>) target_semaphore(%run_scoped3A_97 : memref<!tpu.dma_semaphore, #tpu.memory_space<semaphore_mem>>)
      %dma_wait3A_106 = arith.constant 0 : i32
      %dma_wait3A_107 = arith.constant 0 : i32
      %dma_wait3A_108 = tpu.memref_slice %arg5[%arg0, %dma_wait3A_106, %dma_wait3A_107] : memref<2x6144x128xf32, #tpu.memory_space<hbm>> -> memref<1x6144x128xf32, #tpu.memory_space<hbm>>
      %dma_wait3A_109 = tpu.memref_squeeze %dma_wait3A_108 : memref<1x6144x128xf32, #tpu.memory_space<hbm>> -> memref<6144x128xf32, #tpu.memory_space<hbm>>
      %dma_wait3A_110 = arith.constant 0 : i32
      %dma_wait3A_111 = tpu.memref_slice %dma_wait3A_109[%mul3A_96, %dma_wait3A_110] : memref<6144x128xf32, #tpu.memory_space<hbm>> -> memref<384x128xf32, #tpu.memory_space<hbm>>
      %dma_wait3A_112 = arith.constant 0 : i32
      %dma_wait3A_113 = tpu.memref_slice %arg9[%mul3A_94, %dma_wait3A_112] : memref<6144x128xf32, #tpu.memory_space<vmem_shared>> -> memref<384x128xf32, #tpu.memory_space<vmem_shared>>
      tpu.wait_dma2 semaphore(%run_scoped3A_97 : memref<!tpu.dma_semaphore, #tpu.memory_space<semaphore_mem>>) src(%dma_wait3A_113 : memref<384x128xf32, #tpu.memory_space<vmem_shared>>) dst(%dma_wait3A_111 : memref<384x128xf32, #tpu.memory_space<hbm>>)
      tpu.yield
    }) : () -> ()
    return
  }
}

module attributes {stable_mosaic.version = 14 : i64} {
  func.func @_dense1_body(%arg0: i32, %arg1: memref<400x128xf32, #tpu.memory_space<vmem>>, %arg2: memref<128x128xf32, #tpu.memory_space<vmem>>, %arg3: memref<1x400x16xf32, #tpu.memory_space<vmem>>, %arg4: memref<400x128xf32, #tpu.memory_space<vmem>>) attributes {dimension_semantics = [#tpu.dimension_semantics<arbitrary>], iteration_bounds = array<i64: 25>, scalar_prefetch = 0 : i64, scratch_operands = 0 : i64, tpu.core_type = #tpu.core_type<tc>, window_params = [{transform_indices = @transform_0, window_bounds = array<i64: 400, 128>}, {pipeline_mode = #tpu.pipeline_mode<synchronous>, transform_indices = @transform_1, window_bounds = array<i64: 128, 128>}, {transform_indices = @transform_2, window_bounds = array<i64: 1, 400, 16>}, {transform_indices = @transform_3, window_bounds = array<i64: 400, 128>}]} {
    %get3A = arith.constant 0 : index
    %get3A_0 = arith.constant 0 : index
    %get3A_1 = arith.constant 0 : index
    %get3A_2 = vector.load %arg3[%get3A, %get3A_0, %get3A_1] : memref<1x400x16xf32, #tpu.memory_space<vmem>>, vector<1x400x16xf32>
    %slice3A = vector.extract_strided_slice %get3A_2 {offsets = [0, 0, 0], sizes = [1, 400, 1], strides = [1, 1, 1]} : vector<1x400x16xf32> to vector<1x400x1xf32>
    %squeeze3A = vector.shape_cast %slice3A : vector<1x400x1xf32> to vector<400x1xf32>
    %max3A = arith.constant 1.000000e+00 : f32
    %max3A_3 = vector.broadcast %max3A : f32 to vector<400x1xf32>
    %max3A_4 = arith.maximumf %squeeze3A, %max3A_3 : vector<400x1xf32>
    %rsqrt3A = math.rsqrt %max3A_4 : vector<400x1xf32>
    %get3A_5 = arith.constant 0 : index
    %get3A_6 = arith.constant 0 : index
    %get3A_7 = vector.load %arg1[%get3A_5, %get3A_6] : memref<400x128xf32, #tpu.memory_space<vmem>>, vector<400x128xf32>
    %get3A_8 = arith.constant 0 : index
    %get3A_9 = arith.constant 0 : index
    %get3A_10 = vector.load %arg2[%get3A_8, %get3A_9] : memref<128x128xf32, #tpu.memory_space<vmem>>, vector<128x128xf32>
    %dot_general3A = arith.constant dense<0.000000e+00> : vector<400x128xf32>
    %dot_general3A_11 = tpu.matmul %get3A_7, %get3A_10, %dot_general3A {dimension_numbers = #tpu.dot_dimension_numbers<[1], [0], [0], [1], [0, 0, 1, 1], [], []>, transpose_lhs_hint = false} : vector<400x128xf32>, vector<128x128xf32>, vector<400x128xf32> -> vector<400x128xf32>
    %mul3A = vector.broadcast %rsqrt3A : vector<400x1xf32> to vector<400x128xf32>
    %mul3A_12 = arith.mulf %dot_general3A_11, %mul3A : vector<400x128xf32>
    %swap3A = arith.constant 0 : index
    %swap3A_13 = arith.constant 0 : index
    %swap3A_14 = vector.load %arg4[%swap3A, %swap3A_13] : memref<400x128xf32, #tpu.memory_space<vmem>>, vector<400x128xf32>
    tpu.vector_store %arg4[%swap3A, %swap3A_13], %mul3A_12 {strides = array<i32>} : memref<400x128xf32, #tpu.memory_space<vmem>>, vector<400x128xf32>,
    return
  }
  func.func @transform_0(%arg0: i32) -> (i32, i32) {
    %c0_i32 = arith.constant 0 : i32
    %c0_i32_0 = arith.constant 0 : i32
    return %arg0, %c0_i32 : i32, i32
  }
  func.func @transform_1(%arg0: i32) -> (i32, i32) {
    %c0_i32 = arith.constant 0 : i32
    %c0_i32_0 = arith.constant 0 : i32
    %c0_i32_1 = arith.constant 0 : i32
    return %c0_i32, %c0_i32_0 : i32, i32
  }
  func.func @transform_2(%arg0: i32) -> (i32, i32, i32) {
    %lt3A = arith.constant 15 : i32
    %lt3A_0 = arith.cmpi slt, %arg0, %lt3A : i32
    %jit3A = arith.constant 0 : i32
    %jit3A_1 = arith.constant 1 : i32
    %select_n3A = arith.select %lt3A_0, %jit3A, %jit3A_1 : i32
    %lt3A_2 = arith.constant 15 : i32
    %lt3A_3 = arith.cmpi slt, %arg0, %lt3A_2 : i32
    %sub3A = arith.constant 15 : i32
    %sub3A_4 = arith.subi %arg0, %sub3A : i32
    %select_n3A_5 = arith.select %lt3A_3, %arg0, %sub3A_4 : i32
    %c0_i32 = arith.constant 0 : i32
    %c0_i32_6 = arith.constant 0 : i32
    return %select_n3A, %select_n3A_5, %c0_i32 : i32, i32, i32
  }
  func.func @transform_3(%arg0: i32) -> (i32, i32) {
    %c0_i32 = arith.constant 0 : i32
    %c0_i32_0 = arith.constant 0 : i32
    return %arg0, %c0_i32 : i32, i32
  }
}

module attributes {stable_mosaic.version = 14 : i64} {
  func.func @_dense2_body(%arg0: i32, %arg1: memref<1x400x128xf32, #tpu.memory_space<vmem>>, %arg2: memref<1x400x16xf32, #tpu.memory_space<vmem>>, %arg3: memref<1x128xf32, #tpu.memory_space<vmem>>, %arg4: memref<128x64xf32, #tpu.memory_space<vmem>>, %arg5: memref<400x128xf32, #tpu.memory_space<vmem>>) attributes {dimension_semantics = [#tpu.dimension_semantics<arbitrary>], iteration_bounds = array<i64: 25>, scalar_prefetch = 0 : i64, scratch_operands = 0 : i64, tpu.core_type = #tpu.core_type<tc>, window_params = [{transform_indices = @transform_0, window_bounds = array<i64: 1, 400, 128>}, {transform_indices = @transform_1, window_bounds = array<i64: 1, 400, 16>}, {pipeline_mode = #tpu.pipeline_mode<synchronous>, transform_indices = @transform_2, window_bounds = array<i64: 1, 128>}, {pipeline_mode = #tpu.pipeline_mode<synchronous>, transform_indices = @transform_3, window_bounds = array<i64: 128, 64>}, {transform_indices = @transform_4, window_bounds = array<i64: 400, 128>}]} {
    %get3A = arith.constant 0 : index
    %get3A_0 = arith.constant 0 : index
    %get3A_1 = arith.constant 0 : index
    %get3A_2 = vector.load %arg2[%get3A, %get3A_0, %get3A_1] : memref<1x400x16xf32, #tpu.memory_space<vmem>>, vector<1x400x16xf32>
    %slice3A = vector.extract_strided_slice %get3A_2 {offsets = [0, 0, 0], sizes = [1, 400, 1], strides = [1, 1, 1]} : vector<1x400x16xf32> to vector<1x400x1xf32>
    %squeeze3A = vector.shape_cast %slice3A : vector<1x400x1xf32> to vector<400x1xf32>
    %max3A = arith.constant 1.000000e+00 : f32
    %max3A_3 = vector.broadcast %max3A : f32 to vector<400x1xf32>
    %max3A_4 = arith.maximumf %squeeze3A, %max3A_3 : vector<400x1xf32>
    %rsqrt3A = math.rsqrt %max3A_4 : vector<400x1xf32>
    %get3A_5 = arith.constant 0 : index
    %get3A_6 = arith.constant 0 : index
    %get3A_7 = arith.constant 0 : index
    %get3A_8 = vector.load %arg1[%get3A_5, %get3A_6, %get3A_7] : memref<1x400x128xf32, #tpu.memory_space<vmem>>, vector<1x400x128xf32>
    %get3A_9 = vector.shape_cast %get3A_8 : vector<1x400x128xf32> to vector<400x128xf32>
    %mul3A = vector.broadcast %rsqrt3A : vector<400x1xf32> to vector<400x128xf32>
    %mul3A_10 = arith.mulf %get3A_9, %mul3A : vector<400x128xf32>
    %get3A_11 = arith.constant 0 : index
    %get3A_12 = arith.constant 0 : index
    %get3A_13 = vector.load %arg3[%get3A_11, %get3A_12] : memref<1x128xf32, #tpu.memory_space<vmem>>, vector<1x128xf32>
    %add3A = vector.broadcast %get3A_13 : vector<1x128xf32> to vector<400x128xf32>
    %add3A_14 = arith.addf %mul3A_10, %add3A : vector<400x128xf32>
    %max3A_15 = arith.constant 0.000000e+00 : f32
    %max3A_16 = vector.broadcast %max3A_15 : f32 to vector<400x128xf32>
    %max3A_17 = arith.maximumf %add3A_14, %max3A_16 : vector<400x128xf32>
    %get3A_18 = arith.constant 0 : index
    %get3A_19 = arith.constant 0 : index
    %get3A_20 = vector.load %arg4[%get3A_18, %get3A_19] : memref<128x64xf32, #tpu.memory_space<vmem>>, vector<128x64xf32>
    %dot_general3A = arith.constant dense<0.000000e+00> : vector<400x64xf32>
    %dot_general3A_21 = tpu.matmul %max3A_17, %get3A_20, %dot_general3A {dimension_numbers = #tpu.dot_dimension_numbers<[1], [0], [0], [1], [0, 0, 1, 1], [], []>, transpose_lhs_hint = false} : vector<400x128xf32>, vector<128x64xf32>, vector<400x64xf32> -> vector<400x64xf32>
    %mul3A_22 = vector.broadcast %rsqrt3A : vector<400x1xf32> to vector<400x64xf32>
    %mul3A_23 = arith.mulf %dot_general3A_21, %mul3A_22 : vector<400x64xf32>
    %swap3A = arith.constant 0 : index
    %swap3A_24 = arith.constant 0 : index
    %swap3A_25 = vector.load %arg5[%swap3A, %swap3A_24] : memref<400x128xf32, #tpu.memory_space<vmem>>, vector<400x64xf32>
    tpu.vector_store %arg5[%swap3A, %swap3A_24], %mul3A_23 {strides = array<i32>} : memref<400x128xf32, #tpu.memory_space<vmem>>, vector<400x64xf32>,
    %broadcast_in_dim3A = arith.constant 0.000000e+00 : f32
    %broadcast_in_dim3A_26 = vector.broadcast %broadcast_in_dim3A : f32 to vector<400x64xf32>
    %swap3A_27 = arith.constant 0 : index
    %swap3A_28 = arith.constant 64 : index
    %swap3A_29 = vector.load %arg5[%swap3A_27, %swap3A_28] : memref<400x128xf32, #tpu.memory_space<vmem>>, vector<400x64xf32>
    tpu.vector_store %arg5[%swap3A_27, %swap3A_28], %broadcast_in_dim3A_26 {strides = array<i32>} : memref<400x128xf32, #tpu.memory_space<vmem>>, vector<400x64xf32>,
    return
  }
  func.func @transform_0(%arg0: i32) -> (i32, i32, i32) {
    %lt3A = arith.constant 15 : i32
    %lt3A_0 = arith.cmpi slt, %arg0, %lt3A : i32
    %jit3A = arith.constant 0 : i32
    %jit3A_1 = arith.constant 1 : i32
    %select_n3A = arith.select %lt3A_0, %jit3A, %jit3A_1 : i32
    %lt3A_2 = arith.constant 15 : i32
    %lt3A_3 = arith.cmpi slt, %arg0, %lt3A_2 : i32
    %sub3A = arith.constant 15 : i32
    %sub3A_4 = arith.subi %arg0, %sub3A : i32
    %select_n3A_5 = arith.select %lt3A_3, %arg0, %sub3A_4 : i32
    %c0_i32 = arith.constant 0 : i32
    %c0_i32_6 = arith.constant 0 : i32
    return %select_n3A, %select_n3A_5, %c0_i32 : i32, i32, i32
  }
  func.func @transform_1(%arg0: i32) -> (i32, i32, i32) {
    %lt3A = arith.constant 15 : i32
    %lt3A_0 = arith.cmpi slt, %arg0, %lt3A : i32
    %jit3A = arith.constant 0 : i32
    %jit3A_1 = arith.constant 1 : i32
    %select_n3A = arith.select %lt3A_0, %jit3A, %jit3A_1 : i32
    %lt3A_2 = arith.constant 15 : i32
    %lt3A_3 = arith.cmpi slt, %arg0, %lt3A_2 : i32
    %sub3A = arith.constant 15 : i32
    %sub3A_4 = arith.subi %arg0, %sub3A : i32
    %select_n3A_5 = arith.select %lt3A_3, %arg0, %sub3A_4 : i32
    %c0_i32 = arith.constant 0 : i32
    %c0_i32_6 = arith.constant 0 : i32
    return %select_n3A, %select_n3A_5, %c0_i32 : i32, i32, i32
  }
  func.func @transform_2(%arg0: i32) -> (i32, i32) {
    %c0_i32 = arith.constant 0 : i32
    %c0_i32_0 = arith.constant 0 : i32
    %c0_i32_1 = arith.constant 0 : i32
    return %c0_i32, %c0_i32_0 : i32, i32
  }
  func.func @transform_3(%arg0: i32) -> (i32, i32) {
    %c0_i32 = arith.constant 0 : i32
    %c0_i32_0 = arith.constant 0 : i32
    %c0_i32_1 = arith.constant 0 : i32
    return %c0_i32, %c0_i32_0 : i32, i32
  }
  func.func @transform_4(%arg0: i32) -> (i32, i32) {
    %c0_i32 = arith.constant 0 : i32
    %c0_i32_0 = arith.constant 0 : i32
    return %arg0, %c0_i32 : i32, i32
  }
}

module attributes {stable_mosaic.version = 14 : i64} {
  func.func @_dense3_body(%arg0: i32, %arg1: memref<1x400x128xf32, #tpu.memory_space<vmem>>, %arg2: memref<1x400x16xf32, #tpu.memory_space<vmem>>, %arg3: memref<1x64xf32, #tpu.memory_space<vmem>>, %arg4: memref<400x64xf32, #tpu.memory_space<vmem>>) attributes {dimension_semantics = [#tpu.dimension_semantics<arbitrary>], iteration_bounds = array<i64: 25>, scalar_prefetch = 0 : i64, scratch_operands = 0 : i64, tpu.core_type = #tpu.core_type<tc>, window_params = [{transform_indices = @transform_0, window_bounds = array<i64: 1, 400, 128>}, {transform_indices = @transform_1, window_bounds = array<i64: 1, 400, 16>}, {pipeline_mode = #tpu.pipeline_mode<synchronous>, transform_indices = @transform_2, window_bounds = array<i64: 1, 64>}, {transform_indices = @transform_3, window_bounds = array<i64: 400, 64>}]} {
    %get3A = arith.constant 0 : index
    %get3A_0 = arith.constant 0 : index
    %get3A_1 = arith.constant 0 : index
    %get3A_2 = vector.load %arg2[%get3A, %get3A_0, %get3A_1] : memref<1x400x16xf32, #tpu.memory_space<vmem>>, vector<1x400x16xf32>
    %slice3A = vector.extract_strided_slice %get3A_2 {offsets = [0, 0, 0], sizes = [1, 400, 1], strides = [1, 1, 1]} : vector<1x400x16xf32> to vector<1x400x1xf32>
    %squeeze3A = vector.shape_cast %slice3A : vector<1x400x1xf32> to vector<400x1xf32>
    %max3A = arith.constant 1.000000e+00 : f32
    %max3A_3 = vector.broadcast %max3A : f32 to vector<400x1xf32>
    %max3A_4 = arith.maximumf %squeeze3A, %max3A_3 : vector<400x1xf32>
    %rsqrt3A = math.rsqrt %max3A_4 : vector<400x1xf32>
    %get3A_5 = arith.constant 0 : index
    %get3A_6 = arith.constant 0 : index
    %get3A_7 = arith.constant 0 : index
    %get3A_8 = vector.load %arg1[%get3A_5, %get3A_6, %get3A_7] : memref<1x400x128xf32, #tpu.memory_space<vmem>>, vector<1x400x64xf32>
    %get3A_9 = vector.shape_cast %get3A_8 : vector<1x400x64xf32> to vector<400x64xf32>
    %mul3A = vector.broadcast %rsqrt3A : vector<400x1xf32> to vector<400x64xf32>
    %mul3A_10 = arith.mulf %get3A_9, %mul3A : vector<400x64xf32>
    %get3A_11 = arith.constant 0 : index
    %get3A_12 = arith.constant 0 : index
    %get3A_13 = vector.load %arg3[%get3A_11, %get3A_12] : memref<1x64xf32, #tpu.memory_space<vmem>>, vector<1x64xf32>
    %add3A = vector.broadcast %get3A_13 : vector<1x64xf32> to vector<400x64xf32>
    %add3A_14 = arith.addf %mul3A_10, %add3A : vector<400x64xf32>
    %max3A_15 = arith.constant 0.000000e+00 : f32
    %max3A_16 = vector.broadcast %max3A_15 : f32 to vector<400x64xf32>
    %max3A_17 = arith.maximumf %add3A_14, %max3A_16 : vector<400x64xf32>
    %swap3A = arith.constant 0 : index
    %swap3A_18 = arith.constant 0 : index
    %swap3A_19 = vector.load %arg4[%swap3A, %swap3A_18] : memref<400x64xf32, #tpu.memory_space<vmem>>, vector<400x64xf32>
    tpu.vector_store %arg4[%swap3A, %swap3A_18], %max3A_17 {strides = array<i32>} : memref<400x64xf32, #tpu.memory_space<vmem>>, vector<400x64xf32>,
    return
  }
  func.func @transform_0(%arg0: i32) -> (i32, i32, i32) {
    %lt3A = arith.constant 15 : i32
    %lt3A_0 = arith.cmpi slt, %arg0, %lt3A : i32
    %jit3A = arith.constant 0 : i32
    %jit3A_1 = arith.constant 1 : i32
    %select_n3A = arith.select %lt3A_0, %jit3A, %jit3A_1 : i32
    %lt3A_2 = arith.constant 15 : i32
    %lt3A_3 = arith.cmpi slt, %arg0, %lt3A_2 : i32
    %sub3A = arith.constant 15 : i32
    %sub3A_4 = arith.subi %arg0, %sub3A : i32
    %select_n3A_5 = arith.select %lt3A_3, %arg0, %sub3A_4 : i32
    %c0_i32 = arith.constant 0 : i32
    %c0_i32_6 = arith.constant 0 : i32
    return %select_n3A, %select_n3A_5, %c0_i32 : i32, i32, i32
  }
  func.func @transform_1(%arg0: i32) -> (i32, i32, i32) {
    %lt3A = arith.constant 15 : i32
    %lt3A_0 = arith.cmpi slt, %arg0, %lt3A : i32
    %jit3A = arith.constant 0 : i32
    %jit3A_1 = arith.constant 1 : i32
    %select_n3A = arith.select %lt3A_0, %jit3A, %jit3A_1 : i32
    %lt3A_2 = arith.constant 15 : i32
    %lt3A_3 = arith.cmpi slt, %arg0, %lt3A_2 : i32
    %sub3A = arith.constant 15 : i32
    %sub3A_4 = arith.subi %arg0, %sub3A : i32
    %select_n3A_5 = arith.select %lt3A_3, %arg0, %sub3A_4 : i32
    %c0_i32 = arith.constant 0 : i32
    %c0_i32_6 = arith.constant 0 : i32
    return %select_n3A, %select_n3A_5, %c0_i32 : i32, i32, i32
  }
  func.func @transform_2(%arg0: i32) -> (i32, i32) {
    %c0_i32 = arith.constant 0 : i32
    %c0_i32_0 = arith.constant 0 : i32
    %c0_i32_1 = arith.constant 0 : i32
    return %c0_i32, %c0_i32_0 : i32, i32
  }
  func.func @transform_3(%arg0: i32) -> (i32, i32) {
    %c0_i32 = arith.constant 0 : i32
    %c0_i32_0 = arith.constant 0 : i32
    %c0_i32_1 = arith.constant 0 : i32
    return %c0_i32, %c0_i32_0 : i32, i32
  }
}

</mosaic_0001>

<sc_bundles>
// kernel: kernel.11.cloned.1.call-start
scs
__scs_entry_jumppad:
0x0: {  	(pc) =	sbr.rel $0x88, $3  }
0x1: {  	(tag) =	ssettag $0x0;
	lr =	simm.s32 $0x1  }
0x2: {  	[smem:$0x3F9B] =	sst lr;
	_ =	strace $0xD0000000  }
0x3: {  	_ = 	snop  }
0x4: {  	_ = 	snop  }
0x5: {  	_ = 	snop  }
0x6: {  	_ = 	snop  }
0x7: {  	_ = 	snop  }
__scs_overlays_trampoline_lowered:
0x8: {  	[smem:$0x3FAA] =	sst s0  }
0x9: {  	[smem:$0x3FAB] =	sst s1  }
0xa: {  	[smem:$0x3FAC] =	sst s2  }
0xb: {  	[smem:$0x3FAD] =	sst s3  }
0xc: {  	[smem:$0x3FAE] =	sst s4  }
0xd: {  	[smem:$0x3FAF] =	sst s5  }
0xe: {  	[smem:$0x3FB0] =	sst s6  }
0xf: {  	[smem:$0x3FB1] =	sst s7  }
0x10: {  	[smem:$0x3FB2] =	sst s8  }
0x11: {  	[smem:$0x3FB3] =	sst s9;
	s0 =	simm.s32 @!p0 $0x0  }
0x12: {  	s1 =	sld [smem:$0x3F99];
	s0 =	simm.s32 @p0 $0x1  }
0x13: {  	[smem:$0x3FB4] =	sst s0;
	s0 =	simm.s32 @!p1 $0x0  }
0x14: {  	s2 =	sld [smem:$0x3F98];
	s0 =	simm.s32 @p1 $0x1  }
0x15: {  	[smem:$0x3FB5] =	sst s0;
	s0 =	simm.s32 @!p2 $0x0  }
0x16: {  	s3 =	sld [smem:$0x3FDB];
	s0 =	simm.s32 @p2 $0x1  }
0x17: {  	s4 =	simm.s32 $0x1BF5;
	[smem:$0x3FB7] =	sst s0  }
0x18: {  	s0 =	sld [smem:$0x3F9A];
	_ =	swait.ge [sflag:s4], $0x0  }
0x19: {  	s7 =	sld [smem:$0x3F9B]  }
0x1a: {  	s8 =	sadd.s32 $0xFFFFE003, lr  }
0x1b: {  	s9 =	sadd.s32 $0xFFFFFEF7, lr;
	s5 =	simm.s32 $0xFFFFFFFF;
	p2 =	slt.u32 s8, $0xFFFFF086  }
0x1c: {  	p1 =	slt.u32 s9, $0xF7A;
	s5 =	simm.s32 @!p2 $0x0  }
0x1d: {  	s5 =	simm.s32 @p1 $0x1;
	p0 =	seq.s32 s7, s2  }
0x1e: {  	s7 =	smul.u32 @!p0 $0xF7A, s2;
	p2 =	seq.s32 @!p0 s5, $0x0  }
0x1f: {  	s9 =	smul.u32 $0xF7A, s1;
	s8 =	simm.s32 @!p0 $0x1BF5;
	p2 =	por !p2, p0  }
0x20: {  	[sflag:s8] =	ssyncset.s32 @!p0 $0xFFFFF086;
	s6 =	sadd.s32 @!p0 s3, s7;
	s7 =	simm.s32 @!p0 $0x108  }
0x21: {  	s3 =	sadd.s32 s3, s9;
	s6 =	sadd.s32 @!p0 $0x88, s6;
	s7 =	simm.s32 @p2 $0x1082  }
0x22: {  	[simem:s7], [sflag:s8] =	dma.local @!p0 [hbm:s6], $0xF7A  }
0x23: {  	s9 =	sor.u32 $0xD0000000, s2;
	s6 =	simm.s32 $0x108;
	_ =	swait.ge @!p0 [sflag:s8], $0x0  }
0x24: {  	s3 =	sadd.s32 $0x88, s3;
	s6 =	simm.s32 @!p1 $0x1082;
	[sflag:s4] =	ssyncset.s32 $0xFFFFF086  }
0x25: {  	[simem:s6], [sflag:s4] =	dma.local [hbm:s3], $0xF7A  }
0x26: {  	[smem:$0x3F9B] =	sst s1;
	(tag) =	ssettag s2;
	_ =	strace s9  }
0x27: {  	s1 =	sld [smem:$0x3FAB]  }
0x28: {  	s2 =	sld [smem:$0x3FAC]  }
0x29: {  	s4 =	sld [smem:$0x3FAE]  }
0x2a: {  	p0 =	seq.s32 s5, $0x0;
	s5 =	sld [smem:$0x3FAF]  }
0x2b: {  	s6 =	sld [smem:$0x3FB0]  }
0x2c: {  	s7 =	sld [smem:$0x3FB1]  }
0x2d: {  	s3 =	simm.s32 $0x108;
	s8 =	sld [smem:$0x3FB2]  }
0x2e: {  	s3 =	simm.s32 @!p0 $0x1082;
	s9 =	sld [smem:$0x3FB3]  }
0x2f: {  	lr =	sadd.s32 s0, s3;
	s0 =	sld [smem:$0x3FAA]  }
0x30: {  	s3 =	sld [smem:$0x3FAD]  }
0x31: {  	[smem:$0x3FB6] =	sst s10  }
0x32: {  	s10 =	sld [smem:$0x3FB4];
	_ =	sdelay $0x3  }
0x33: {  	p0 =	seq.s32 s10, $0x1;
	s10 =	sld [smem:$0x3FB6];
	_ =	sdelay $0x3  }
0x34: {  	[smem:$0x3FB6] =	sst s10  }
0x35: {  	s10 =	sld [smem:$0x3FB5];
	_ =	sdelay $0x3  }
0x36: {  	p1 =	seq.s32 s10, $0x1;
	s10 =	sld [smem:$0x3FB6];
	_ =	sdelay $0x3  }
0x37: {  	[smem:$0x3FB6] =	sst s10  }
0x38: {  	s10 =	sld [smem:$0x3FB7]  }
0x39: {  	_ = 	snop;
	(pc) =	sbr.ind lr, $3  }
0x3a: {  	_ = 	snop  }
0x3b: {  	_ = 	snop  }
0x3c: {  	p2 =	seq.s32 s10, $0x1;
	s10 =	sld [smem:$0x3FB6]  }
0x3d: {  	_ =	shalt  }
0x3e: {  	_ =	shalt  }
0x3f: {  	_ =	shalt  }
0x40: {  	_ =	shalt  }
0x41: {  	_ =	shalt  }
0x42: {  	_ =	shalt  }
0x43: {  	_ =	shalt  }
0x44: {  	_ =	shalt  }
0x45: {  	_ =	shalt  }
0x46: {  	_ =	shalt  }
0x47: {  	_ =	shalt  }
0x48: {  	_ =	shalt  }
0x49: {  	_ =	shalt  }
0x4a: {  	_ =	shalt  }
0x4b: {  	_ =	shalt  }
0x4c: {  	_ =	shalt  }
0x4d: {  	_ =	shalt  }
0x4e: {  	_ =	shalt  }
0x4f: {  	_ =	shalt  }
0x50: {  	_ =	shalt  }
0x51: {  	_ =	shalt  }
0x52: {  	_ =	shalt  }
0x53: {  	_ =	shalt  }
0x54: {  	_ =	shalt  }
0x55: {  	_ =	shalt  }
0x56: {  	_ =	shalt  }
0x57: {  	_ =	shalt  }
0x58: {  	_ =	shalt  }
0x59: {  	_ =	shalt  }
0x5a: {  	_ =	shalt  }
0x5b: {  	_ =	shalt  }
0x5c: {  	_ =	shalt  }
0x5d: {  	_ =	shalt  }
0x5e: {  	_ =	shalt  }
0x5f: {  	_ =	shalt  }
0x60: {  	_ =	shalt  }
0x61: {  	_ =	shalt  }
0x62: {  	_ =	shalt  }
0x63: {  	_ =	shalt  }
0x64: {  	_ =	shalt  }
0x65: {  	_ =	shalt  }
0x66: {  	_ =	shalt  }
0x67: {  	_ =	shalt  }
0x68: {  	_ =	shalt  }
0x69: {  	_ =	shalt  }
0x6a: {  	_ =	shalt  }
0x6b: {  	_ =	shalt  }
0x6c: {  	_ =	shalt  }
0x6d: {  	_ =	shalt  }
0x6e: {  	_ =	shalt  }
0x6f: {  	_ =	shalt  }
0x70: {  	_ =	shalt  }
0x71: {  	_ =	shalt  }
0x72: {  	_ =	shalt  }
0x73: {  	_ =	shalt  }
0x74: {  	_ =	shalt  }
0x75: {  	_ =	shalt  }
0x76: {  	_ =	shalt  }
0x77: {  	_ =	shalt  }
0x78: {  	_ =	shalt  }
0x79: {  	_ =	shalt  }
0x7a: {  	_ =	shalt  }
0x7b: {  	_ =	shalt  }
0x7c: {  	_ =	shalt  }
0x7d: {  	_ =	shalt  }
0x7e: {  	_ =	shalt  }
0x7f: {  	_ =	shalt  }
0x80: {  	_ =	shalt  }
0x81: {  	_ =	shalt  }
0x82: {  	_ =	shalt  }
0x83: {  	_ =	shalt  }
0x84: {  	_ =	shalt  }
0x85: {  	_ =	shalt  }
0x86: {  	_ =	shalt  }
0x87: {  	_ =	shalt  }
.Lfunc_end0:
.L_simem_size_0:
called_computation.1_lowered:
.L_overlay_start_0:
0x88: {  	s2 =	sld [smem:$0x3FD9]  }
0x89: {  	s3 =	sld [smem:$0x3FFE];
	_ =	sdelay $0x1  }
0x8a: {  	s1 =	srdreg.scid  }
0x8b: {  	s0 =	sand.u32 $0x1, s1  }
0x8c: {  	s17 =	sshll.u32 s0, $0xA;
	s2 =	sadd.s32 s3, s2  }
0x8d: {  	s2 =	sadd.s32 s2, s17  }
0x8e: {  	[smem:$0x3FC2] =	sst s2  }
0x8f: {  	_ = 	snop  }
0x90: {  	s2 =	sld [smem:$0x3FD0];
	(tm) =	ssettm $0x1  }
0x91: {  	s18 =	sld [smem:$0x3FFB];
	_ =	sdelay $0x3  }
0x92: {  	_ =	strace s18  }
0x93: {  	s3 =	sld [smem:$0x3FFC];
	_ =	sdelay $0x3  }
0x94: {  	_ =	strace s3  }
0x95: {  	s3 =	sld [smem:$0x3FFD];
	_ =	sdelay $0x3  }
0x96: {  	_ =	strace s3  }
0x97: {  	_ =	strace $0x8FFFFFFF  }
0x98: {  	s19 =	sld [smem:$0x3FDB];
	_ =	sdelay $0x1  }
0x99: {  	s4 =	simm.s32 $_scs_section_size  }
0x9a: {  	s5 =	simm.s32 $_size__tile_overlayer_lowered;
	s6 =	simm.s32 $_tile_overlayer_lowered  }
0x9b: {  	s22 =	simm.s32 $0x1BFF;
	s21 =	sshll.u32 s6, $0x1;
	s3 =	sadd.s32 s4, s19  }
0x9c: {  	s7 =	simm.s32 $0x0;
	s20 =	sshll.u32 s5, $0x1;
	s5 =	sadd.s32 s21, s3  }
0x9d: {  	[timem:s7], [sflag:s22] =	dma.local [hbm:s5], s20  }
0x9e: {  	_ =	swait.ge [sflag:s22], s20  }
0x9f: {  	s4 =	ssub.s32 $0x0, s20;
	[sflag:s22] =	ssyncset.done $0x0  }
0xa0: {  	[sflag:s22] =	ssyncadd.s32 s4;
	_ =	sdelay $0x1  }
0xa1: {  	s23 =	simm.s32 $0x1B8B  }
0xa2: {  	_ =	swait.ge [sflag:s23], $0x1  }
0xa3: {  	[sflag:s23] =	ssyncset.done $0x0  }
0xa4: {  	s25 =	simm.s32 $0x1B8E;
	s24 =	sld [smem:$0x3FFE];
	[sflag:s23] =	ssyncadd.s32 $0xFFFFFFFF  }
0xa5: {  	s26 =	simm.s32 $execute0_lowered;
	[smem:$0x3FD2] =	sst s25  }
0xa6: {  	s5 =	sshll.u32 s26, $0x1;
	_ =	strace $0x80000049;
	[dreg:$0x1] =	wrdreg $0xFFFFFFFF  }
0xa7: {  	s28 =	simm.s32 $_size_execute0_lowered;
	s3 =	sadd.s32 s3, s5;
	[dreg:$0x0] =	wrdreg $0x0  }
0xa8: {  	s5 =	sshll.u32 s28, $0x1;
	[dreg:$0x2] =	wrdreg s3  }
0xa9: {  	[dreg:$0x3] =	wrdreg s5  }
0xaa: {  	[dreg:$0x4] =	wrdreg $0xC0  }
0xab: {  	_ =	task [dreg:s7], $0x5FFFF  }
0xac: {  	[dreg:$0x1] =	wrdreg $0xFFFFFFFF  }
0xad: {  	[dreg:$0x0] =	wrdreg $0x60  }
0xae: {  	[dreg:$0x2] =	wrdreg s24  }
0xaf: {  	[dreg:$0x3] =	wrdreg s2  }
0xb0: {  	[dreg:$0x4] =	wrdreg $0x120000  }
0xb1: {  	[dreg:$0x5] =	wrdreg $0x9  }
0xb2: {  	_ =	task.clear_ibuf [dreg:s7], $0x6FFFF;
	_ =	strace $0x90000049  }
0xb3: {  	s29 =	simm.s32 $0x9;
	_ =	strace $0x8000004B  }
0xb4: {  	_ =	swait.ge [sflag:s29], $0x1  }
0xb5: {  	[sflag:s29] =	ssyncadd.s32 $0xFFFFFFFF  }
0xb6: {  	_ =	strace $0x9000004B  }
0xb7: {  	_ =	sfence  }
0xb8: {  	s30 =	sld [smem:$0x0];
	_ =	sdelay $0x2  }
0xb9: {  	s31 =	sshll.u32 s1, $0xD;
	s1 =	sshrl.u32 s1, $0x2  }
0xba: {  	s3 =	sand.u32 $0x4000, s31;
	s1 =	sadd.s32 s1, s30  }
0xbb: {  	s0 =	sor.u32 s3, s0;
	s1 =	sshll.u32 s1, $0x11  }
0xbc: {  	s0 =	sor.u32 s1, s0  }
0xbd: {  	s0 =	sadd.s32 $0x8F2B, s0  }
0xbe: {  	[sflag:s0] =	ssyncadd.remote.s32 $0x1  }
0xbf: {  	_ =	sfence.sel $0xFFFF  }
0xc0: {  	[dreg:$0x0] =	wrdreg $0xFFFFFFFF;
	(pc) =	sbr.abs _section_cstart, $3  }
0xc1: {  	[dreg:$0x1] =	wrdreg $0xFFFFFFFF  }
0xc2: {  	_ =	task.clear_ibuf [dreg:s7], $0x2FFFF;
	_ =	strace $0x9FFFFFFF  }
0xc3: {  	(tm) =	ssettm $0x7FFFFFFF  }
tec
execute0_lowered:
.L_overlay_start_1:
0x0: {  	(tag) =	ssettag $0x1  }
0x1: {  	s5 =	rddreg [dreg:$0x0]  }
0x2: {  	s6 =	rddreg [dreg:$0x1]  }
0x3: {  	s2 =	rddreg [dreg:$0x2];
	s1 =	stileid.u32  }
0x4: {  	s0 =	rddreg [dreg:$0x3];
	s7 =	smul.u32 $0xA00, s1  }
0x5: {  	s3 =	simm.s32 $0x0;
	s4 =	srdreg.scid;
	s28 =	smul.u32 $0x30000, s1  }
0x6: {  	s14 =	simm.s32 $0x80;
	s8 =	sand.u32 $0x1, s4;
	s22 =	smul.u32 $0x1800, s1  }
0x7: {  	s15 =	simm.s32 $0xE000;
	s17 =	simm.s32 $0x2;
	s9 =	smul.u32 $0x18000, s8  }
0x8: {  	s18 =	simm.s32 $0x9F00;
	[smem:$0x7FF] =	sst s3;
	s29 =	smul.u32 $0xFFFFF95C, s8  }
0x9: {  	s4 =	sadd.s32 $0x1E00, s5;
	_ =	strace $0x8000004A;
	s13 =	smul.u32 $0x90, s8  }
0xa: {  	s11 =	ssub.s32 $0x2, s8;
	s16 =	smul.u32 $0x1770, s8;
	s10 =	sadd.s32 s7, s5  }
0xb: {  	s26 =	sshrl.u32 s11, $0x1;
	s6 =	sadd.s32 s6, s7;
	s30 =	sshrl.u32 s28, $0x2  }
0xc: {  	s12 =	sadd.s32 s9, s5;
	s11 =	ssub.s32 s11, s26;
	s5 =	sadd.s32 $0x32E00, s10  }
0xd: {  	s31 =	sadd.s32 s1, s29;
	s7 =	sadd.s32 s30, s2;
	s20 =	sadd.s32 $0x1770, s13  }
0xe: {  	s13 =	simm.s32 $0xA000;
	v0 =	vmov s16;
	s16 =	simm.s32 $0x1;
	s19 =	sadd.s32 $0x1770, s31  }
0xf: {  	s8 =	sadd.s32 $0x4000, s7;
	s9 =	sadd.s32 $0x8000, s7;
	s21 =	sadd.s32 $0x3CE00, s12  }
0x10: {  	s10 =	smax.u32 s11, $0x1;
	s11 =	simm.s32 $0x3;
	s12 =	simm.s32 $0x5000  }
0x11: {  	v3 =	vimm.f32 $0.0e+00;
	v1 =	vmov s20;
	v2 =	vmov s19;
	s19 =	simm.s32 $0x9F80;
	s20 =	sadd.s32 s22, s21;
	s21 =	simm.s32 $0x0  }
.LBB2_1:
0x12: {  	[tilespmem:s3], [sflag:$0x3] =	stream.linear.gather [hbm4b:s5+s3], $0x5000, $0x38;
	[tilespmem:$0x1E000] =	vst v63  }
0x13: {  	_ =	swait.ge [sflag:s11], $0x5000  }
0x14: {  	[sflag:s11] =	ssyncset.done $0x0  }
0x15: {  	[sflag:s11] =	ssyncadd.s32 $0xFFFFB000  }
0x16: {  	[tilespmem:s12], [sflag:$0x3] =	stream.linear.gather [hbm4b:s6+s3], $0x5000, $0x38;
	[tilespmem:$0x1E000] =	vst v63  }
0x17: {  	_ =	swait.ge [sflag:s11], $0x5000  }
0x18: {  	[sflag:s11] =	ssyncset.done $0x0  }
0x19: {  	s22 =	simm.s32 $0x0;
	[sflag:s11] =	ssyncadd.s32 $0xFFFFB000  }
0x1a: {  	v4 =	vld [tilespmem:s22+$0x5000]  }
0x1b: {  	v9 =	vld [tilespmem:s22+$0x5010]  }
0x1c: {  	v8 =	vld [tilespmem:s22+$0x5020]  }
0x1d: {  	v7 =	vld [tilespmem:s22+$0x5030]  }
0x1e: {  	v6 =	vld [tilespmem:s22+$0x5040]  }
0x1f: {  	v5 =	vld [tilespmem:s22+$0x5050];
	v10 =	vsub.s32 v4, v0  }
0x20: {  	s23 =	simm.s32 $0x200;
	v9 =	vsub.s32 v9, v0;
	v4 =	vld [tilespmem:s22+$0x5060];
	vm0 =	vlt.u32 v10, v1  }
.LBB2_2:
0x21: {  	p0 =	sne.s32 s23, $0x13E00;
	v10 =	vsel vm0, v10, v2;
	vm0 =	vlt.u32 v9, v1;
	v8 =	vsub.s32 v8, v0;
	v11 =	vld [tilespmem:s22+$0x5070]  }
0x22: {  	s24 =	sshra.s32 s23, $0x2;
	[tilespmem:s22+$0x5000] =	vst v10;
	v9 =	vsel vm0, v9, v2;
	vm0 =	vlt.u32 v8, v1;
	v7 =	vsub.s32 v7, v0  }
0x23: {  	v10 =	vld [tilespmem:s24+$0x5000];
	[tilespmem:s22+$0x5010] =	vst v9;
	v8 =	vsel vm0, v8, v2;
	vm0 =	vlt.u32 v7, v1;
	v6 =	vsub.s32 v6, v0  }
0x24: {  	v9 =	vld [tilespmem:s24+$0x5010];
	[tilespmem:s22+$0x5020] =	vst v8;
	v7 =	vsel vm0, v7, v2;
	vm0 =	vlt.u32 v6, v1;
	v5 =	vsub.s32 v5, v0  }
.Ltmp0:
0x25: {  	v8 =	vld [tilespmem:s24+$0x5020];
	[tilespmem:s22+$0x5030] =	vst v7;
	v6 =	vsel vm0, v6, v2;
	vm0 =	vlt.u32 v5, v1;
	v4 =	vsub.s32 v4, v0;
	(pc) =	sbr.rel @p0 .LBB2_2-.Ltmp0, $4  }
0x26: {  	v7 =	vld [tilespmem:s24+$0x5030];
	[tilespmem:s22+$0x5040] =	vst v6;
	v5 =	vsel vm0, v5, v2;
	vm0 =	vlt.u32 v4, v1;
	v11 =	vsub.s32 v11, v0  }
0x27: {  	v6 =	vld [tilespmem:s24+$0x5040];
	[tilespmem:s22+$0x5050] =	vst v5;
	v4 =	vsel vm0, v4, v2;
	vm0 =	vlt.u32 v11, v1  }
0x28: {  	v10 =	vsub.s32 v10, v0;
	v5 =	vld [tilespmem:s24+$0x5050];
	[tilespmem:s22+$0x5060] =	vst v4;
	v11 =	vsel vm0, v11, v2  }
0x29: {  	s23 =	sadd.s32 $0x200, s23;
	vm0 =	vlt.u32 v10, v1;
	v9 =	vsub.s32 v9, v0;
	v4 =	vld [tilespmem:s24+$0x5060];
	[tilespmem:s22+$0x5070] =	vst v11;
	s22 =	smov.u32 s24  }
0x2a: {  	v10 =	vsel vm0, v10, v2;
	vm9 =	vlt.u32 v9, v1;
	v8 =	vsub.s32 v8, v0;
	v11 =	vld [tilespmem:s22+$0x5070]  }
0x2b: {  	[tilespmem:s22+$0x5000] =	vst v10;
	v9 =	vsel vm9, v9, v2;
	vm10 =	vlt.u32 v8, v1;
	v7 =	vsub.s32 v7, v0  }
0x2c: {  	[tilespmem:s22+$0x5010] =	vst v9;
	v8 =	vsel vm10, v8, v2;
	vm11 =	vlt.u32 v7, v1;
	v6 =	vsub.s32 v6, v0  }
0x2d: {  	[tilespmem:s22+$0x5020] =	vst v8;
	v7 =	vsel vm11, v7, v2;
	vm12 =	vlt.u32 v6, v1;
	v5 =	vsub.s32 v5, v0  }
0x2e: {  	[tilespmem:s22+$0x5030] =	vst v7;
	v6 =	vsel vm12, v6, v2;
	vm13 =	vlt.u32 v5, v1;
	v4 =	vsub.s32 v4, v0  }
0x2f: {  	[tilespmem:s22+$0x5040] =	vst v6;
	v5 =	vsel vm13, v5, v2;
	vm14 =	vlt.u32 v4, v1;
	v63 =	vsub.s32 v11, v0  }
0x30: {  	[tilespmem:s22+$0x5050] =	vst v5;
	v4 =	vsel vm14, v4, v2;
	vm15 =	vlt.u32 v63, v1  }
0x31: {  	[tilespmem:s22+$0x5060] =	vst v4;
	v4 =	vsel vm15, v63, v2  }
0x32: {  	s23 =	simm.s32 $0x200;
	[tilespmem:s22+$0x5070] =	vst v4;
	s22 =	simm.s32 $0x0  }
.LBB2_4:
0x33: {  	p0 =	sne.s32 s23, $0xFE00;
	[tilespmem:s22+$0xA070] =	vst v3  }
0x34: {  	[tilespmem:s22+$0xA000] =	vst v3  }
0x35: {  	[tilespmem:s22+$0xA010] =	vst v3  }
.Ltmp1:
0x36: {  	[tilespmem:s22+$0xA020] =	vst v3;
	(pc) =	sbr.rel @p0 .LBB2_4-.Ltmp1, $4  }
0x37: {  	[tilespmem:s22+$0xA030] =	vst v3  }
0x38: {  	[tilespmem:s22+$0xA040] =	vst v3  }
0x39: {  	[tilespmem:s22+$0xA050] =	vst v3  }
0x3a: {  	[tilespmem:s22+$0xA060] =	vst v3;
	s22 =	sshra.s32 s23, $0x2;
	s23 =	sadd.s32 $0x200, s23  }
0x3b: {  	[tilespmem:s22+$0xA070] =	vst v3  }
0x3c: {  	[tilespmem:s22+$0xA000] =	vst v3  }
0x3d: {  	[tilespmem:s22+$0xA010] =	vst v3  }
0x3e: {  	[tilespmem:s22+$0xA020] =	vst v3  }
0x3f: {  	[tilespmem:s22+$0xA030] =	vst v3  }
0x40: {  	[tilespmem:s22+$0xA040] =	vst v3  }
0x41: {  	[tilespmem:s22+$0xA050] =	vst v3  }
0x42: {  	[tilespmem:s22+$0xA060] =	vst v3  }
0x43: {  	[spmem:s7] =	stream.linear.scatter [tilespmem:s13], [sflag:$0x3], $0x4000, $0x38;
	[tilespmem:$0x1E000] =	vst v63  }
0x44: {  	_ =	swait.ge [sflag:s11], $0x4000  }
0x45: {  	[sflag:s11] =	ssyncset.done $0x0  }
0x46: {  	[sflag:s11] =	ssyncadd.s32 $0xFFFFC000  }
0x47: {  	[spmem:s8] =	stream.linear.scatter [tilespmem:s13], [sflag:$0x3], $0x4000, $0x38;
	[tilespmem:$0x1E000] =	vst v63  }
0x48: {  	_ =	swait.ge [sflag:s11], $0x4000  }
0x49: {  	[sflag:s11] =	ssyncset.done $0x0  }
0x4a: {  	[sflag:s11] =	ssyncadd.s32 $0xFFFFC000  }
0x4b: {  	[spmem:s9] =	stream.linear.scatter [tilespmem:s13], [sflag:$0x3], $0x4000, $0x38;
	[tilespmem:$0x1E000] =	vst v63  }
0x4c: {  	_ =	swait.ge [sflag:s11], $0x4000  }
0x4d: {  	[sflag:s11] =	ssyncset.done $0x0  }
0x4e: {  	[sflag:s11] =	ssyncadd.s32 $0xFFFFC000  }
0x4f: {  	s28 =	simm.s32 $0x0;
	[bflag:$0x0] =	sbarrier.arrive $0xFFFF  }
0x50: {  	[tilespmem:s13], [sflag:$0x1] =	stream.indirect.gather [hbm4b:s4+s14], $0x80, s28, s14, $0xb8;
	[tilespmem:$0x1E000] =	vst v63  }
0x51: {  	_ = 	snop  }
0x52: {  	[tilespmem:s15], [sflag:$0x2] =	stream.indirect.gather [hbm4b:s4+s14], $0x80, s14, s14, $0xb8;
	[tilespmem:$0x1E000] =	vst v63  }
0x53: {  	_ =	swait.ge [sflag:s16], $0x4000  }
0x54: {  	[sflag:s16] =	ssyncset.done $0x0  }
0x55: {  	s29 =	simm.s32 $0x5000;
	[sflag:s16] =	ssyncadd.s32 $0xFFFFC000  }
0x56: {  	[spmem:s2] =	stream.indirect.scatter.add.f32 [tilespmem:s13], [sflag:$0x3], $0x80, s29, s14, $0xb8;
	[tilespmem:$0x1E000] =	vst v63  }
0x57: {  	_ =	swait.ge [sflag:s11], $0x4000  }
0x58: {  	[sflag:s11] =	ssyncset.done $0x0  }
0x59: {  	s30 =	simm.s32 $0x100;
	[sflag:s11] =	ssyncadd.s32 $0xFFFFC000  }
0x5a: {  	[tilespmem:s13], [sflag:$0x1] =	stream.indirect.gather [hbm4b:s4+s14], $0x80, s30, s14, $0xb8;
	[tilespmem:$0x1E000] =	vst v63  }
0x5b: {  	_ =	swait.ge [sflag:s17], $0x4000  }
0x5c: {  	[sflag:s17] =	ssyncset.done $0x0  }
0x5d: {  	s31 =	simm.s32 $0x5080;
	[sflag:s17] =	ssyncadd.s32 $0xFFFFC000  }
0x5e: {  	[spmem:s2] =	stream.indirect.scatter.add.f32 [tilespmem:s15], [sflag:$0x3], $0x80, s31, s14, $0xb8;
	[tilespmem:$0x1E000] =	vst v63  }
0x5f: {  	_ =	swait.ge [sflag:s11], $0x4000  }
0x60: {  	[sflag:s11] =	ssyncset.done $0x0  }
0x61: {  	s22 =	simm.s32 $0x400;
	s23 =	simm.s32 $0x180;
	[sflag:s11] =	ssyncadd.s32 $0xFFFFC000  }
.LBB2_6:
0x62: {  	[tilespmem:s15], [sflag:$0x2] =	stream.indirect.gather [hbm4b:s4+s14], $0x80, s23, s14, $0xb8;
	[tilespmem:$0x1E000] =	vst v63  }
0x63: {  	s23 =	smov.u32 s22  }
0x64: {  	p0 =	sne.s32 s22, $0x13800;
	s22 =	sadd.s32 $0x400, s22;
	_ =	swait.ge [sflag:s16], $0x4000  }
0x65: {  	s23 =	sshra.s32 s23, $0x2;
	[sflag:s16] =	ssyncset.done $0x0  }
0x66: {  	s24 =	sadd.s32 $0x5000, s23;
	[sflag:s16] =	ssyncadd.s32 $0xFFFFC000  }
0x67: {  	[spmem:s2] =	stream.indirect.scatter.add.f32 [tilespmem:s13], [sflag:$0x3], $0x80, s24, s14, $0xb8;
	[tilespmem:$0x1E000] =	vst v63  }
0x68: {  	_ =	swait.ge [sflag:s11], $0x4000  }
0x69: {  	[sflag:s11] =	ssyncset.done $0x0  }
0x6a: {  	s24 =	sadd.s32 $0x100, s23;
	[sflag:s11] =	ssyncadd.s32 $0xFFFFC000  }
0x6b: {  	[tilespmem:s13], [sflag:$0x1] =	stream.indirect.gather [hbm4b:s4+s14], $0x80, s24, s14, $0xb8;
	[tilespmem:$0x1E000] =	vst v63  }
0x6c: {  	_ =	swait.ge [sflag:s17], $0x4000  }
0x6d: {  	[sflag:s17] =	ssyncset.done $0x0  }
.Ltmp2:
0x6e: {  	s24 =	sadd.s32 $0x5080, s23;
	[sflag:s17] =	ssyncadd.s32 $0xFFFFC000;
	(pc) =	sbr.rel @p0 .LBB2_6-.Ltmp2, $4  }
0x6f: {  	[spmem:s2] =	stream.indirect.scatter.add.f32 [tilespmem:s15], [sflag:$0x3], $0x80, s24, s14, $0xb8;
	[tilespmem:$0x1E000] =	vst v63  }
0x70: {  	_ =	swait.ge [sflag:s11], $0x4000  }
0x71: {  	[sflag:s11] =	ssyncset.done $0x0  }
0x72: {  	s23 =	sadd.s32 $0x180, s23;
	[sflag:s11] =	ssyncadd.s32 $0xFFFFC000  }
0x73: {  	[tilespmem:s15], [sflag:$0x2] =	stream.indirect.gather [hbm4b:s4+s14], $0x80, s23, s14, $0xb8;
	[tilespmem:$0x1E000] =	vst v63  }
0x74: {  	_ =	swait.ge [sflag:s16], $0x4000  }
0x75: {  	[sflag:s16] =	ssyncset.done $0x0  }
0x76: {  	[sflag:s16] =	ssyncadd.s32 $0xFFFFC000  }
0x77: {  	[spmem:s2] =	stream.indirect.scatter.add.f32 [tilespmem:s13], [sflag:$0x3], $0x80, s18, s14, $0xb8;
	[tilespmem:$0x1E000] =	vst v63  }
0x78: {  	_ =	swait.ge [sflag:s11], $0x4000  }
0x79: {  	[sflag:s11] =	ssyncset.done $0x0  }
0x7a: {  	[sflag:s11] =	ssyncadd.s32 $0xFFFFC000  }
0x7b: {  	_ =	swait.ge [sflag:s17], $0x4000  }
0x7c: {  	[sflag:s17] =	ssyncset.done $0x0  }
0x7d: {  	[sflag:s17] =	ssyncadd.s32 $0xFFFFC000  }
0x7e: {  	[spmem:s2] =	stream.indirect.scatter.add.f32 [tilespmem:s15], [sflag:$0x3], $0x80, s19, s14, $0xb8;
	[tilespmem:$0x1E000] =	vst v63  }
0x7f: {  	_ =	swait.ge [sflag:s11], $0x4000  }
0x80: {  	s22 =	sshll.u32 s1, $0x6;
	s21 =	sadd.s32 $0x1, s21;
	[sflag:s11] =	ssyncset.done $0x0  }
0x81: {  	s31 =	sshrl.u32 s7, $0x3;
	p0 =	sne.s32 s21, s10;
	[sflag:s11] =	ssyncadd.s32 $0xFFFFC000  }
.Ltmp3:
0x82: {  	s22 =	sor.u32 $0x1C03, s22;
	[bflag:$0x0] =	sbarrier.arrive $0xFFFF;
	(pc) =	sbr.rel @p0 .LBB2_1-.Ltmp3, $4  }
0x83: {  	[hbm:s20], [sflag:s22] =	dma.local [spmem:s31], $0x1800  }
0x84: {  	_ =	swait.ge [sflag:s11], $0x1800  }
0x85: {  	[sflag:s11] =	ssyncset.done $0x0  }
0x86: {  	[sflag:s11] =	ssyncadd.s32 $0xFFFFE800  }
0x87: {  	_ =	sfence.sel $0x180000  }
0x88: {  	[bflag:$0x0] =	sbarrier.arrive $0xFFFF  }
0x89: {  	p0 =	sne.s32 s1, $0x0;
	_ =	strace $0x9000004A  }
0x8a: {  	s0 =	sadd.s32 @!p0 $0x100000, s0;
	[bflag:$0x2] =	sbarrier.arrive $0xFFFF  }
0x8b: {  	[sflag:s0] =	ssyncadd.tile.s32 @!p0 $0x1;
	_ =	shalt  }
.Lfunc_end2:
_tile_overlayer_lowered:
.L_overlay_start_2:
0x8c: {  	(tag) =	ssettag $0x2  }
0x8d: {  	s0 =	rddreg [dreg:$0x0];
	s2 =	stileid.u32  }
0x8e: {  	s1 =	rddreg [dreg:$0x1];
	p0 =	sne.s32 s2, $0x0  }
0x8f: {  	s3 =	rddreg [dreg:$0x2];
	[bflag:$0x3] =	sbarrier.arrive $0xFFFF;
	s2 =	simm.s32 @!p0 $0x1C03  }
0x90: {  	[timem:s3], [sflag:s2] =	dma.local @!p0 [hbm:s0], s1  }
0x91: {  	s0 =	simm.s32 @!p0 $0x3  }
0x92: {  	_ =	swait.ge @!p0 [sflag:s0], s1  }
0x93: {  	s1 =	ssub.s32 @!p0 $0x0, s1;
	[sflag:s0] =	ssyncset.done @!p0 $0x0  }
0x94: {  	[sflag:s0] =	ssyncadd.s32 @!p0 s1  }
0x95: {  	[bflag:$0x3] =	sbarrier.arrive $0xFFFF  }
0x96: {  	_ =	shalt  }

// kernel: kernel.14.cloned.1.call-start
scs
__scs_entry_jumppad:
0x0: {  	(pc) =	sbr.rel $0x88, $3  }
0x1: {  	(tag) =	ssettag $0x0;
	lr =	simm.s32 $0x1  }
0x2: {  	[smem:$0x3F9B] =	sst lr;
	_ =	strace $0xD0000000  }
0x3: {  	_ = 	snop  }
0x4: {  	_ = 	snop  }
0x5: {  	_ = 	snop  }
0x6: {  	_ = 	snop  }
0x7: {  	_ = 	snop  }
__scs_overlays_trampoline_lowered:
0x8: {  	[smem:$0x3FAA] =	sst s0  }
0x9: {  	[smem:$0x3FAB] =	sst s1  }
0xa: {  	[smem:$0x3FAC] =	sst s2  }
0xb: {  	[smem:$0x3FAD] =	sst s3  }
0xc: {  	[smem:$0x3FAE] =	sst s4  }
0xd: {  	[smem:$0x3FAF] =	sst s5  }
0xe: {  	[smem:$0x3FB0] =	sst s6  }
0xf: {  	[smem:$0x3FB1] =	sst s7  }
0x10: {  	[smem:$0x3FB2] =	sst s8  }
0x11: {  	[smem:$0x3FB3] =	sst s9;
	s0 =	simm.s32 @!p0 $0x0  }
0x12: {  	s1 =	sld [smem:$0x3F99];
	s0 =	simm.s32 @p0 $0x1  }
0x13: {  	[smem:$0x3FB4] =	sst s0;
	s0 =	simm.s32 @!p1 $0x0  }
0x14: {  	s2 =	sld [smem:$0x3F98];
	s0 =	simm.s32 @p1 $0x1  }
0x15: {  	[smem:$0x3FB5] =	sst s0;
	s0 =	simm.s32 @!p2 $0x0  }
0x16: {  	s3 =	sld [smem:$0x3FDB];
	s0 =	simm.s32 @p2 $0x1  }
0x17: {  	s4 =	simm.s32 $0x1BF5;
	[smem:$0x3FB7] =	sst s0  }
0x18: {  	s0 =	sld [smem:$0x3F9A];
	_ =	swait.ge [sflag:s4], $0x0  }
0x19: {  	s7 =	sld [smem:$0x3F9B]  }
0x1a: {  	s8 =	sadd.s32 $0xFFFFE003, lr  }
0x1b: {  	s9 =	sadd.s32 $0xFFFFFEF7, lr;
	s5 =	simm.s32 $0xFFFFFFFF;
	p2 =	slt.u32 s8, $0xFFFFF086  }
0x1c: {  	p1 =	slt.u32 s9, $0xF7A;
	s5 =	simm.s32 @!p2 $0x0  }
0x1d: {  	s5 =	simm.s32 @p1 $0x1;
	p0 =	seq.s32 s7, s2  }
0x1e: {  	s7 =	smul.u32 @!p0 $0xF7A, s2;
	p2 =	seq.s32 @!p0 s5, $0x0  }
0x1f: {  	s9 =	smul.u32 $0xF7A, s1;
	s8 =	simm.s32 @!p0 $0x1BF5;
	p2 =	por !p2, p0  }
0x20: {  	[sflag:s8] =	ssyncset.s32 @!p0 $0xFFFFF086;
	s6 =	sadd.s32 @!p0 s3, s7;
	s7 =	simm.s32 @!p0 $0x108  }
0x21: {  	s3 =	sadd.s32 s3, s9;
	s6 =	sadd.s32 @!p0 $0x88, s6;
	s7 =	simm.s32 @p2 $0x1082  }
0x22: {  	[simem:s7], [sflag:s8] =	dma.local @!p0 [hbm:s6], $0xF7A  }
0x23: {  	s9 =	sor.u32 $0xD0000000, s2;
	s6 =	simm.s32 $0x108;
	_ =	swait.ge @!p0 [sflag:s8], $0x0  }
0x24: {  	s3 =	sadd.s32 $0x88, s3;
	s6 =	simm.s32 @!p1 $0x1082;
	[sflag:s4] =	ssyncset.s32 $0xFFFFF086  }
0x25: {  	[simem:s6], [sflag:s4] =	dma.local [hbm:s3], $0xF7A  }
0x26: {  	[smem:$0x3F9B] =	sst s1;
	(tag) =	ssettag s2;
	_ =	strace s9  }
0x27: {  	s1 =	sld [smem:$0x3FAB]  }
0x28: {  	s2 =	sld [smem:$0x3FAC]  }
0x29: {  	s4 =	sld [smem:$0x3FAE]  }
0x2a: {  	p0 =	seq.s32 s5, $0x0;
	s5 =	sld [smem:$0x3FAF]  }
0x2b: {  	s6 =	sld [smem:$0x3FB0]  }
0x2c: {  	s7 =	sld [smem:$0x3FB1]  }
0x2d: {  	s3 =	simm.s32 $0x108;
	s8 =	sld [smem:$0x3FB2]  }
0x2e: {  	s3 =	simm.s32 @!p0 $0x1082;
	s9 =	sld [smem:$0x3FB3]  }
0x2f: {  	lr =	sadd.s32 s0, s3;
	s0 =	sld [smem:$0x3FAA]  }
0x30: {  	s3 =	sld [smem:$0x3FAD]  }
0x31: {  	[smem:$0x3FB6] =	sst s10  }
0x32: {  	s10 =	sld [smem:$0x3FB4];
	_ =	sdelay $0x3  }
0x33: {  	p0 =	seq.s32 s10, $0x1;
	s10 =	sld [smem:$0x3FB6];
	_ =	sdelay $0x3  }
0x34: {  	[smem:$0x3FB6] =	sst s10  }
0x35: {  	s10 =	sld [smem:$0x3FB5];
	_ =	sdelay $0x3  }
0x36: {  	p1 =	seq.s32 s10, $0x1;
	s10 =	sld [smem:$0x3FB6];
	_ =	sdelay $0x3  }
0x37: {  	[smem:$0x3FB6] =	sst s10  }
0x38: {  	s10 =	sld [smem:$0x3FB7]  }
0x39: {  	_ = 	snop;
	(pc) =	sbr.ind lr, $3  }
0x3a: {  	_ = 	snop  }
0x3b: {  	_ = 	snop  }
0x3c: {  	p2 =	seq.s32 s10, $0x1;
	s10 =	sld [smem:$0x3FB6]  }
0x3d: {  	_ =	shalt  }
0x3e: {  	_ =	shalt  }
0x3f: {  	_ =	shalt  }
0x40: {  	_ =	shalt  }
0x41: {  	_ =	shalt  }
0x42: {  	_ =	shalt  }
0x43: {  	_ =	shalt  }
0x44: {  	_ =	shalt  }
0x45: {  	_ =	shalt  }
0x46: {  	_ =	shalt  }
0x47: {  	_ =	shalt  }
0x48: {  	_ =	shalt  }
0x49: {  	_ =	shalt  }
0x4a: {  	_ =	shalt  }
0x4b: {  	_ =	shalt  }
0x4c: {  	_ =	shalt  }
0x4d: {  	_ =	shalt  }
0x4e: {  	_ =	shalt  }
0x4f: {  	_ =	shalt  }
0x50: {  	_ =	shalt  }
0x51: {  	_ =	shalt  }
0x52: {  	_ =	shalt  }
0x53: {  	_ =	shalt  }
0x54: {  	_ =	shalt  }
0x55: {  	_ =	shalt  }
0x56: {  	_ =	shalt  }
0x57: {  	_ =	shalt  }
0x58: {  	_ =	shalt  }
0x59: {  	_ =	shalt  }
0x5a: {  	_ =	shalt  }
0x5b: {  	_ =	shalt  }
0x5c: {  	_ =	shalt  }
0x5d: {  	_ =	shalt  }
0x5e: {  	_ =	shalt  }
0x5f: {  	_ =	shalt  }
0x60: {  	_ =	shalt  }
0x61: {  	_ =	shalt  }
0x62: {  	_ =	shalt  }
0x63: {  	_ =	shalt  }
0x64: {  	_ =	shalt  }
0x65: {  	_ =	shalt  }
0x66: {  	_ =	shalt  }
0x67: {  	_ =	shalt  }
0x68: {  	_ =	shalt  }
0x69: {  	_ =	shalt  }
0x6a: {  	_ =	shalt  }
0x6b: {  	_ =	shalt  }
0x6c: {  	_ =	shalt  }
0x6d: {  	_ =	shalt  }
0x6e: {  	_ =	shalt  }
0x6f: {  	_ =	shalt  }
0x70: {  	_ =	shalt  }
0x71: {  	_ =	shalt  }
0x72: {  	_ =	shalt  }
0x73: {  	_ =	shalt  }
0x74: {  	_ =	shalt  }
0x75: {  	_ =	shalt  }
0x76: {  	_ =	shalt  }
0x77: {  	_ =	shalt  }
0x78: {  	_ =	shalt  }
0x79: {  	_ =	shalt  }
0x7a: {  	_ =	shalt  }
0x7b: {  	_ =	shalt  }
0x7c: {  	_ =	shalt  }
0x7d: {  	_ =	shalt  }
0x7e: {  	_ =	shalt  }
0x7f: {  	_ =	shalt  }
0x80: {  	_ =	shalt  }
0x81: {  	_ =	shalt  }
0x82: {  	_ =	shalt  }
0x83: {  	_ =	shalt  }
0x84: {  	_ =	shalt  }
0x85: {  	_ =	shalt  }
0x86: {  	_ =	shalt  }
0x87: {  	_ =	shalt  }
.Lfunc_end0:
.L_simem_size_0:
called_computation.2_lowered:
.L_overlay_start_0:
0x88: {  	s2 =	sld [smem:$0x3FD9]  }
0x89: {  	s3 =	sld [smem:$0x3FFE];
	_ =	sdelay $0x1  }
0x8a: {  	s1 =	srdreg.scid  }
0x8b: {  	s0 =	sand.u32 $0x1, s1  }
0x8c: {  	s17 =	sshll.u32 s0, $0xA;
	s2 =	sadd.s32 s3, s2  }
0x8d: {  	s2 =	sadd.s32 s2, s17  }
0x8e: {  	[smem:$0x3FC2] =	sst s2  }
0x8f: {  	_ = 	snop  }
0x90: {  	s2 =	sld [smem:$0x3FD0];
	(tm) =	ssettm $0x1  }
0x91: {  	s18 =	sld [smem:$0x3FFB];
	_ =	sdelay $0x3  }
0x92: {  	_ =	strace s18  }
0x93: {  	s3 =	sld [smem:$0x3FFC];
	_ =	sdelay $0x3  }
0x94: {  	_ =	strace s3  }
0x95: {  	s3 =	sld [smem:$0x3FFD];
	_ =	sdelay $0x3  }
0x96: {  	_ =	strace s3  }
0x97: {  	_ =	strace $0x8FFFFFFF  }
0x98: {  	s19 =	sld [smem:$0x3FDB];
	_ =	sdelay $0x1  }
0x99: {  	s4 =	simm.s32 $_scs_section_size  }
0x9a: {  	s5 =	simm.s32 $_size__tile_overlayer_lowered;
	s6 =	simm.s32 $_tile_overlayer_lowered  }
0x9b: {  	s22 =	simm.s32 $0x1BFF;
	s21 =	sshll.u32 s6, $0x1;
	s3 =	sadd.s32 s4, s19  }
0x9c: {  	s7 =	simm.s32 $0x0;
	s20 =	sshll.u32 s5, $0x1;
	s5 =	sadd.s32 s21, s3  }
0x9d: {  	[timem:s7], [sflag:s22] =	dma.local [hbm:s5], s20  }
0x9e: {  	_ =	swait.ge [sflag:s22], s20  }
0x9f: {  	s4 =	ssub.s32 $0x0, s20;
	[sflag:s22] =	ssyncset.done $0x0  }
0xa0: {  	[sflag:s22] =	ssyncadd.s32 s4;
	_ =	sdelay $0x1  }
0xa1: {  	s23 =	simm.s32 $0x1B8B  }
0xa2: {  	_ =	swait.ge [sflag:s23], $0x1  }
0xa3: {  	[sflag:s23] =	ssyncset.done $0x0  }
0xa4: {  	s25 =	simm.s32 $0x1B8E;
	s24 =	sld [smem:$0x3FFE];
	[sflag:s23] =	ssyncadd.s32 $0xFFFFFFFF  }
0xa5: {  	s26 =	simm.s32 $execute0_lowered;
	[smem:$0x3FD2] =	sst s25  }
0xa6: {  	s5 =	sshll.u32 s26, $0x1;
	_ =	strace $0x8000004C;
	[dreg:$0x1] =	wrdreg $0xFFFFFFFF  }
0xa7: {  	s28 =	simm.s32 $_size_execute0_lowered;
	s3 =	sadd.s32 s3, s5;
	[dreg:$0x0] =	wrdreg $0x0  }
0xa8: {  	s5 =	sshll.u32 s28, $0x1;
	[dreg:$0x2] =	wrdreg s3  }
0xa9: {  	[dreg:$0x3] =	wrdreg s5  }
0xaa: {  	[dreg:$0x4] =	wrdreg $0xC0  }
0xab: {  	_ =	task [dreg:s7], $0x5FFFF  }
0xac: {  	[dreg:$0x1] =	wrdreg $0xFFFFFFFF  }
0xad: {  	[dreg:$0x0] =	wrdreg $0x60  }
0xae: {  	[dreg:$0x2] =	wrdreg s24  }
0xaf: {  	[dreg:$0x3] =	wrdreg s2  }
0xb0: {  	[dreg:$0x4] =	wrdreg $0x120000  }
0xb1: {  	[dreg:$0x5] =	wrdreg $0x9  }
0xb2: {  	_ =	task.clear_ibuf [dreg:s7], $0x6FFFF;
	_ =	strace $0x9000004C  }
0xb3: {  	s29 =	simm.s32 $0x9;
	_ =	strace $0x8000004E  }
0xb4: {  	_ =	swait.ge [sflag:s29], $0x1  }
0xb5: {  	[sflag:s29] =	ssyncadd.s32 $0xFFFFFFFF  }
0xb6: {  	_ =	strace $0x9000004E  }
0xb7: {  	_ =	sfence  }
0xb8: {  	s30 =	sld [smem:$0x0];
	_ =	sdelay $0x2  }
0xb9: {  	s31 =	sshll.u32 s1, $0xD;
	s1 =	sshrl.u32 s1, $0x2  }
0xba: {  	s3 =	sand.u32 $0x4000, s31;
	s1 =	sadd.s32 s1, s30  }
0xbb: {  	s0 =	sor.u32 s3, s0;
	s1 =	sshll.u32 s1, $0x11  }
0xbc: {  	s0 =	sor.u32 s1, s0  }
0xbd: {  	s0 =	sadd.s32 $0x8F2B, s0  }
0xbe: {  	[sflag:s0] =	ssyncadd.remote.s32 $0x1  }
0xbf: {  	_ =	sfence.sel $0xFFFF  }
0xc0: {  	[dreg:$0x0] =	wrdreg $0xFFFFFFFF;
	(pc) =	sbr.abs _section_cstart, $3  }
0xc1: {  	[dreg:$0x1] =	wrdreg $0xFFFFFFFF  }
0xc2: {  	_ =	task.clear_ibuf [dreg:s7], $0x2FFFF;
	_ =	strace $0x9FFFFFFF  }
0xc3: {  	(tm) =	ssettm $0x7FFFFFFF  }
tec
execute0_lowered:
.L_overlay_start_1:
0x0: {  	(tag) =	ssettag $0x1  }
0x1: {  	s5 =	rddreg [dreg:$0x0]  }
0x2: {  	s6 =	rddreg [dreg:$0x1]  }
0x3: {  	s2 =	rddreg [dreg:$0x2];
	s1 =	stileid.u32  }
0x4: {  	s0 =	rddreg [dreg:$0x3];
	s7 =	smul.u32 $0xA00, s1  }
0x5: {  	s3 =	simm.s32 $0x0;
	s4 =	srdreg.scid;
	s28 =	smul.u32 $0x30000, s1  }
0x6: {  	s14 =	simm.s32 $0x80;
	s8 =	sand.u32 $0x1, s4;
	s22 =	smul.u32 $0x1800, s1  }
0x7: {  	s15 =	simm.s32 $0xE000;
	s17 =	simm.s32 $0x2;
	s9 =	smul.u32 $0x18000, s8  }
0x8: {  	s18 =	simm.s32 $0x9F00;
	[smem:$0x7FF] =	sst s3;
	s29 =	smul.u32 $0xFFFFF95C, s8  }
0x9: {  	s4 =	sadd.s32 $0x1E00, s5;
	_ =	strace $0x8000004D;
	s13 =	smul.u32 $0x90, s8  }
0xa: {  	s11 =	ssub.s32 $0x2, s8;
	s16 =	smul.u32 $0x1770, s8;
	s10 =	sadd.s32 s7, s5  }
0xb: {  	s26 =	sshrl.u32 s11, $0x1;
	s6 =	sadd.s32 s6, s7;
	s30 =	sshrl.u32 s28, $0x2  }
0xc: {  	s12 =	sadd.s32 s9, s5;
	s11 =	ssub.s32 s11, s26;
	s5 =	sadd.s32 $0x32E00, s10  }
0xd: {  	s31 =	sadd.s32 s1, s29;
	s7 =	sadd.s32 s30, s2;
	s20 =	sadd.s32 $0x1770, s13  }
0xe: {  	s13 =	simm.s32 $0xA000;
	v0 =	vmov s16;
	s16 =	simm.s32 $0x1;
	s19 =	sadd.s32 $0x1770, s31  }
0xf: {  	s8 =	sadd.s32 $0x4000, s7;
	s9 =	sadd.s32 $0x8000, s7;
	s21 =	sadd.s32 $0x3CE00, s12  }
0x10: {  	s10 =	smax.u32 s11, $0x1;
	s11 =	simm.s32 $0x3;
	s12 =	simm.s32 $0x5000  }
0x11: {  	v3 =	vimm.f32 $0.0e+00;
	v1 =	vmov s20;
	v2 =	vmov s19;
	s19 =	simm.s32 $0x9F80;
	s20 =	sadd.s32 s22, s21;
	s21 =	simm.s32 $0x0  }
.LBB2_1:
0x12: {  	[tilespmem:s3], [sflag:$0x3] =	stream.linear.gather [hbm4b:s5+s3], $0x5000, $0x38;
	[tilespmem:$0x1E000] =	vst v63  }
0x13: {  	_ =	swait.ge [sflag:s11], $0x5000  }
0x14: {  	[sflag:s11] =	ssyncset.done $0x0  }
0x15: {  	[sflag:s11] =	ssyncadd.s32 $0xFFFFB000  }
0x16: {  	[tilespmem:s12], [sflag:$0x3] =	stream.linear.gather [hbm4b:s6+s3], $0x5000, $0x38;
	[tilespmem:$0x1E000] =	vst v63  }
0x17: {  	_ =	swait.ge [sflag:s11], $0x5000  }
0x18: {  	[sflag:s11] =	ssyncset.done $0x0  }
0x19: {  	s22 =	simm.s32 $0x0;
	[sflag:s11] =	ssyncadd.s32 $0xFFFFB000  }
0x1a: {  	v4 =	vld [tilespmem:s22+$0x5000]  }
0x1b: {  	v9 =	vld [tilespmem:s22+$0x5010]  }
0x1c: {  	v8 =	vld [tilespmem:s22+$0x5020]  }
0x1d: {  	v7 =	vld [tilespmem:s22+$0x5030]  }
0x1e: {  	v6 =	vld [tilespmem:s22+$0x5040]  }
0x1f: {  	v5 =	vld [tilespmem:s22+$0x5050];
	v10 =	vsub.s32 v4, v0  }
0x20: {  	s23 =	simm.s32 $0x200;
	v9 =	vsub.s32 v9, v0;
	v4 =	vld [tilespmem:s22+$0x5060];
	vm0 =	vlt.u32 v10, v1  }
.LBB2_2:
0x21: {  	p0 =	sne.s32 s23, $0x13E00;
	v10 =	vsel vm0, v10, v2;
	vm0 =	vlt.u32 v9, v1;
	v8 =	vsub.s32 v8, v0;
	v11 =	vld [tilespmem:s22+$0x5070]  }
0x22: {  	s24 =	sshra.s32 s23, $0x2;
	[tilespmem:s22+$0x5000] =	vst v10;
	v9 =	vsel vm0, v9, v2;
	vm0 =	vlt.u32 v8, v1;
	v7 =	vsub.s32 v7, v0  }
0x23: {  	v10 =	vld [tilespmem:s24+$0x5000];
	[tilespmem:s22+$0x5010] =	vst v9;
	v8 =	vsel vm0, v8, v2;
	vm0 =	vlt.u32 v7, v1;
	v6 =	vsub.s32 v6, v0  }
0x24: {  	v9 =	vld [tilespmem:s24+$0x5010];
	[tilespmem:s22+$0x5020] =	vst v8;
	v7 =	vsel vm0, v7, v2;
	vm0 =	vlt.u32 v6, v1;
	v5 =	vsub.s32 v5, v0  }
.Ltmp0:
0x25: {  	v8 =	vld [tilespmem:s24+$0x5020];
	[tilespmem:s22+$0x5030] =	vst v7;
	v6 =	vsel vm0, v6, v2;
	vm0 =	vlt.u32 v5, v1;
	v4 =	vsub.s32 v4, v0;
	(pc) =	sbr.rel @p0 .LBB2_2-.Ltmp0, $4  }
0x26: {  	v7 =	vld [tilespmem:s24+$0x5030];
	[tilespmem:s22+$0x5040] =	vst v6;
	v5 =	vsel vm0, v5, v2;
	vm0 =	vlt.u32 v4, v1;
	v11 =	vsub.s32 v11, v0  }
0x27: {  	v6 =	vld [tilespmem:s24+$0x5040];
	[tilespmem:s22+$0x5050] =	vst v5;
	v4 =	vsel vm0, v4, v2;
	vm0 =	vlt.u32 v11, v1  }
0x28: {  	v10 =	vsub.s32 v10, v0;
	v5 =	vld [tilespmem:s24+$0x5050];
	[tilespmem:s22+$0x5060] =	vst v4;
	v11 =	vsel vm0, v11, v2  }
0x29: {  	s23 =	sadd.s32 $0x200, s23;
	vm0 =	vlt.u32 v10, v1;
	v9 =	vsub.s32 v9, v0;
	v4 =	vld [tilespmem:s24+$0x5060];
	[tilespmem:s22+$0x5070] =	vst v11;
	s22 =	smov.u32 s24  }
0x2a: {  	v10 =	vsel vm0, v10, v2;
	vm9 =	vlt.u32 v9, v1;
	v8 =	vsub.s32 v8, v0;
	v11 =	vld [tilespmem:s22+$0x5070]  }
0x2b: {  	[tilespmem:s22+$0x5000] =	vst v10;
	v9 =	vsel vm9, v9, v2;
	vm10 =	vlt.u32 v8, v1;
	v7 =	vsub.s32 v7, v0  }
0x2c: {  	[tilespmem:s22+$0x5010] =	vst v9;
	v8 =	vsel vm10, v8, v2;
	vm11 =	vlt.u32 v7, v1;
	v6 =	vsub.s32 v6, v0  }
0x2d: {  	[tilespmem:s22+$0x5020] =	vst v8;
	v7 =	vsel vm11, v7, v2;
	vm12 =	vlt.u32 v6, v1;
	v5 =	vsub.s32 v5, v0  }
0x2e: {  	[tilespmem:s22+$0x5030] =	vst v7;
	v6 =	vsel vm12, v6, v2;
	vm13 =	vlt.u32 v5, v1;
	v4 =	vsub.s32 v4, v0  }
0x2f: {  	[tilespmem:s22+$0x5040] =	vst v6;
	v5 =	vsel vm13, v5, v2;
	vm14 =	vlt.u32 v4, v1;
	v63 =	vsub.s32 v11, v0  }
0x30: {  	[tilespmem:s22+$0x5050] =	vst v5;
	v4 =	vsel vm14, v4, v2;
	vm15 =	vlt.u32 v63, v1  }
0x31: {  	[tilespmem:s22+$0x5060] =	vst v4;
	v4 =	vsel vm15, v63, v2  }
0x32: {  	s23 =	simm.s32 $0x200;
	[tilespmem:s22+$0x5070] =	vst v4;
	s22 =	simm.s32 $0x0  }
.LBB2_4:
0x33: {  	p0 =	sne.s32 s23, $0xFE00;
	[tilespmem:s22+$0xA070] =	vst v3  }
0x34: {  	[tilespmem:s22+$0xA000] =	vst v3  }
0x35: {  	[tilespmem:s22+$0xA010] =	vst v3  }
.Ltmp1:
0x36: {  	[tilespmem:s22+$0xA020] =	vst v3;
	(pc) =	sbr.rel @p0 .LBB2_4-.Ltmp1, $4  }
0x37: {  	[tilespmem:s22+$0xA030] =	vst v3  }
0x38: {  	[tilespmem:s22+$0xA040] =	vst v3  }
0x39: {  	[tilespmem:s22+$0xA050] =	vst v3  }
0x3a: {  	[tilespmem:s22+$0xA060] =	vst v3;
	s22 =	sshra.s32 s23, $0x2;
	s23 =	sadd.s32 $0x200, s23  }
0x3b: {  	[tilespmem:s22+$0xA070] =	vst v3  }
0x3c: {  	[tilespmem:s22+$0xA000] =	vst v3  }
0x3d: {  	[tilespmem:s22+$0xA010] =	vst v3  }
0x3e: {  	[tilespmem:s22+$0xA020] =	vst v3  }
0x3f: {  	[tilespmem:s22+$0xA030] =	vst v3  }
0x40: {  	[tilespmem:s22+$0xA040] =	vst v3  }
0x41: {  	[tilespmem:s22+$0xA050] =	vst v3  }
0x42: {  	[tilespmem:s22+$0xA060] =	vst v3  }
0x43: {  	[spmem:s7] =	stream.linear.scatter [tilespmem:s13], [sflag:$0x3], $0x4000, $0x38;
	[tilespmem:$0x1E000] =	vst v63  }
0x44: {  	_ =	swait.ge [sflag:s11], $0x4000  }
0x45: {  	[sflag:s11] =	ssyncset.done $0x0  }
0x46: {  	[sflag:s11] =	ssyncadd.s32 $0xFFFFC000  }
0x47: {  	[spmem:s8] =	stream.linear.scatter [tilespmem:s13], [sflag:$0x3], $0x4000, $0x38;
	[tilespmem:$0x1E000] =	vst v63  }
0x48: {  	_ =	swait.ge [sflag:s11], $0x4000  }
0x49: {  	[sflag:s11] =	ssyncset.done $0x0  }
0x4a: {  	[sflag:s11] =	ssyncadd.s32 $0xFFFFC000  }
0x4b: {  	[spmem:s9] =	stream.linear.scatter [tilespmem:s13], [sflag:$0x3], $0x4000, $0x38;
	[tilespmem:$0x1E000] =	vst v63  }
0x4c: {  	_ =	swait.ge [sflag:s11], $0x4000  }
0x4d: {  	[sflag:s11] =	ssyncset.done $0x0  }
0x4e: {  	[sflag:s11] =	ssyncadd.s32 $0xFFFFC000  }
0x4f: {  	s28 =	simm.s32 $0x0;
	[bflag:$0x0] =	sbarrier.arrive $0xFFFF  }
0x50: {  	[tilespmem:s13], [sflag:$0x1] =	stream.indirect.gather [hbm4b:s4+s14], $0x80, s28, s14, $0xb8;
	[tilespmem:$0x1E000] =	vst v63  }
0x51: {  	_ = 	snop  }
0x52: {  	[tilespmem:s15], [sflag:$0x2] =	stream.indirect.gather [hbm4b:s4+s14], $0x80, s14, s14, $0xb8;
	[tilespmem:$0x1E000] =	vst v63  }
0x53: {  	_ =	swait.ge [sflag:s16], $0x4000  }
0x54: {  	[sflag:s16] =	ssyncset.done $0x0  }
0x55: {  	s29 =	simm.s32 $0x5000;
	[sflag:s16] =	ssyncadd.s32 $0xFFFFC000  }
0x56: {  	[spmem:s2] =	stream.indirect.scatter.add.f32 [tilespmem:s13], [sflag:$0x3], $0x80, s29, s14, $0xb8;
	[tilespmem:$0x1E000] =	vst v63  }
0x57: {  	_ =	swait.ge [sflag:s11], $0x4000  }
0x58: {  	[sflag:s11] =	ssyncset.done $0x0  }
0x59: {  	s30 =	simm.s32 $0x100;
	[sflag:s11] =	ssyncadd.s32 $0xFFFFC000  }
0x5a: {  	[tilespmem:s13], [sflag:$0x1] =	stream.indirect.gather [hbm4b:s4+s14], $0x80, s30, s14, $0xb8;
	[tilespmem:$0x1E000] =	vst v63  }
0x5b: {  	_ =	swait.ge [sflag:s17], $0x4000  }
0x5c: {  	[sflag:s17] =	ssyncset.done $0x0  }
0x5d: {  	s31 =	simm.s32 $0x5080;
	[sflag:s17] =	ssyncadd.s32 $0xFFFFC000  }
0x5e: {  	[spmem:s2] =	stream.indirect.scatter.add.f32 [tilespmem:s15], [sflag:$0x3], $0x80, s31, s14, $0xb8;
	[tilespmem:$0x1E000] =	vst v63  }
0x5f: {  	_ =	swait.ge [sflag:s11], $0x4000  }
0x60: {  	[sflag:s11] =	ssyncset.done $0x0  }
0x61: {  	s22 =	simm.s32 $0x400;
	s23 =	simm.s32 $0x180;
	[sflag:s11] =	ssyncadd.s32 $0xFFFFC000  }
.LBB2_6:
0x62: {  	[tilespmem:s15], [sflag:$0x2] =	stream.indirect.gather [hbm4b:s4+s14], $0x80, s23, s14, $0xb8;
	[tilespmem:$0x1E000] =	vst v63  }
0x63: {  	s23 =	smov.u32 s22  }
0x64: {  	p0 =	sne.s32 s22, $0x13800;
	s22 =	sadd.s32 $0x400, s22;
	_ =	swait.ge [sflag:s16], $0x4000  }
0x65: {  	s23 =	sshra.s32 s23, $0x2;
	[sflag:s16] =	ssyncset.done $0x0  }
0x66: {  	s24 =	sadd.s32 $0x5000, s23;
	[sflag:s16] =	ssyncadd.s32 $0xFFFFC000  }
0x67: {  	[spmem:s2] =	stream.indirect.scatter.add.f32 [tilespmem:s13], [sflag:$0x3], $0x80, s24, s14, $0xb8;
	[tilespmem:$0x1E000] =	vst v63  }
0x68: {  	_ =	swait.ge [sflag:s11], $0x4000  }
0x69: {  	[sflag:s11] =	ssyncset.done $0x0  }
0x6a: {  	s24 =	sadd.s32 $0x100, s23;
	[sflag:s11] =	ssyncadd.s32 $0xFFFFC000  }
0x6b: {  	[tilespmem:s13], [sflag:$0x1] =	stream.indirect.gather [hbm4b:s4+s14], $0x80, s24, s14, $0xb8;
	[tilespmem:$0x1E000] =	vst v63  }
0x6c: {  	_ =	swait.ge [sflag:s17], $0x4000  }
0x6d: {  	[sflag:s17] =	ssyncset.done $0x0  }
.Ltmp2:
0x6e: {  	s24 =	sadd.s32 $0x5080, s23;
	[sflag:s17] =	ssyncadd.s32 $0xFFFFC000;
	(pc) =	sbr.rel @p0 .LBB2_6-.Ltmp2, $4  }
0x6f: {  	[spmem:s2] =	stream.indirect.scatter.add.f32 [tilespmem:s15], [sflag:$0x3], $0x80, s24, s14, $0xb8;
	[tilespmem:$0x1E000] =	vst v63  }
0x70: {  	_ =	swait.ge [sflag:s11], $0x4000  }
0x71: {  	[sflag:s11] =	ssyncset.done $0x0  }
0x72: {  	s23 =	sadd.s32 $0x180, s23;
	[sflag:s11] =	ssyncadd.s32 $0xFFFFC000  }
0x73: {  	[tilespmem:s15], [sflag:$0x2] =	stream.indirect.gather [hbm4b:s4+s14], $0x80, s23, s14, $0xb8;
	[tilespmem:$0x1E000] =	vst v63  }
0x74: {  	_ =	swait.ge [sflag:s16], $0x4000  }
0x75: {  	[sflag:s16] =	ssyncset.done $0x0  }
0x76: {  	[sflag:s16] =	ssyncadd.s32 $0xFFFFC000  }
0x77: {  	[spmem:s2] =	stream.indirect.scatter.add.f32 [tilespmem:s13], [sflag:$0x3], $0x80, s18, s14, $0xb8;
	[tilespmem:$0x1E000] =	vst v63  }
0x78: {  	_ =	swait.ge [sflag:s11], $0x4000  }
0x79: {  	[sflag:s11] =	ssyncset.done $0x0  }
0x7a: {  	[sflag:s11] =	ssyncadd.s32 $0xFFFFC000  }
0x7b: {  	_ =	swait.ge [sflag:s17], $0x4000  }
0x7c: {  	[sflag:s17] =	ssyncset.done $0x0  }
0x7d: {  	[sflag:s17] =	ssyncadd.s32 $0xFFFFC000  }
0x7e: {  	[spmem:s2] =	stream.indirect.scatter.add.f32 [tilespmem:s15], [sflag:$0x3], $0x80, s19, s14, $0xb8;
	[tilespmem:$0x1E000] =	vst v63  }
0x7f: {  	_ =	swait.ge [sflag:s11], $0x4000  }
0x80: {  	s22 =	sshll.u32 s1, $0x6;
	s21 =	sadd.s32 $0x1, s21;
	[sflag:s11] =	ssyncset.done $0x0  }
0x81: {  	s31 =	sshrl.u32 s7, $0x3;
	p0 =	sne.s32 s21, s10;
	[sflag:s11] =	ssyncadd.s32 $0xFFFFC000  }
.Ltmp3:
0x82: {  	s22 =	sor.u32 $0x1C03, s22;
	[bflag:$0x0] =	sbarrier.arrive $0xFFFF;
	(pc) =	sbr.rel @p0 .LBB2_1-.Ltmp3, $4  }
0x83: {  	[hbm:s20], [sflag:s22] =	dma.local [spmem:s31], $0x1800  }
0x84: {  	_ =	swait.ge [sflag:s11], $0x1800  }
0x85: {  	[sflag:s11] =	ssyncset.done $0x0  }
0x86: {  	[sflag:s11] =	ssyncadd.s32 $0xFFFFE800  }
0x87: {  	_ =	sfence.sel $0x180000  }
0x88: {  	[bflag:$0x0] =	sbarrier.arrive $0xFFFF  }
0x89: {  	p0 =	sne.s32 s1, $0x0;
	_ =	strace $0x9000004D  }
0x8a: {  	s0 =	sadd.s32 @!p0 $0x100000, s0;
	[bflag:$0x2] =	sbarrier.arrive $0xFFFF  }
0x8b: {  	[sflag:s0] =	ssyncadd.tile.s32 @!p0 $0x1;
	_ =	shalt  }
.Lfunc_end2:
_tile_overlayer_lowered:
.L_overlay_start_2:
0x8c: {  	(tag) =	ssettag $0x2  }
0x8d: {  	s0 =	rddreg [dreg:$0x0];
	s2 =	stileid.u32  }
0x8e: {  	s1 =	rddreg [dreg:$0x1];
	p0 =	sne.s32 s2, $0x0  }
0x8f: {  	s3 =	rddreg [dreg:$0x2];
	[bflag:$0x3] =	sbarrier.arrive $0xFFFF;
	s2 =	simm.s32 @!p0 $0x1C03  }
0x90: {  	[timem:s3], [sflag:s2] =	dma.local @!p0 [hbm:s0], s1  }
0x91: {  	s0 =	simm.s32 @!p0 $0x3  }
0x92: {  	_ =	swait.ge @!p0 [sflag:s0], s1  }
0x93: {  	s1 =	ssub.s32 @!p0 $0x0, s1;
	[sflag:s0] =	ssyncset.done @!p0 $0x0  }
0x94: {  	[sflag:s0] =	ssyncadd.s32 @!p0 s1  }
0x95: {  	[bflag:$0x3] =	sbarrier.arrive $0xFFFF  }
0x96: {  	_ =	shalt  }

// kernel: kernel.8.cloned.1.call-start
scs
__scs_entry_jumppad:
0x0: {  	(pc) =	sbr.rel $0x88, $3  }
0x1: {  	(tag) =	ssettag $0x0;
	lr =	simm.s32 $0x1  }
0x2: {  	[smem:$0x3F9B] =	sst lr;
	_ =	strace $0xD0000000  }
0x3: {  	_ = 	snop  }
0x4: {  	_ = 	snop  }
0x5: {  	_ = 	snop  }
0x6: {  	_ = 	snop  }
0x7: {  	_ = 	snop  }
__scs_overlays_trampoline_lowered:
0x8: {  	[smem:$0x3FAA] =	sst s0  }
0x9: {  	[smem:$0x3FAB] =	sst s1  }
0xa: {  	[smem:$0x3FAC] =	sst s2  }
0xb: {  	[smem:$0x3FAD] =	sst s3  }
0xc: {  	[smem:$0x3FAE] =	sst s4  }
0xd: {  	[smem:$0x3FAF] =	sst s5  }
0xe: {  	[smem:$0x3FB0] =	sst s6  }
0xf: {  	[smem:$0x3FB1] =	sst s7  }
0x10: {  	[smem:$0x3FB2] =	sst s8  }
0x11: {  	[smem:$0x3FB3] =	sst s9;
	s0 =	simm.s32 @!p0 $0x0  }
0x12: {  	s1 =	sld [smem:$0x3F99];
	s0 =	simm.s32 @p0 $0x1  }
0x13: {  	[smem:$0x3FB4] =	sst s0;
	s0 =	simm.s32 @!p1 $0x0  }
0x14: {  	s2 =	sld [smem:$0x3F98];
	s0 =	simm.s32 @p1 $0x1  }
0x15: {  	[smem:$0x3FB5] =	sst s0;
	s0 =	simm.s32 @!p2 $0x0  }
0x16: {  	s3 =	sld [smem:$0x3FDB];
	s0 =	simm.s32 @p2 $0x1  }
0x17: {  	s4 =	simm.s32 $0x1BF5;
	[smem:$0x3FB7] =	sst s0  }
0x18: {  	s0 =	sld [smem:$0x3F9A];
	_ =	swait.ge [sflag:s4], $0x0  }
0x19: {  	s7 =	sld [smem:$0x3F9B]  }
0x1a: {  	s8 =	sadd.s32 $0xFFFFE003, lr  }
0x1b: {  	s9 =	sadd.s32 $0xFFFFFEF7, lr;
	s5 =	simm.s32 $0xFFFFFFFF;
	p2 =	slt.u32 s8, $0xFFFFF086  }
0x1c: {  	p1 =	slt.u32 s9, $0xF7A;
	s5 =	simm.s32 @!p2 $0x0  }
0x1d: {  	s5 =	simm.s32 @p1 $0x1;
	p0 =	seq.s32 s7, s2  }
0x1e: {  	s7 =	smul.u32 @!p0 $0xF7A, s2;
	p2 =	seq.s32 @!p0 s5, $0x0  }
0x1f: {  	s9 =	smul.u32 $0xF7A, s1;
	s8 =	simm.s32 @!p0 $0x1BF5;
	p2 =	por !p2, p0  }
0x20: {  	[sflag:s8] =	ssyncset.s32 @!p0 $0xFFFFF086;
	s6 =	sadd.s32 @!p0 s3, s7;
	s7 =	simm.s32 @!p0 $0x108  }
0x21: {  	s3 =	sadd.s32 s3, s9;
	s6 =	sadd.s32 @!p0 $0x88, s6;
	s7 =	simm.s32 @p2 $0x1082  }
0x22: {  	[simem:s7], [sflag:s8] =	dma.local @!p0 [hbm:s6], $0xF7A  }
0x23: {  	s9 =	sor.u32 $0xD0000000, s2;
	s6 =	simm.s32 $0x108;
	_ =	swait.ge @!p0 [sflag:s8], $0x0  }
0x24: {  	s3 =	sadd.s32 $0x88, s3;
	s6 =	simm.s32 @!p1 $0x1082;
	[sflag:s4] =	ssyncset.s32 $0xFFFFF086  }
0x25: {  	[simem:s6], [sflag:s4] =	dma.local [hbm:s3], $0xF7A  }
0x26: {  	[smem:$0x3F9B] =	sst s1;
	(tag) =	ssettag s2;
	_ =	strace s9  }
0x27: {  	s1 =	sld [smem:$0x3FAB]  }
0x28: {  	s2 =	sld [smem:$0x3FAC]  }
0x29: {  	s4 =	sld [smem:$0x3FAE]  }
0x2a: {  	p0 =	seq.s32 s5, $0x0;
	s5 =	sld [smem:$0x3FAF]  }
0x2b: {  	s6 =	sld [smem:$0x3FB0]  }
0x2c: {  	s7 =	sld [smem:$0x3FB1]  }
0x2d: {  	s3 =	simm.s32 $0x108;
	s8 =	sld [smem:$0x3FB2]  }
0x2e: {  	s3 =	simm.s32 @!p0 $0x1082;
	s9 =	sld [smem:$0x3FB3]  }
0x2f: {  	lr =	sadd.s32 s0, s3;
	s0 =	sld [smem:$0x3FAA]  }
0x30: {  	s3 =	sld [smem:$0x3FAD]  }
0x31: {  	[smem:$0x3FB6] =	sst s10  }
0x32: {  	s10 =	sld [smem:$0x3FB4];
	_ =	sdelay $0x3  }
0x33: {  	p0 =	seq.s32 s10, $0x1;
	s10 =	sld [smem:$0x3FB6];
	_ =	sdelay $0x3  }
0x34: {  	[smem:$0x3FB6] =	sst s10  }
0x35: {  	s10 =	sld [smem:$0x3FB5];
	_ =	sdelay $0x3  }
0x36: {  	p1 =	seq.s32 s10, $0x1;
	s10 =	sld [smem:$0x3FB6];
	_ =	sdelay $0x3  }
0x37: {  	[smem:$0x3FB6] =	sst s10  }
0x38: {  	s10 =	sld [smem:$0x3FB7]  }
0x39: {  	_ = 	snop;
	(pc) =	sbr.ind lr, $3  }
0x3a: {  	_ = 	snop  }
0x3b: {  	_ = 	snop  }
0x3c: {  	p2 =	seq.s32 s10, $0x1;
	s10 =	sld [smem:$0x3FB6]  }
0x3d: {  	_ =	shalt  }
0x3e: {  	_ =	shalt  }
0x3f: {  	_ =	shalt  }
0x40: {  	_ =	shalt  }
0x41: {  	_ =	shalt  }
0x42: {  	_ =	shalt  }
0x43: {  	_ =	shalt  }
0x44: {  	_ =	shalt  }
0x45: {  	_ =	shalt  }
0x46: {  	_ =	shalt  }
0x47: {  	_ =	shalt  }
0x48: {  	_ =	shalt  }
0x49: {  	_ =	shalt  }
0x4a: {  	_ =	shalt  }
0x4b: {  	_ =	shalt  }
0x4c: {  	_ =	shalt  }
0x4d: {  	_ =	shalt  }
0x4e: {  	_ =	shalt  }
0x4f: {  	_ =	shalt  }
0x50: {  	_ =	shalt  }
0x51: {  	_ =	shalt  }
0x52: {  	_ =	shalt  }
0x53: {  	_ =	shalt  }
0x54: {  	_ =	shalt  }
0x55: {  	_ =	shalt  }
0x56: {  	_ =	shalt  }
0x57: {  	_ =	shalt  }
0x58: {  	_ =	shalt  }
0x59: {  	_ =	shalt  }
0x5a: {  	_ =	shalt  }
0x5b: {  	_ =	shalt  }
0x5c: {  	_ =	shalt  }
0x5d: {  	_ =	shalt  }
0x5e: {  	_ =	shalt  }
0x5f: {  	_ =	shalt  }
0x60: {  	_ =	shalt  }
0x61: {  	_ =	shalt  }
0x62: {  	_ =	shalt  }
0x63: {  	_ =	shalt  }
0x64: {  	_ =	shalt  }
0x65: {  	_ =	shalt  }
0x66: {  	_ =	shalt  }
0x67: {  	_ =	shalt  }
0x68: {  	_ =	shalt  }
0x69: {  	_ =	shalt  }
0x6a: {  	_ =	shalt  }
0x6b: {  	_ =	shalt  }
0x6c: {  	_ =	shalt  }
0x6d: {  	_ =	shalt  }
0x6e: {  	_ =	shalt  }
0x6f: {  	_ =	shalt  }
0x70: {  	_ =	shalt  }
0x71: {  	_ =	shalt  }
0x72: {  	_ =	shalt  }
0x73: {  	_ =	shalt  }
0x74: {  	_ =	shalt  }
0x75: {  	_ =	shalt  }
0x76: {  	_ =	shalt  }
0x77: {  	_ =	shalt  }
0x78: {  	_ =	shalt  }
0x79: {  	_ =	shalt  }
0x7a: {  	_ =	shalt  }
0x7b: {  	_ =	shalt  }
0x7c: {  	_ =	shalt  }
0x7d: {  	_ =	shalt  }
0x7e: {  	_ =	shalt  }
0x7f: {  	_ =	shalt  }
0x80: {  	_ =	shalt  }
0x81: {  	_ =	shalt  }
0x82: {  	_ =	shalt  }
0x83: {  	_ =	shalt  }
0x84: {  	_ =	shalt  }
0x85: {  	_ =	shalt  }
0x86: {  	_ =	shalt  }
0x87: {  	_ =	shalt  }
.Lfunc_end0:
.L_simem_size_0:
called_computation_lowered:
.L_overlay_start_0:
0x88: {  	s2 =	sld [smem:$0x3FD9]  }
0x89: {  	s3 =	sld [smem:$0x3FFE];
	_ =	sdelay $0x1  }
0x8a: {  	s1 =	srdreg.scid  }
0x8b: {  	s0 =	sand.u32 $0x1, s1  }
0x8c: {  	s17 =	sshll.u32 s0, $0xA;
	s2 =	sadd.s32 s3, s2  }
0x8d: {  	s2 =	sadd.s32 s2, s17  }
0x8e: {  	[smem:$0x3FC2] =	sst s2  }
0x8f: {  	_ = 	snop  }
0x90: {  	s2 =	sld [smem:$0x3FD0];
	(tm) =	ssettm $0x1  }
0x91: {  	s18 =	sld [smem:$0x3FFB];
	_ =	sdelay $0x3  }
0x92: {  	_ =	strace s18  }
0x93: {  	s3 =	sld [smem:$0x3FFC];
	_ =	sdelay $0x3  }
0x94: {  	_ =	strace s3  }
0x95: {  	s3 =	sld [smem:$0x3FFD];
	_ =	sdelay $0x3  }
0x96: {  	_ =	strace s3  }
0x97: {  	_ =	strace $0x8FFFFFFF  }
0x98: {  	s19 =	sld [smem:$0x3FDB];
	_ =	sdelay $0x1  }
0x99: {  	s4 =	simm.s32 $_scs_section_size  }
0x9a: {  	s5 =	simm.s32 $_size__tile_overlayer_lowered;
	s6 =	simm.s32 $_tile_overlayer_lowered  }
0x9b: {  	s22 =	simm.s32 $0x1BFF;
	s21 =	sshll.u32 s6, $0x1;
	s3 =	sadd.s32 s4, s19  }
0x9c: {  	s7 =	simm.s32 $0x0;
	s20 =	sshll.u32 s5, $0x1;
	s5 =	sadd.s32 s21, s3  }
0x9d: {  	[timem:s7], [sflag:s22] =	dma.local [hbm:s5], s20  }
0x9e: {  	_ =	swait.ge [sflag:s22], s20  }
0x9f: {  	s4 =	ssub.s32 $0x0, s20;
	[sflag:s22] =	ssyncset.done $0x0  }
0xa0: {  	[sflag:s22] =	ssyncadd.s32 s4;
	_ =	sdelay $0x1  }
0xa1: {  	s23 =	simm.s32 $0x1B8B  }
0xa2: {  	_ =	swait.ge [sflag:s23], $0x1  }
0xa3: {  	[sflag:s23] =	ssyncset.done $0x0  }
0xa4: {  	s25 =	simm.s32 $0x1B8E;
	s24 =	sld [smem:$0x3FFE];
	[sflag:s23] =	ssyncadd.s32 $0xFFFFFFFF  }
0xa5: {  	s26 =	simm.s32 $execute0_lowered;
	[smem:$0x3FD2] =	sst s25  }
0xa6: {  	s5 =	sshll.u32 s26, $0x1;
	_ =	strace $0x80000046;
	[dreg:$0x1] =	wrdreg $0xFFFFFFFF  }
0xa7: {  	s28 =	simm.s32 $_size_execute0_lowered;
	s3 =	sadd.s32 s3, s5;
	[dreg:$0x0] =	wrdreg $0x0  }
0xa8: {  	s5 =	sshll.u32 s28, $0x1;
	[dreg:$0x2] =	wrdreg s3  }
0xa9: {  	[dreg:$0x3] =	wrdreg s5  }
0xaa: {  	[dreg:$0x4] =	wrdreg $0xC0  }
0xab: {  	_ =	task [dreg:s7], $0x5FFFF  }
0xac: {  	[dreg:$0x1] =	wrdreg $0xFFFFFFFF  }
0xad: {  	[dreg:$0x0] =	wrdreg $0x60  }
0xae: {  	[dreg:$0x2] =	wrdreg s2  }
0xaf: {  	[dreg:$0x3] =	wrdreg s24  }
0xb0: {  	[dreg:$0x4] =	wrdreg $0xD0000  }
0xb1: {  	[dreg:$0x5] =	wrdreg $0x9  }
0xb2: {  	_ =	task.clear_ibuf [dreg:s7], $0x6FFFF;
	_ =	strace $0x90000046  }
0xb3: {  	s29 =	simm.s32 $0x9;
	_ =	strace $0x80000048  }
0xb4: {  	_ =	swait.ge [sflag:s29], $0x1  }
0xb5: {  	[sflag:s29] =	ssyncadd.s32 $0xFFFFFFFF  }
0xb6: {  	_ =	strace $0x90000048  }
0xb7: {  	_ =	sfence  }
0xb8: {  	s30 =	sld [smem:$0x0];
	_ =	sdelay $0x2  }
0xb9: {  	s31 =	sshll.u32 s1, $0xD;
	s1 =	sshrl.u32 s1, $0x2  }
0xba: {  	s3 =	sand.u32 $0x4000, s31;
	s1 =	sadd.s32 s1, s30  }
0xbb: {  	s0 =	sor.u32 s3, s0;
	s1 =	sshll.u32 s1, $0x11  }
0xbc: {  	s0 =	sor.u32 s1, s0  }
0xbd: {  	s0 =	sadd.s32 $0x8F2B, s0  }
0xbe: {  	[sflag:s0] =	ssyncadd.remote.s32 $0x1  }
0xbf: {  	_ =	sfence.sel $0xFFFF  }
0xc0: {  	[dreg:$0x0] =	wrdreg $0xFFFFFFFF;
	(pc) =	sbr.abs _section_cstart, $3  }
0xc1: {  	[dreg:$0x1] =	wrdreg $0xFFFFFFFF  }
0xc2: {  	_ =	task.clear_ibuf [dreg:s7], $0x2FFFF;
	_ =	strace $0x9FFFFFFF  }
0xc3: {  	(tm) =	ssettm $0x7FFFFFFF  }
tec
execute0_lowered:
.L_overlay_start_1:
0x0: {  	(tag) =	ssettag $0x1  }
0x1: {  	s6 =	rddreg [dreg:$0x0]  }
0x2: {  	s7 =	rddreg [dreg:$0x1]  }
0x3: {  	s1 =	rddreg [dreg:$0x2];
	s3 =	srdreg.scid  }
0x4: {  	s0 =	rddreg [dreg:$0x3];
	s8 =	sand.u32 $0x1, s3  }
0x5: {  	s2 =	simm.s32 $0x0;
	s3 =	stileid.u32;
	s9 =	smul.u32 $0x18000, s8  }
0x6: {  	s16 =	simm.s32 $0x180;
	s17 =	simm.s32 $0x1;
	s10 =	smul.u32 $0xA00, s3  }
0x7: {  	s18 =	simm.s32 $0x2;
	s19 =	simm.s32 $0x3;
	s12 =	smul.u32 $0xFFFFF95C, s8  }
0x8: {  	s20 =	simm.s32 $0x4;
	[smem:$0x7FF] =	sst s2;
	s14 =	smul.u32 $0x30000, s3  }
0x9: {  	s4 =	sadd.s32 $0x2600, s7;
	s5 =	sadd.s32 $0x1E00, s7;
	s29 =	smul.u32 $0x90, s8  }
0xa: {  	_ =	strace $0x80000047;
	s11 =	ssub.s32 $0x2, s8;
	s22 =	smul.u32 $0x1770, s8  }
0xb: {  	s25 =	smul.u32 $0x1800, s3;
	s31 =	sshll.u32 s3, $0x6;
	s13 =	sshrl.u32 s11, $0x1  }
0xc: {  	s15 =	sadd.s32 s9, s7;
	s11 =	ssub.s32 s11, s13;
	s6 =	sadd.s32 s6, s10  }
0xd: {  	s28 =	sadd.s32 s3, s12;
	s30 =	sshrl.u32 s14, $0x2;
	s24 =	sadd.s32 $0x1770, s29  }
0xe: {  	s12 =	simm.s32 $0x5000;
	s13 =	simm.s32 $0x9000;
	s14 =	simm.s32 $0x80  }
0xf: {  	v0 =	vmov s22;
	s22 =	sor.u32 $0x1C05, s31;
	s23 =	sadd.s32 $0x1770, s28;
	s7 =	sadd.s32 s30, s1  }
0x10: {  	s21 =	sadd.s32 $0x2E00, s15;
	s10 =	smax.u32 s11, $0x1;
	s11 =	simm.s32 $0x5  }
0x11: {  	s15 =	simm.s32 $0x100;
	v1 =	vmov s24;
	s24 =	simm.s32 $0x0;
	s8 =	sadd.s32 $0x4000, s7  }
0x12: {  	s9 =	sadd.s32 $0x8000, s7;
	s21 =	sadd.s32 s25, s21;
	v2 =	vmov s23;
	s23 =	sshrl.u32 s7, $0x3  }
.LBB2_1:
0x13: {  	[tilespmem:s2], [sflag:$0x5] =	stream.linear.gather [hbm4b:s6+s2], $0x5000, $0x38;
	[tilespmem:$0xE800] =	vst v63  }
0x14: {  	_ =	swait.ge [sflag:s11], $0x5000  }
0x15: {  	[sflag:s11] =	ssyncset.done $0x0  }
0x16: {  	s25 =	simm.s32 $0x0;
	[sflag:s11] =	ssyncadd.s32 $0xFFFFB000  }
0x17: {  	v3 =	vld [tilespmem:s25+$0x0]  }
0x18: {  	v8 =	vld [tilespmem:s25+$0x10]  }
0x19: {  	v7 =	vld [tilespmem:s25+$0x20]  }
0x1a: {  	v6 =	vld [tilespmem:s25+$0x30]  }
0x1b: {  	v5 =	vld [tilespmem:s25+$0x40]  }
0x1c: {  	v4 =	vld [tilespmem:s25+$0x50];
	v9 =	vsub.s32 v3, v0  }
0x1d: {  	s26 =	simm.s32 $0x200;
	v8 =	vsub.s32 v8, v0;
	v3 =	vld [tilespmem:s25+$0x60];
	vm0 =	vlt.u32 v9, v1  }
.LBB2_2:
0x1e: {  	p0 =	sne.s32 s26, $0x13E00;
	v9 =	vsel vm0, v9, v2;
	vm0 =	vlt.u32 v8, v1;
	v7 =	vsub.s32 v7, v0;
	v10 =	vld [tilespmem:s25+$0x70]  }
0x1f: {  	s28 =	sshra.s32 s26, $0x2;
	[tilespmem:s25+$0x0] =	vst v9;
	v8 =	vsel vm0, v8, v2;
	vm0 =	vlt.u32 v7, v1;
	v6 =	vsub.s32 v6, v0  }
0x20: {  	v9 =	vld [tilespmem:s28+$0x0];
	[tilespmem:s25+$0x10] =	vst v8;
	v7 =	vsel vm0, v7, v2;
	vm0 =	vlt.u32 v6, v1;
	v5 =	vsub.s32 v5, v0  }
0x21: {  	v8 =	vld [tilespmem:s28+$0x10];
	[tilespmem:s25+$0x20] =	vst v7;
	v6 =	vsel vm0, v6, v2;
	vm0 =	vlt.u32 v5, v1;
	v4 =	vsub.s32 v4, v0  }
.Ltmp0:
0x22: {  	v7 =	vld [tilespmem:s28+$0x20];
	[tilespmem:s25+$0x30] =	vst v6;
	v5 =	vsel vm0, v5, v2;
	vm0 =	vlt.u32 v4, v1;
	v3 =	vsub.s32 v3, v0;
	(pc) =	sbr.rel @p0 .LBB2_2-.Ltmp0, $4  }
0x23: {  	v6 =	vld [tilespmem:s28+$0x30];
	[tilespmem:s25+$0x40] =	vst v5;
	v4 =	vsel vm0, v4, v2;
	vm0 =	vlt.u32 v3, v1;
	v10 =	vsub.s32 v10, v0  }
0x24: {  	v5 =	vld [tilespmem:s28+$0x40];
	[tilespmem:s25+$0x50] =	vst v4;
	v3 =	vsel vm0, v3, v2;
	vm0 =	vlt.u32 v10, v1  }
0x25: {  	v9 =	vsub.s32 v9, v0;
	v4 =	vld [tilespmem:s28+$0x50];
	[tilespmem:s25+$0x60] =	vst v3;
	v10 =	vsel vm0, v10, v2  }
0x26: {  	s26 =	sadd.s32 $0x200, s26;
	vm0 =	vlt.u32 v9, v1;
	v8 =	vsub.s32 v8, v0;
	v3 =	vld [tilespmem:s28+$0x60];
	[tilespmem:s25+$0x70] =	vst v10;
	s25 =	smov.u32 s28  }
0x27: {  	v9 =	vsel vm0, v9, v2;
	vm9 =	vlt.u32 v8, v1;
	v7 =	vsub.s32 v7, v0;
	v10 =	vld [tilespmem:s25+$0x70]  }
0x28: {  	[tilespmem:s25+$0x0] =	vst v9;
	v8 =	vsel vm9, v8, v2;
	vm10 =	vlt.u32 v7, v1;
	v6 =	vsub.s32 v6, v0  }
0x29: {  	[tilespmem:s25+$0x10] =	vst v8;
	v7 =	vsel vm10, v7, v2;
	vm11 =	vlt.u32 v6, v1;
	v5 =	vsub.s32 v5, v0  }
0x2a: {  	[tilespmem:s25+$0x20] =	vst v7;
	v6 =	vsel vm11, v6, v2;
	vm12 =	vlt.u32 v5, v1;
	v4 =	vsub.s32 v4, v0  }
0x2b: {  	[tilespmem:s25+$0x30] =	vst v6;
	v5 =	vsel vm12, v5, v2;
	vm13 =	vlt.u32 v4, v1;
	v3 =	vsub.s32 v3, v0  }
0x2c: {  	[tilespmem:s25+$0x40] =	vst v5;
	v4 =	vsel vm13, v4, v2;
	vm14 =	vlt.u32 v3, v1;
	v63 =	vsub.s32 v10, v0  }
0x2d: {  	[tilespmem:s25+$0x50] =	vst v4;
	v3 =	vsel vm14, v3, v2;
	vm15 =	vlt.u32 v63, v1  }
0x2e: {  	[tilespmem:s25+$0x60] =	vst v3;
	v3 =	vsel vm15, v63, v2  }
0x2f: {  	[tilespmem:s25+$0x70] =	vst v3  }
0x30: {  	[tilespmem:s12], [sflag:$0x5] =	stream.linear.gather [hbm4b:s4+s2], $0x4000, $0x38;
	[tilespmem:$0xE800] =	vst v63  }
0x31: {  	_ =	swait.ge [sflag:s11], $0x4000  }
0x32: {  	[sflag:s11] =	ssyncset.done $0x0  }
0x33: {  	[sflag:s11] =	ssyncadd.s32 $0xFFFFC000  }
0x34: {  	[tilespmem:s13], [sflag:$0x5] =	stream.linear.gather [hbm4b:s5+s2], $0x4000, $0x38;
	[tilespmem:$0xE800] =	vst v63  }
0x35: {  	_ =	swait.ge [sflag:s11], $0x4000  }
0x36: {  	[sflag:s11] =	ssyncset.done $0x0  }
0x37: {  	[sflag:s11] =	ssyncadd.s32 $0xFFFFC000  }
0x38: {  	[spmem:s7] =	stream.linear.scatter [tilespmem:s13], [sflag:$0x5], $0x4000, $0x38;
	[tilespmem:$0xE800] =	vst v63  }
0x39: {  	_ =	swait.ge [sflag:s11], $0x4000  }
0x3a: {  	[sflag:s11] =	ssyncset.done $0x0  }
0x3b: {  	[sflag:s11] =	ssyncadd.s32 $0xFFFFC000  }
0x3c: {  	[spmem:s8] =	stream.linear.scatter [tilespmem:s13], [sflag:$0x5], $0x4000, $0x38;
	[tilespmem:$0xE800] =	vst v63  }
0x3d: {  	_ =	swait.ge [sflag:s11], $0x4000  }
0x3e: {  	[sflag:s11] =	ssyncset.done $0x0  }
0x3f: {  	[sflag:s11] =	ssyncadd.s32 $0xFFFFC000  }
0x40: {  	[spmem:s9] =	stream.linear.scatter [tilespmem:s13], [sflag:$0x5], $0x4000, $0x38;
	[tilespmem:$0xE800] =	vst v63  }
0x41: {  	_ =	swait.ge [sflag:s11], $0x4000  }
0x42: {  	[sflag:s11] =	ssyncset.done $0x0  }
0x43: {  	[sflag:s11] =	ssyncadd.s32 $0xFFFFC000  }
0x44: {  	[bflag:$0x0] =	sbarrier.arrive $0xFFFF  }
0x45: {  	[spmem:s1] =	stream.indirect.scatter.add.f32 [tilespmem:s12], [sflag:$0x1], $0x10, s2, s14, $0xb8;
	[tilespmem:$0xE800] =	vst v63  }
0x46: {  	_ = 	snop  }
0x47: {  	[spmem:s1] =	stream.indirect.scatter.add.f32 [tilespmem:s12], [sflag:$0x2], $0x10, s14, s14, $0xb8;
	[tilespmem:$0xE800] =	vst v63  }
0x48: {  	_ = 	snop  }
0x49: {  	[spmem:s1] =	stream.indirect.scatter.add.f32 [tilespmem:s12], [sflag:$0x3], $0x10, s15, s14, $0xb8;
	[tilespmem:$0xE800] =	vst v63  }
0x4a: {  	_ = 	snop  }
0x4b: {  	[spmem:s1] =	stream.indirect.scatter.add.f32 [tilespmem:s12], [sflag:$0x4], $0x10, s16, s14, $0xb8;
	[tilespmem:$0xE800] =	vst v63  }
0x4c: {  	_ =	swait.ge [sflag:s17], $0x800  }
0x4d: {  	[sflag:s17] =	ssyncset.done $0x0  }
0x4e: {  	s29 =	simm.s32 $0x200;
	[sflag:s17] =	ssyncadd.s32 $0xFFFFF800  }
0x4f: {  	[spmem:s1] =	stream.indirect.scatter.add.f32 [tilespmem:s12], [sflag:$0x1], $0x10, s29, s14, $0xb8;
	[tilespmem:$0xE800] =	vst v63  }
0x50: {  	_ =	swait.ge [sflag:s18], $0x800  }
0x51: {  	[sflag:s18] =	ssyncset.done $0x0  }
0x52: {  	s30 =	simm.s32 $0x280;
	[sflag:s18] =	ssyncadd.s32 $0xFFFFF800  }
0x53: {  	[spmem:s1] =	stream.indirect.scatter.add.f32 [tilespmem:s12], [sflag:$0x2], $0x10, s30, s14, $0xb8;
	[tilespmem:$0xE800] =	vst v63  }
0x54: {  	_ =	swait.ge [sflag:s19], $0x800  }
0x55: {  	[sflag:s19] =	ssyncset.done $0x0  }
0x56: {  	s31 =	simm.s32 $0x300;
	[sflag:s19] =	ssyncadd.s32 $0xFFFFF800  }
0x57: {  	[spmem:s1] =	stream.indirect.scatter.add.f32 [tilespmem:s12], [sflag:$0x3], $0x10, s31, s14, $0xb8;
	[tilespmem:$0xE800] =	vst v63  }
0x58: {  	_ =	swait.ge [sflag:s20], $0x800  }
0x59: {  	[sflag:s20] =	ssyncset.done $0x0  }
0x5a: {  	s26 =	simm.s32 $0x380;
	s25 =	simm.s32 $0xFFFED000;
	[sflag:s20] =	ssyncadd.s32 $0xFFFFF800  }
.LBB2_4:
0x5b: {  	[spmem:s1] =	stream.indirect.scatter.add.f32 [tilespmem:s12], [sflag:$0x4], $0x10, s26, s14, $0xb8;
	[tilespmem:$0xE800] =	vst v63  }
0x5c: {  	s26 =	smov.u32 s25  }
0x5d: {  	p0 =	sne.s32 s25, $0xFFFFF800;
	s25 =	sadd.s32 $0x800, s25;
	_ =	swait.ge [sflag:s17], $0x800  }
0x5e: {  	s26 =	sshra.s32 s26, $0x2;
	[sflag:s17] =	ssyncset.done $0x0  }
0x5f: {  	s28 =	sadd.s32 $0x5000, s26;
	[sflag:s17] =	ssyncadd.s32 $0xFFFFF800  }
0x60: {  	[spmem:s1] =	stream.indirect.scatter.add.f32 [tilespmem:s12], [sflag:$0x1], $0x10, s28, s14, $0xb8;
	[tilespmem:$0xE800] =	vst v63  }
0x61: {  	_ =	swait.ge [sflag:s18], $0x800  }
0x62: {  	[sflag:s18] =	ssyncset.done $0x0  }
0x63: {  	s28 =	sadd.s32 $0x5080, s26;
	[sflag:s18] =	ssyncadd.s32 $0xFFFFF800  }
0x64: {  	[spmem:s1] =	stream.indirect.scatter.add.f32 [tilespmem:s12], [sflag:$0x2], $0x10, s28, s14, $0xb8;
	[tilespmem:$0xE800] =	vst v63  }
0x65: {  	_ =	swait.ge [sflag:s19], $0x800  }
0x66: {  	[sflag:s19] =	ssyncset.done $0x0  }
.Ltmp1:
0x67: {  	s28 =	sadd.s32 $0x5100, s26;
	[sflag:s19] =	ssyncadd.s32 $0xFFFFF800;
	(pc) =	sbr.rel @p0 .LBB2_4-.Ltmp1, $4  }
0x68: {  	[spmem:s1] =	stream.indirect.scatter.add.f32 [tilespmem:s12], [sflag:$0x3], $0x10, s28, s14, $0xb8;
	[tilespmem:$0xE800] =	vst v63  }
0x69: {  	_ =	swait.ge [sflag:s20], $0x800  }
0x6a: {  	[sflag:s20] =	ssyncset.done $0x0  }
0x6b: {  	s26 =	sadd.s32 $0x5180, s26;
	[sflag:s20] =	ssyncadd.s32 $0xFFFFF800  }
0x6c: {  	[spmem:s1] =	stream.indirect.scatter.add.f32 [tilespmem:s12], [sflag:$0x4], $0x10, s26, s14, $0xb8;
	[tilespmem:$0xE800] =	vst v63  }
0x6d: {  	_ =	swait.ge [sflag:s17], $0x800  }
0x6e: {  	[sflag:s17] =	ssyncset.done $0x0  }
0x6f: {  	[sflag:s17] =	ssyncadd.s32 $0xFFFFF800  }
0x70: {  	_ =	swait.ge [sflag:s18], $0x800  }
0x71: {  	[sflag:s18] =	ssyncset.done $0x0  }
0x72: {  	[sflag:s18] =	ssyncadd.s32 $0xFFFFF800  }
0x73: {  	_ =	swait.ge [sflag:s19], $0x800  }
0x74: {  	[sflag:s19] =	ssyncset.done $0x0  }
0x75: {  	[sflag:s19] =	ssyncadd.s32 $0xFFFFF800  }
0x76: {  	_ =	swait.ge [sflag:s20], $0x800  }
0x77: {  	s24 =	sadd.s32 $0x1, s24;
	[sflag:s20] =	ssyncset.done $0x0  }
0x78: {  	p0 =	sne.s32 s24, s10;
	[sflag:s20] =	ssyncadd.s32 $0xFFFFF800  }
.Ltmp2:
0x79: {  	[bflag:$0x0] =	sbarrier.arrive $0xFFFF;
	(pc) =	sbr.rel @p0 .LBB2_1-.Ltmp2, $4  }
0x7a: {  	[hbm:s21], [sflag:s22] =	dma.local [spmem:s23], $0x1800  }
0x7b: {  	_ =	swait.ge [sflag:s11], $0x1800  }
0x7c: {  	[sflag:s11] =	ssyncset.done $0x0  }
0x7d: {  	[sflag:s11] =	ssyncadd.s32 $0xFFFFE800  }
0x7e: {  	_ =	sfence.sel $0x180000  }
0x7f: {  	[bflag:$0x0] =	sbarrier.arrive $0xFFFF  }
0x80: {  	p0 =	sne.s32 s3, $0x0;
	_ =	strace $0x90000047  }
0x81: {  	s0 =	sadd.s32 @!p0 $0x100000, s0;
	[bflag:$0x2] =	sbarrier.arrive $0xFFFF  }
0x82: {  	[sflag:s0] =	ssyncadd.tile.s32 @!p0 $0x1;
	_ =	shalt  }
.Lfunc_end2:
_tile_overlayer_lowered:
.L_overlay_start_2:
0x83: {  	(tag) =	ssettag $0x2  }
0x84: {  	s0 =	rddreg [dreg:$0x0];
	s2 =	stileid.u32  }
0x85: {  	s1 =	rddreg [dreg:$0x1];
	p0 =	sne.s32 s2, $0x0  }
0x86: {  	s3 =	rddreg [dreg:$0x2];
	[bflag:$0x3] =	sbarrier.arrive $0xFFFF;
	s2 =	simm.s32 @!p0 $0x1C05  }
0x87: {  	[timem:s3], [sflag:s2] =	dma.local @!p0 [hbm:s0], s1  }
0x88: {  	s0 =	simm.s32 @!p0 $0x5  }
0x89: {  	_ =	swait.ge @!p0 [sflag:s0], s1  }
0x8a: {  	s1 =	ssub.s32 @!p0 $0x0, s1;
	[sflag:s0] =	ssyncset.done @!p0 $0x0  }
0x8b: {  	[sflag:s0] =	ssyncadd.s32 @!p0 s1  }
0x8c: {  	[bflag:$0x3] =	sbarrier.arrive $0xFFFF  }
0x8d: {  	_ =	shalt  }

</sc_bundles>
